<compile_context>
chip_gen: v7x
topology: tpu7x:2x2x1
jax: 0.10.2.dev20260603
libtpu: 0.0.44.dev20260713+nightly
codegen_flags: <defaults>
</compile_context>

<pallas_src>
import functools
import jax
import jax.numpy as jnp
from jax import lax
from jax.experimental import pallas as pl
from jax.experimental.pallas import tpu as pltpu
from jax.experimental.pallas import tpu_sc as plsc

NC = 2
NS = 16
NW = NC * NS
CHUNK = 128
IBLK = 1

N = 10000
D = 128
NPAD = 10240
ROWS_PER_TILE = NPAD // NS
DEGW = 128


def _mesh():
    return plsc.VectorSubcoreMesh(
        core_axis_name="c", subcore_axis_name="s", num_cores=NC, num_subcores=NS
    )


def _deg_body(nchunks, dst_hbm, out_hbm, idx_d, buf_v, deg_sh):
    c = lax.axis_index("c")
    s = lax.axis_index("s")
    wid = s * NC + c

    def fill(val):
        def body(r, _):
            for k in range(DEGW // 16):
                buf_v[r, pl.ds(k * 16, 16)] = jnp.full((16,), val, jnp.float32)
            return _
        lax.fori_loop(0, CHUNK, body, None)

    fill(0.0)
    for i in range(ROWS_PER_TILE // CHUNK):
        pltpu.sync_copy(buf_v, deg_sh.at[pl.ds(s * ROWS_PER_TILE + i * CHUNK, CHUNK)])
    fill(1.0)
    plsc.subcore_barrier()

    pltpu.sync_copy(dst_hbm.at[wid], idx_d)

    def step(j, _):
        pltpu.sync_copy(buf_v, deg_sh.at[idx_d.at[j]], add=True)
        return _

    lax.fori_loop(0, nchunks, step, None)
    plsc.subcore_barrier()

    for i in range(ROWS_PER_TILE // CHUNK):
        base = s * ROWS_PER_TILE + i * CHUNK
        pltpu.sync_copy(deg_sh.at[pl.ds(base, CHUNK)], buf_v)
        pltpu.sync_copy(buf_v, out_hbm.at[c, pl.ds(base, CHUNK)])


def _sc_deg(dst_p):
    nchunks = dst_p.shape[1]
    body = functools.partial(_deg_body, nchunks)
    return pl.kernel(
        body,
        out_type=jax.ShapeDtypeStruct((NC, NPAD, DEGW), jnp.float32),
        mesh=_mesh(),
        scratch_types=[
            pltpu.VMEM((nchunks, CHUNK), jnp.int32),
            pltpu.VMEM((CHUNK, DEGW), jnp.float32),
            pltpu.VMEM_SHARED((NPAD, DEGW), jnp.float32),
        ],
    )(dst_p)


def _agg_body(nchunks, g_hbm, src_hbm, dst_hbm, out_hbm,
              idx_s, idx_d, rows_v, agg_sh, sem):
    c = lax.axis_index("c")
    s = lax.axis_index("s")
    wid = s * NC + c

    def init(r, _):
        for k in range(D // 16):
            rows_v[r, pl.ds(k * 16, 16)] = jnp.zeros((16,), jnp.float32)
        return _

    lax.fori_loop(0, CHUNK, init, None)
    for i in range(ROWS_PER_TILE // CHUNK):
        pltpu.sync_copy(rows_v, agg_sh.at[pl.ds(s * ROWS_PER_TILE + i * CHUNK, CHUNK)])
    plsc.subcore_barrier()

    pltpu.sync_copy(src_hbm.at[wid], idx_s)
    pltpu.sync_copy(dst_hbm.at[wid], idx_d)

    def step(j, _):
        pltpu.async_copy(g_hbm.at[idx_s.at[j]], rows_v, sem).wait()
        pltpu.sync_copy(rows_v, agg_sh.at[idx_d.at[j]], add=True)
        return _

    lax.fori_loop(0, nchunks, step, None)
    plsc.subcore_barrier()

    for i in range(ROWS_PER_TILE // CHUNK):
        base = s * ROWS_PER_TILE + i * CHUNK
        pltpu.sync_copy(agg_sh.at[pl.ds(base, CHUNK)], rows_v)
        pltpu.sync_copy(rows_v, out_hbm.at[c, pl.ds(base, CHUNK)])


def _sc_agg(g, src_p, dst_p):
    nchunks = src_p.shape[1]
    body = functools.partial(_agg_body, nchunks)
    return pl.kernel(
        body,
        out_type=jax.ShapeDtypeStruct((NC, NPAD, D), jnp.float32),
        mesh=_mesh(),
        scratch_types=[
            pltpu.VMEM((nchunks, CHUNK), jnp.int32),
            pltpu.VMEM((nchunks, CHUNK), jnp.int32),
            pltpu.VMEM((CHUNK, D), jnp.float32),
            pltpu.VMEM_SHARED((NPAD, D), jnp.float32),
            pltpu.SemaphoreType.DMA,
        ],
    )(g, src_p, dst_p)


def _prep_body(deg_ref, x_ref, w1_ref, dinv_ref, g_ref):
    deg = deg_ref[0, 0:N, 0:1] + deg_ref[1, 0:N, 0:1] + 1.0
    dinv = lax.rsqrt(deg)
    dinv_ref[...] = dinv
    h = jnp.dot(x_ref[...], w1_ref[...], preferred_element_type=jnp.float32)
    g_ref[...] = dinv * h


def _tc_prep(degp, x, W1):
    return pl.pallas_call(
        _prep_body,
        out_shape=(
            jax.ShapeDtypeStruct((N, 1), jnp.float32),
            jax.ShapeDtypeStruct((N, D), jnp.float32),
        ),
    )(degp, x, W1)


def _mid_body(aggp_ref, g1_ref, dinv_ref, b1_ref, w2_ref, g2_ref):
    agg = aggp_ref[0, 0:N, :] + aggp_ref[1, 0:N, :] + g1_ref[...]
    h1 = jnp.maximum(dinv_ref[...] * agg + b1_ref[...], 0.0)
    h2 = jnp.dot(h1, w2_ref[...], preferred_element_type=jnp.float32)
    g2_ref[...] = dinv_ref[...] * h2


def _tc_mid(aggp, g1, dinv, b1, W2):
    return pl.pallas_call(
        _mid_body,
        out_shape=jax.ShapeDtypeStruct((N, D), jnp.float32),
    )(aggp, g1, dinv, b1, W2)


def _head_body(aggp_ref, g2_ref, dinv_ref, b2_ref, wfc_ref, bfc_ref, o_ref):
    agg = aggp_ref[0, 0:N, :] + aggp_ref[1, 0:N, :] + g2_ref[...]
    h2 = jnp.maximum(dinv_ref[...] * agg + b2_ref[...], 0.0)
    m = jnp.mean(h2, axis=0, keepdims=True)
    z = jnp.dot(m, wfc_ref[...], preferred_element_type=jnp.float32) + bfc_ref[...]
    o_ref[...] = jax.nn.sigmoid(z)


def _tc_head(aggp, g2, dinv, b2, Wfc, bfc):
    return pl.pallas_call(
        _head_body,
        out_shape=jax.ShapeDtypeStruct((1, 1), jnp.float32),
    )(aggp, g2, dinv, b2, Wfc, bfc)


def kernel(x, edge_index, W1, b1, W2, b2, Wfc, bfc):
    src = edge_index[0].astype(jnp.int32)
    dst = edge_index[1].astype(jnp.int32)
    e = src.shape[0]
    epad = -(-e // (NW * CHUNK * IBLK)) * (NW * CHUNK * IBLK)
    src_p = jnp.concatenate(
        [src, jnp.zeros((epad - e,), jnp.int32)]).reshape(NW, -1, CHUNK)
    dst_p = jnp.concatenate(
        [dst, jnp.full((epad - e,), N, jnp.int32)]).reshape(NW, -1, CHUNK)

    degp = _sc_deg(dst_p)
    dinv, g1 = _tc_prep(degp, x, W1)
    aggp1 = _sc_agg(g1, src_p, dst_p)
    g2 = _tc_mid(aggp1, g1, dinv, b1.reshape(1, D), W2)
    aggp2 = _sc_agg(g2, src_p, dst_p)
    return _tc_head(aggp2, g2, dinv, b2.reshape(1, D), Wfc, bfc.reshape(1, 1))

# --- scband reference (transcript-rebuilt; emitter-appended) ---
"""Pipeline reference for scband-gcn-3959959847457 (READ-ONLY COPY).

The authoritative reference and input builder live on the scoring server;
editing this copy changes nothing except your own understanding.
"""

import jax, jax.numpy as jnp
import numpy as np

N_NODES = 10000
N_EDGES = 320000
D_FEAT = 128
HIDDEN = 128


def setup_inputs(seed: int = 0) -> dict:
    key = jax.random.key(seed)
    ks = jax.random.split(key, 10)
    x = jax.random.normal(ks[0], (N_NODES, D_FEAT), dtype=jnp.float32)
    edge_index = jax.random.randint(ks[1], (2, N_EDGES), 0, N_NODES, dtype=jnp.int64)
    s1 = 1.0 / np.sqrt(D_FEAT)
    s2 = 1.0 / np.sqrt(HIDDEN)
    W1 = jax.random.uniform(ks[2], (D_FEAT, HIDDEN), dtype=jnp.float32, minval=-s1, maxval=s1)
    b1 = jax.random.uniform(ks[3], (HIDDEN,), dtype=jnp.float32, minval=-s1, maxval=s1)
    W2 = jax.random.uniform(ks[4], (HIDDEN, HIDDEN), dtype=jnp.float32, minval=-s2, maxval=s2)
    b2 = jax.random.uniform(ks[5], (HIDDEN,), dtype=jnp.float32, minval=-s2, maxval=s2)
    Wfc = jax.random.uniform(ks[6], (HIDDEN, 1), dtype=jnp.float32, minval=-s2, maxval=s2)
    bfc = jax.random.uniform(ks[7], (1,), dtype=jnp.float32, minval=-s2, maxval=s2)
    return {"x": x, "edge_index": edge_index, "W1": W1, "b1": b1, "W2": W2, "b2": b2, "Wfc": Wfc, "bfc": bfc}


def _gcn_conv(x, src, dst, W, b, num_nodes):
    # GCNConv: add self-loops, symmetric normalization, linear transform, scatter-add aggregate
    loop = jnp.arange(num_nodes, dtype=src.dtype)
    src_sl = jnp.concatenate([src, loop])
    dst_sl = jnp.concatenate([dst, loop])
    deg = jnp.zeros((num_nodes,), dtype=x.dtype).at[dst_sl].add(1.0)
    dinv = jnp.where(deg > 0, jax.lax.rsqrt(deg), 0.0)
    norm = dinv[src_sl] * dinv[dst_sl]
    h = x @ W
    msg = h[src_sl] * norm[:, None]
    out = jnp.zeros((num_nodes, W.shape[1]), dtype=x.dtype).at[dst_sl].add(msg)
    return out + b


def reference(x, edge_index, W1, b1, W2, b2, Wfc, bfc):
    src, dst = edge_index[0], edge_index[1]
    n = x.shape[0]
    h = _gcn_conv(x, src, dst, W1, b1, n)
    h = jax.nn.relu(h)
    h = _gcn_conv(h, src, dst, W2, b2, n)
    h = jax.nn.relu(h)
    h = jnp.mean(h, axis=0, keepdims=True)
    # F.dropout in eval mode is identity
    out = h @ Wfc + bfc
    return jax.nn.sigmoid(out)

if __name__ == "__main__":
    import jax
    _d = setup_inputs()
    print(jax.jit(kernel)(*tuple(_d.values())))

</pallas_src>

<mosaic_0001>
#map = affine_map<(d0, d1) -> (0, 0)>
#map1 = affine_map<(d0, d1) -> (0, 0, 0)>
module attributes {stable_mosaic.version = 14 : i64} {
  func.func @_agg_body(%arg0: i32, %arg1: i32, %arg2: memref<10000x128xf32, #tpu.memory_space<hbm>>, %arg3: memref<32x79x128xi32, #tpu.memory_space<hbm>>, %arg4: memref<32x79x128xi32, #tpu.memory_space<hbm>>, %arg5: memref<2x10240x128xf32, #tpu.memory_space<hbm>>, %arg6: memref<79x128xi32, #tpu.memory_space<vmem>>, %arg7: memref<79x128xi32, #tpu.memory_space<vmem>>, %arg8: memref<128x128xf32, #tpu.memory_space<vmem>>, %arg9: memref<10240x128xf32, #tpu.memory_space<vmem_shared>>, %arg10: memref<!tpu.dma_semaphore, #tpu.memory_space<semaphore_mem>>) attributes {dimension_semantics = [#tpu.dimension_semantics<core_parallel>, #tpu.dimension_semantics<subcore_parallel>], iteration_bounds = array<i64: 2, 16>, scalar_prefetch = 0 : i64, scratch_operands = 5 : i64, tpu.core_type = #tpu.core_type<sc_vector_subcore>, window_params = [{transform_indices = #map}, {transform_indices = #map1}, {transform_indices = #map1}, {transform_indices = #map1}]} {
    %mul3A = arith.constant 2 : i32
    %mul3A_0 = arith.muli %arg1, %mul3A : i32
    %add3A = arith.addi %mul3A_0, %arg0 : i32
    %scan3A = arith.constant 0 : i32
    %scan3A_1 = arith.constant 128 : i32
    %scan3A_2 = arith.addi %scan3A, %scan3A_1 : i32
    %scan3A_3 = arith.constant 1 : i32
    scf.for %scan3A_51 = %scan3A to %scan3A_2 step %scan3A_3  : i32 {
      %broadcast_in_dim3A = arith.constant 0.000000e+00 : f32
      %broadcast_in_dim3A_52 = vector.broadcast %broadcast_in_dim3A : f32 to vector<16xf32>
      %swap3A = arith.index_cast %scan3A_51 : i32 to index
      %swap3A_53 = arith.constant 0 : index
      %swap3A_54 = tpu.vector_load %arg8[%swap3A, %swap3A_53] {strides = array<i32>} : memref<128x128xf32, #tpu.memory_space<vmem>>, vector<1x16xf32>,
      %swap3A_55 = vector.shape_cast %swap3A_54 : vector<1x16xf32> to vector<16xf32>
      %swap3A_56 = vector.shape_cast %broadcast_in_dim3A_52 : vector<16xf32> to vector<1x16xf32>
      tpu.vector_store %arg8[%swap3A, %swap3A_53], %swap3A_56 {strides = array<i32>} : memref<128x128xf32, #tpu.memory_space<vmem>>, vector<1x16xf32>,
      %broadcast_in_dim3A_57 = arith.constant 0.000000e+00 : f32
      %broadcast_in_dim3A_58 = vector.broadcast %broadcast_in_dim3A_57 : f32 to vector<16xf32>
      %swap3A_59 = arith.index_cast %scan3A_51 : i32 to index
      %swap3A_60 = arith.constant 16 : index
      %swap3A_61 = tpu.vector_load %arg8[%swap3A_59, %swap3A_60] {strides = array<i32>} : memref<128x128xf32, #tpu.memory_space<vmem>>, vector<1x16xf32>,
      %swap3A_62 = vector.shape_cast %swap3A_61 : vector<1x16xf32> to vector<16xf32>
      %swap3A_63 = vector.shape_cast %broadcast_in_dim3A_58 : vector<16xf32> to vector<1x16xf32>
      tpu.vector_store %arg8[%swap3A_59, %swap3A_60], %swap3A_63 {strides = array<i32>} : memref<128x128xf32, #tpu.memory_space<vmem>>, vector<1x16xf32>,
      %broadcast_in_dim3A_64 = arith.constant 0.000000e+00 : f32
      %broadcast_in_dim3A_65 = vector.broadcast %broadcast_in_dim3A_64 : f32 to vector<16xf32>
      %swap3A_66 = arith.index_cast %scan3A_51 : i32 to index
      %swap3A_67 = arith.constant 32 : index
      %swap3A_68 = tpu.vector_load %arg8[%swap3A_66, %swap3A_67] {strides = array<i32>} : memref<128x128xf32, #tpu.memory_space<vmem>>, vector<1x16xf32>,
      %swap3A_69 = vector.shape_cast %swap3A_68 : vector<1x16xf32> to vector<16xf32>
      %swap3A_70 = vector.shape_cast %broadcast_in_dim3A_65 : vector<16xf32> to vector<1x16xf32>
      tpu.vector_store %arg8[%swap3A_66, %swap3A_67], %swap3A_70 {strides = array<i32>} : memref<128x128xf32, #tpu.memory_space<vmem>>, vector<1x16xf32>,
      %broadcast_in_dim3A_71 = arith.constant 0.000000e+00 : f32
      %broadcast_in_dim3A_72 = vector.broadcast %broadcast_in_dim3A_71 : f32 to vector<16xf32>
      %swap3A_73 = arith.index_cast %scan3A_51 : i32 to index
      %swap3A_74 = arith.constant 48 : index
      %swap3A_75 = tpu.vector_load %arg8[%swap3A_73, %swap3A_74] {strides = array<i32>} : memref<128x128xf32, #tpu.memory_space<vmem>>, vector<1x16xf32>,
      %swap3A_76 = vector.shape_cast %swap3A_75 : vector<1x16xf32> to vector<16xf32>
      %swap3A_77 = vector.shape_cast %broadcast_in_dim3A_72 : vector<16xf32> to vector<1x16xf32>
      tpu.vector_store %arg8[%swap3A_73, %swap3A_74], %swap3A_77 {strides = array<i32>} : memref<128x128xf32, #tpu.memory_space<vmem>>, vector<1x16xf32>,
      %broadcast_in_dim3A_78 = arith.constant 0.000000e+00 : f32
      %broadcast_in_dim3A_79 = vector.broadcast %broadcast_in_dim3A_78 : f32 to vector<16xf32>
      %swap3A_80 = arith.index_cast %scan3A_51 : i32 to index
      %swap3A_81 = arith.constant 64 : index
      %swap3A_82 = tpu.vector_load %arg8[%swap3A_80, %swap3A_81] {strides = array<i32>} : memref<128x128xf32, #tpu.memory_space<vmem>>, vector<1x16xf32>,
      %swap3A_83 = vector.shape_cast %swap3A_82 : vector<1x16xf32> to vector<16xf32>
      %swap3A_84 = vector.shape_cast %broadcast_in_dim3A_79 : vector<16xf32> to vector<1x16xf32>
      tpu.vector_store %arg8[%swap3A_80, %swap3A_81], %swap3A_84 {strides = array<i32>} : memref<128x128xf32, #tpu.memory_space<vmem>>, vector<1x16xf32>,
      %broadcast_in_dim3A_85 = arith.constant 0.000000e+00 : f32
      %broadcast_in_dim3A_86 = vector.broadcast %broadcast_in_dim3A_85 : f32 to vector<16xf32>
      %swap3A_87 = arith.index_cast %scan3A_51 : i32 to index
      %swap3A_88 = arith.constant 80 : index
      %swap3A_89 = tpu.vector_load %arg8[%swap3A_87, %swap3A_88] {strides = array<i32>} : memref<128x128xf32, #tpu.memory_space<vmem>>, vector<1x16xf32>,
      %swap3A_90 = vector.shape_cast %swap3A_89 : vector<1x16xf32> to vector<16xf32>
      %swap3A_91 = vector.shape_cast %broadcast_in_dim3A_86 : vector<16xf32> to vector<1x16xf32>
      tpu.vector_store %arg8[%swap3A_87, %swap3A_88], %swap3A_91 {strides = array<i32>} : memref<128x128xf32, #tpu.memory_space<vmem>>, vector<1x16xf32>,
      %broadcast_in_dim3A_92 = arith.constant 0.000000e+00 : f32
      %broadcast_in_dim3A_93 = vector.broadcast %broadcast_in_dim3A_92 : f32 to vector<16xf32>
      %swap3A_94 = arith.index_cast %scan3A_51 : i32 to index
      %swap3A_95 = arith.constant 96 : index
      %swap3A_96 = tpu.vector_load %arg8[%swap3A_94, %swap3A_95] {strides = array<i32>} : memref<128x128xf32, #tpu.memory_space<vmem>>, vector<1x16xf32>,
      %swap3A_97 = vector.shape_cast %swap3A_96 : vector<1x16xf32> to vector<16xf32>
      %swap3A_98 = vector.shape_cast %broadcast_in_dim3A_93 : vector<16xf32> to vector<1x16xf32>
      tpu.vector_store %arg8[%swap3A_94, %swap3A_95], %swap3A_98 {strides = array<i32>} : memref<128x128xf32, #tpu.memory_space<vmem>>, vector<1x16xf32>,
      %broadcast_in_dim3A_99 = arith.constant 0.000000e+00 : f32
      %broadcast_in_dim3A_100 = vector.broadcast %broadcast_in_dim3A_99 : f32 to vector<16xf32>
      %swap3A_101 = arith.index_cast %scan3A_51 : i32 to index
      %swap3A_102 = arith.constant 112 : index
      %swap3A_103 = tpu.vector_load %arg8[%swap3A_101, %swap3A_102] {strides = array<i32>} : memref<128x128xf32, #tpu.memory_space<vmem>>, vector<1x16xf32>,
      %swap3A_104 = vector.shape_cast %swap3A_103 : vector<1x16xf32> to vector<16xf32>
      %swap3A_105 = vector.shape_cast %broadcast_in_dim3A_100 : vector<16xf32> to vector<1x16xf32>
      tpu.vector_store %arg8[%swap3A_101, %swap3A_102], %swap3A_105 {strides = array<i32>} : memref<128x128xf32, #tpu.memory_space<vmem>>, vector<1x16xf32>,
    }
    %scan3A_4 = arith.constant 128 : i32
    %mul3A_5 = arith.constant 640 : i32
    %mul3A_6 = arith.muli %arg1, %mul3A_5 : i32
    %add3A_7 = arith.constant 0 : i32
    %add3A_8 = arith.addi %mul3A_6, %add3A_7 : i32
    "tpu.region"() ({
      %run_scoped3A = tpu.sem_alloc : memref<!tpu.dma_semaphore, #tpu.memory_space<semaphore_mem>>
      %dma_start3A = arith.constant 0 : i32
      %dma_start3A_51 = tpu.memref_slice %arg9[%add3A_8, %dma_start3A] : memref<10240x128xf32, #tpu.memory_space<vmem_shared>> -> memref<128x128xf32, #tpu.memory_space<vmem_shared>>
      %dma_start3A_52 = arith.constant 0 : i32
      %dma_start3A_53 = tpu.memref_slice %arg9[%add3A_8, %dma_start3A_52] : memref<10240x128xf32, #tpu.memory_space<vmem_shared>> -> memref<128x128xf32, #tpu.memory_space<vmem_shared>>
      tpu.enqueue_dma source(%arg8 : memref<128x128xf32, #tpu.memory_space<vmem>>) target(%dma_start3A_53 : memref<128x128xf32, #tpu.memory_space<vmem_shared>>) target_semaphore(%run_scoped3A : memref<!tpu.dma_semaphore, #tpu.memory_space<semaphore_mem>>)
      %dma_wait3A = arith.constant 0 : i32
      %dma_wait3A_54 = tpu.memref_slice %arg9[%add3A_8, %dma_wait3A] : memref<10240x128xf32, #tpu.memory_space<vmem_shared>> -> memref<128x128xf32, #tpu.memory_space<vmem_shared>>
      %dma_wait3A_55 = arith.constant 0 : i32
      %dma_wait3A_56 = tpu.memref_slice %arg9[%add3A_8, %dma_wait3A_55] : memref<10240x128xf32, #tpu.memory_space<vmem_shared>> -> memref<128x128xf32, #tpu.memory_space<vmem_shared>>
      tpu.wait_dma2 semaphore(%run_scoped3A : memref<!tpu.dma_semaphore, #tpu.memory_space<semaphore_mem>>) src(%arg8 : memref<128x128xf32, #tpu.memory_space<vmem>>) dst(%dma_wait3A_56 : memref<128x128xf32, #tpu.memory_space<vmem_shared>>)
      tpu.yield
    }) : () -> ()
    %mul3A_9 = arith.constant 640 : i32
    %mul3A_10 = arith.muli %arg1, %mul3A_9 : i32
    %add3A_11 = arith.constant 128 : i32
    %add3A_12 = arith.addi %mul3A_10, %add3A_11 : i32
    "tpu.region"() ({
      %run_scoped3A = tpu.sem_alloc : memref<!tpu.dma_semaphore, #tpu.memory_space<semaphore_mem>>
      %dma_start3A = arith.constant 0 : i32
      %dma_start3A_51 = tpu.memref_slice %arg9[%add3A_12, %dma_start3A] : memref<10240x128xf32, #tpu.memory_space<vmem_shared>> -> memref<128x128xf32, #tpu.memory_space<vmem_shared>>
      %dma_start3A_52 = arith.constant 0 : i32
      %dma_start3A_53 = tpu.memref_slice %arg9[%add3A_12, %dma_start3A_52] : memref<10240x128xf32, #tpu.memory_space<vmem_shared>> -> memref<128x128xf32, #tpu.memory_space<vmem_shared>>
      tpu.enqueue_dma source(%arg8 : memref<128x128xf32, #tpu.memory_space<vmem>>) target(%dma_start3A_53 : memref<128x128xf32, #tpu.memory_space<vmem_shared>>) target_semaphore(%run_scoped3A : memref<!tpu.dma_semaphore, #tpu.memory_space<semaphore_mem>>)
      %dma_wait3A = arith.constant 0 : i32
      %dma_wait3A_54 = tpu.memref_slice %arg9[%add3A_12, %dma_wait3A] : memref<10240x128xf32, #tpu.memory_space<vmem_shared>> -> memref<128x128xf32, #tpu.memory_space<vmem_shared>>
      %dma_wait3A_55 = arith.constant 0 : i32
      %dma_wait3A_56 = tpu.memref_slice %arg9[%add3A_12, %dma_wait3A_55] : memref<10240x128xf32, #tpu.memory_space<vmem_shared>> -> memref<128x128xf32, #tpu.memory_space<vmem_shared>>
      tpu.wait_dma2 semaphore(%run_scoped3A : memref<!tpu.dma_semaphore, #tpu.memory_space<semaphore_mem>>) src(%arg8 : memref<128x128xf32, #tpu.memory_space<vmem>>) dst(%dma_wait3A_56 : memref<128x128xf32, #tpu.memory_space<vmem_shared>>)
      tpu.yield
    }) : () -> ()
    %mul3A_13 = arith.constant 640 : i32
    %mul3A_14 = arith.muli %arg1, %mul3A_13 : i32
    %add3A_15 = arith.constant 256 : i32
    %add3A_16 = arith.addi %mul3A_14, %add3A_15 : i32
    "tpu.region"() ({
      %run_scoped3A = tpu.sem_alloc : memref<!tpu.dma_semaphore, #tpu.memory_space<semaphore_mem>>
      %dma_start3A = arith.constant 0 : i32
      %dma_start3A_51 = tpu.memref_slice %arg9[%add3A_16, %dma_start3A] : memref<10240x128xf32, #tpu.memory_space<vmem_shared>> -> memref<128x128xf32, #tpu.memory_space<vmem_shared>>
      %dma_start3A_52 = arith.constant 0 : i32
      %dma_start3A_53 = tpu.memref_slice %arg9[%add3A_16, %dma_start3A_52] : memref<10240x128xf32, #tpu.memory_space<vmem_shared>> -> memref<128x128xf32, #tpu.memory_space<vmem_shared>>
      tpu.enqueue_dma source(%arg8 : memref<128x128xf32, #tpu.memory_space<vmem>>) target(%dma_start3A_53 : memref<128x128xf32, #tpu.memory_space<vmem_shared>>) target_semaphore(%run_scoped3A : memref<!tpu.dma_semaphore, #tpu.memory_space<semaphore_mem>>)
      %dma_wait3A = arith.constant 0 : i32
      %dma_wait3A_54 = tpu.memref_slice %arg9[%add3A_16, %dma_wait3A] : memref<10240x128xf32, #tpu.memory_space<vmem_shared>> -> memref<128x128xf32, #tpu.memory_space<vmem_shared>>
      %dma_wait3A_55 = arith.constant 0 : i32
      %dma_wait3A_56 = tpu.memref_slice %arg9[%add3A_16, %dma_wait3A_55] : memref<10240x128xf32, #tpu.memory_space<vmem_shared>> -> memref<128x128xf32, #tpu.memory_space<vmem_shared>>
      tpu.wait_dma2 semaphore(%run_scoped3A : memref<!tpu.dma_semaphore, #tpu.memory_space<semaphore_mem>>) src(%arg8 : memref<128x128xf32, #tpu.memory_space<vmem>>) dst(%dma_wait3A_56 : memref<128x128xf32, #tpu.memory_space<vmem_shared>>)
      tpu.yield
    }) : () -> ()
    %mul3A_17 = arith.constant 640 : i32
    %mul3A_18 = arith.muli %arg1, %mul3A_17 : i32
    %add3A_19 = arith.constant 384 : i32
    %add3A_20 = arith.addi %mul3A_18, %add3A_19 : i32
    "tpu.region"() ({
      %run_scoped3A = tpu.sem_alloc : memref<!tpu.dma_semaphore, #tpu.memory_space<semaphore_mem>>
      %dma_start3A = arith.constant 0 : i32
      %dma_start3A_51 = tpu.memref_slice %arg9[%add3A_20, %dma_start3A] : memref<10240x128xf32, #tpu.memory_space<vmem_shared>> -> memref<128x128xf32, #tpu.memory_space<vmem_shared>>
      %dma_start3A_52 = arith.constant 0 : i32
      %dma_start3A_53 = tpu.memref_slice %arg9[%add3A_20, %dma_start3A_52] : memref<10240x128xf32, #tpu.memory_space<vmem_shared>> -> memref<128x128xf32, #tpu.memory_space<vmem_shared>>
      tpu.enqueue_dma source(%arg8 : memref<128x128xf32, #tpu.memory_space<vmem>>) target(%dma_start3A_53 : memref<128x128xf32, #tpu.memory_space<vmem_shared>>) target_semaphore(%run_scoped3A : memref<!tpu.dma_semaphore, #tpu.memory_space<semaphore_mem>>)
      %dma_wait3A = arith.constant 0 : i32
      %dma_wait3A_54 = tpu.memref_slice %arg9[%add3A_20, %dma_wait3A] : memref<10240x128xf32, #tpu.memory_space<vmem_shared>> -> memref<128x128xf32, #tpu.memory_space<vmem_shared>>
      %dma_wait3A_55 = arith.constant 0 : i32
      %dma_wait3A_56 = tpu.memref_slice %arg9[%add3A_20, %dma_wait3A_55] : memref<10240x128xf32, #tpu.memory_space<vmem_shared>> -> memref<128x128xf32, #tpu.memory_space<vmem_shared>>
      tpu.wait_dma2 semaphore(%run_scoped3A : memref<!tpu.dma_semaphore, #tpu.memory_space<semaphore_mem>>) src(%arg8 : memref<128x128xf32, #tpu.memory_space<vmem>>) dst(%dma_wait3A_56 : memref<128x128xf32, #tpu.memory_space<vmem_shared>>)
      tpu.yield
    }) : () -> ()
    %mul3A_21 = arith.constant 640 : i32
    %mul3A_22 = arith.muli %arg1, %mul3A_21 : i32
    %add3A_23 = arith.constant 512 : i32
    %add3A_24 = arith.addi %mul3A_22, %add3A_23 : i32
    "tpu.region"() ({
      %run_scoped3A = tpu.sem_alloc : memref<!tpu.dma_semaphore, #tpu.memory_space<semaphore_mem>>
      %dma_start3A = arith.constant 0 : i32
      %dma_start3A_51 = tpu.memref_slice %arg9[%add3A_24, %dma_start3A] : memref<10240x128xf32, #tpu.memory_space<vmem_shared>> -> memref<128x128xf32, #tpu.memory_space<vmem_shared>>
      %dma_start3A_52 = arith.constant 0 : i32
      %dma_start3A_53 = tpu.memref_slice %arg9[%add3A_24, %dma_start3A_52] : memref<10240x128xf32, #tpu.memory_space<vmem_shared>> -> memref<128x128xf32, #tpu.memory_space<vmem_shared>>
      tpu.enqueue_dma source(%arg8 : memref<128x128xf32, #tpu.memory_space<vmem>>) target(%dma_start3A_53 : memref<128x128xf32, #tpu.memory_space<vmem_shared>>) target_semaphore(%run_scoped3A : memref<!tpu.dma_semaphore, #tpu.memory_space<semaphore_mem>>)
      %dma_wait3A = arith.constant 0 : i32
      %dma_wait3A_54 = tpu.memref_slice %arg9[%add3A_24, %dma_wait3A] : memref<10240x128xf32, #tpu.memory_space<vmem_shared>> -> memref<128x128xf32, #tpu.memory_space<vmem_shared>>
      %dma_wait3A_55 = arith.constant 0 : i32
      %dma_wait3A_56 = tpu.memref_slice %arg9[%add3A_24, %dma_wait3A_55] : memref<10240x128xf32, #tpu.memory_space<vmem_shared>> -> memref<128x128xf32, #tpu.memory_space<vmem_shared>>
      tpu.wait_dma2 semaphore(%run_scoped3A : memref<!tpu.dma_semaphore, #tpu.memory_space<semaphore_mem>>) src(%arg8 : memref<128x128xf32, #tpu.memory_space<vmem>>) dst(%dma_wait3A_56 : memref<128x128xf32, #tpu.memory_space<vmem_shared>>)
      tpu.yield
    }) : () -> ()
    %barrier3A = arith.constant 0 : index
    tpu.barrier barrier_id(%barrier3A)
    "tpu.region"() ({
      %run_scoped3A = tpu.sem_alloc : memref<!tpu.dma_semaphore, #tpu.memory_space<semaphore_mem>>
      %dma_start3A = arith.constant 0 : i32
      %dma_start3A_51 = arith.constant 0 : i32
      %dma_start3A_52 = tpu.memref_slice %arg3[%add3A, %dma_start3A, %dma_start3A_51] : memref<32x79x128xi32, #tpu.memory_space<hbm>> -> memref<1x79x128xi32, #tpu.memory_space<hbm>>
      %dma_start3A_53 = tpu.memref_squeeze %dma_start3A_52 : memref<1x79x128xi32, #tpu.memory_space<hbm>> -> memref<79x128xi32, #tpu.memory_space<hbm>>
      %dma_start3A_54 = arith.constant 0 : i32
      %dma_start3A_55 = arith.constant 0 : i32
      %dma_start3A_56 = tpu.memref_slice %arg3[%add3A, %dma_start3A_54, %dma_start3A_55] : memref<32x79x128xi32, #tpu.memory_space<hbm>> -> memref<1x79x128xi32, #tpu.memory_space<hbm>>
      %dma_start3A_57 = tpu.memref_squeeze %dma_start3A_56 : memref<1x79x128xi32, #tpu.memory_space<hbm>> -> memref<79x128xi32, #tpu.memory_space<hbm>>
      tpu.enqueue_dma source(%dma_start3A_57 : memref<79x128xi32, #tpu.memory_space<hbm>>) target(%arg6 : memref<79x128xi32, #tpu.memory_space<vmem>>) target_semaphore(%run_scoped3A : memref<!tpu.dma_semaphore, #tpu.memory_space<semaphore_mem>>)
      %dma_wait3A = arith.constant 0 : i32
      %dma_wait3A_58 = arith.constant 0 : i32
      %dma_wait3A_59 = tpu.memref_slice %arg3[%add3A, %dma_wait3A, %dma_wait3A_58] : memref<32x79x128xi32, #tpu.memory_space<hbm>> -> memref<1x79x128xi32, #tpu.memory_space<hbm>>
      %dma_wait3A_60 = tpu.memref_squeeze %dma_wait3A_59 : memref<1x79x128xi32, #tpu.memory_space<hbm>> -> memref<79x128xi32, #tpu.memory_space<hbm>>
      %dma_wait3A_61 = arith.constant 0 : i32
      %dma_wait3A_62 = arith.constant 0 : i32
      %dma_wait3A_63 = tpu.memref_slice %arg3[%add3A, %dma_wait3A_61, %dma_wait3A_62] : memref<32x79x128xi32, #tpu.memory_space<hbm>> -> memref<1x79x128xi32, #tpu.memory_space<hbm>>
      %dma_wait3A_64 = tpu.memref_squeeze %dma_wait3A_63 : memref<1x79x128xi32, #tpu.memory_space<hbm>> -> memref<79x128xi32, #tpu.memory_space<hbm>>
      tpu.wait_dma2 semaphore(%run_scoped3A : memref<!tpu.dma_semaphore, #tpu.memory_space<semaphore_mem>>) src(%dma_wait3A_64 : memref<79x128xi32, #tpu.memory_space<hbm>>) dst(%arg6 : memref<79x128xi32, #tpu.memory_space<vmem>>)
      tpu.yield
    }) : () -> ()
    "tpu.region"() ({
      %run_scoped3A = tpu.sem_alloc : memref<!tpu.dma_semaphore, #tpu.memory_space<semaphore_mem>>
      %dma_start3A = arith.constant 0 : i32
      %dma_start3A_51 = arith.constant 0 : i32
      %dma_start3A_52 = tpu.memref_slice %arg4[%add3A, %dma_start3A, %dma_start3A_51] : memref<32x79x128xi32, #tpu.memory_space<hbm>> -> memref<1x79x128xi32, #tpu.memory_space<hbm>>
      %dma_start3A_53 = tpu.memref_squeeze %dma_start3A_52 : memref<1x79x128xi32, #tpu.memory_space<hbm>> -> memref<79x128xi32, #tpu.memory_space<hbm>>
      %dma_start3A_54 = arith.constant 0 : i32
      %dma_start3A_55 = arith.constant 0 : i32
      %dma_start3A_56 = tpu.memref_slice %arg4[%add3A, %dma_start3A_54, %dma_start3A_55] : memref<32x79x128xi32, #tpu.memory_space<hbm>> -> memref<1x79x128xi32, #tpu.memory_space<hbm>>
      %dma_start3A_57 = tpu.memref_squeeze %dma_start3A_56 : memref<1x79x128xi32, #tpu.memory_space<hbm>> -> memref<79x128xi32, #tpu.memory_space<hbm>>
      tpu.enqueue_dma source(%dma_start3A_57 : memref<79x128xi32, #tpu.memory_space<hbm>>) target(%arg7 : memref<79x128xi32, #tpu.memory_space<vmem>>) target_semaphore(%run_scoped3A : memref<!tpu.dma_semaphore, #tpu.memory_space<semaphore_mem>>)
      %dma_wait3A = arith.constant 0 : i32
      %dma_wait3A_58 = arith.constant 0 : i32
      %dma_wait3A_59 = tpu.memref_slice %arg4[%add3A, %dma_wait3A, %dma_wait3A_58] : memref<32x79x128xi32, #tpu.memory_space<hbm>> -> memref<1x79x128xi32, #tpu.memory_space<hbm>>
      %dma_wait3A_60 = tpu.memref_squeeze %dma_wait3A_59 : memref<1x79x128xi32, #tpu.memory_space<hbm>> -> memref<79x128xi32, #tpu.memory_space<hbm>>
      %dma_wait3A_61 = arith.constant 0 : i32
      %dma_wait3A_62 = arith.constant 0 : i32
      %dma_wait3A_63 = tpu.memref_slice %arg4[%add3A, %dma_wait3A_61, %dma_wait3A_62] : memref<32x79x128xi32, #tpu.memory_space<hbm>> -> memref<1x79x128xi32, #tpu.memory_space<hbm>>
      %dma_wait3A_64 = tpu.memref_squeeze %dma_wait3A_63 : memref<1x79x128xi32, #tpu.memory_space<hbm>> -> memref<79x128xi32, #tpu.memory_space<hbm>>
      tpu.wait_dma2 semaphore(%run_scoped3A : memref<!tpu.dma_semaphore, #tpu.memory_space<semaphore_mem>>) src(%dma_wait3A_64 : memref<79x128xi32, #tpu.memory_space<hbm>>) dst(%arg7 : memref<79x128xi32, #tpu.memory_space<vmem>>)
      tpu.yield
    }) : () -> ()
    %scan3A_25 = arith.constant 0 : i32
    %scan3A_26 = arith.constant 79 : i32
    %scan3A_27 = arith.addi %scan3A_25, %scan3A_26 : i32
    %scan3A_28 = arith.constant 1 : i32
    scf.for %scan3A_51 = %scan3A_25 to %scan3A_27 step %scan3A_28  : i32 {
      %dma_start3A = arith.constant 0 : i32
      %dma_start3A_52 = tpu.memref_slice %arg6[%scan3A_51, %dma_start3A] : memref<79x128xi32, #tpu.memory_space<vmem>> -> memref<1x128xi32, #tpu.memory_space<vmem>>
      %dma_start3A_53 = tpu.memref_squeeze %dma_start3A_52 : memref<1x128xi32, #tpu.memory_space<vmem>> -> memref<128xi32, #tpu.memory_space<vmem>>
      %dma_start3A_54 = arith.constant 0 : i32
      %dma_start3A_55 = arith.constant 0 : i32
      %dma_start3A_56 = tpu.memref_slice %arg2[%dma_start3A_54, %dma_start3A_55] : memref<10000x128xf32, #tpu.memory_space<hbm>> -> memref<10000x128xf32, #tpu.memory_space<hbm>>
      tpu.enqueue_indirect_dma source(%dma_start3A_56 : memref<10000x128xf32, #tpu.memory_space<hbm>>) target(%arg8 : memref<128x128xf32, #tpu.memory_space<vmem>>) offsets(%dma_start3A_53 : memref<128xi32, #tpu.memory_space<vmem>>) semaphore(%arg10 : memref<!tpu.dma_semaphore, #tpu.memory_space<semaphore_mem>>)
      %dma_wait3A = arith.constant 0 : i32
      %dma_wait3A_57 = tpu.memref_slice %arg6[%scan3A_51, %dma_wait3A] : memref<79x128xi32, #tpu.memory_space<vmem>> -> memref<1x128xi32, #tpu.memory_space<vmem>>
      %dma_wait3A_58 = tpu.memref_squeeze %dma_wait3A_57 : memref<1x128xi32, #tpu.memory_space<vmem>> -> memref<128xi32, #tpu.memory_space<vmem>>
      %dma_wait3A_59 = arith.constant 0 : i32
      %dma_wait3A_60 = arith.constant 0 : i32
      %dma_wait3A_61 = tpu.memref_slice %arg2[%dma_wait3A_59, %dma_wait3A_60] : memref<10000x128xf32, #tpu.memory_space<hbm>> -> memref<10000x128xf32, #tpu.memory_space<hbm>>
      tpu.wait_indirect_dma semaphore(%arg10 : memref<!tpu.dma_semaphore, #tpu.memory_space<semaphore_mem>>) src(%dma_wait3A_61 : memref<10000x128xf32, #tpu.memory_space<hbm>>) dst(%arg8 : memref<128x128xf32, #tpu.memory_space<vmem>>)
      "tpu.region"() ({
        %run_scoped3A = tpu.sem_alloc : memref<!tpu.dma_semaphore, #tpu.memory_space<semaphore_mem>>
        %dma_start3A_62 = arith.constant 0 : i32
        %dma_start3A_63 = tpu.memref_slice %arg7[%scan3A_51, %dma_start3A_62] : memref<79x128xi32, #tpu.memory_space<vmem>> -> memref<1x128xi32, #tpu.memory_space<vmem>>
        %dma_start3A_64 = tpu.memref_squeeze %dma_start3A_63 : memref<1x128xi32, #tpu.memory_space<vmem>> -> memref<128xi32, #tpu.memory_space<vmem>>
        %dma_start3A_65 = arith.constant 0 : i32
        %dma_start3A_66 = arith.constant 0 : i32
        %dma_start3A_67 = tpu.memref_slice %arg9[%dma_start3A_65, %dma_start3A_66] : memref<10240x128xf32, #tpu.memory_space<vmem_shared>> -> memref<10240x128xf32, #tpu.memory_space<vmem_shared>>
        tpu.enqueue_indirect_dma source(%arg8 : memref<128x128xf32, #tpu.memory_space<vmem>>) target(%dma_start3A_67 : memref<10240x128xf32, #tpu.memory_space<vmem_shared>>) offsets(%dma_start3A_64 : memref<128xi32, #tpu.memory_space<vmem>>) semaphore(%run_scoped3A : memref<!tpu.dma_semaphore, #tpu.memory_space<semaphore_mem>>) {add = true}
        %dma_wait3A_68 = arith.constant 0 : i32
        %dma_wait3A_69 = tpu.memref_slice %arg7[%scan3A_51, %dma_wait3A_68] : memref<79x128xi32, #tpu.memory_space<vmem>> -> memref<1x128xi32, #tpu.memory_space<vmem>>
        %dma_wait3A_70 = tpu.memref_squeeze %dma_wait3A_69 : memref<1x128xi32, #tpu.memory_space<vmem>> -> memref<128xi32, #tpu.memory_space<vmem>>
        %dma_wait3A_71 = arith.constant 0 : i32
        %dma_wait3A_72 = arith.constant 0 : i32
        %dma_wait3A_73 = tpu.memref_slice %arg9[%dma_wait3A_71, %dma_wait3A_72] : memref<10240x128xf32, #tpu.memory_space<vmem_shared>> -> memref<10240x128xf32, #tpu.memory_space<vmem_shared>>
        tpu.wait_indirect_dma semaphore(%run_scoped3A : memref<!tpu.dma_semaphore, #tpu.memory_space<semaphore_mem>>) src(%arg8 : memref<128x128xf32, #tpu.memory_space<vmem>>) dst(%dma_wait3A_73 : memref<10240x128xf32, #tpu.memory_space<vmem_shared>>)
        tpu.yield
      }) : () -> ()
    }
    %scan3A_29 = arith.constant 79 : i32
    %barrier3A_30 = arith.constant 0 : index
    tpu.barrier barrier_id(%barrier3A_30)
    %mul3A_31 = arith.constant 640 : i32
    %mul3A_32 = arith.muli %arg1, %mul3A_31 : i32
    %add3A_33 = arith.constant 0 : i32
    %add3A_34 = arith.addi %mul3A_32, %add3A_33 : i32
    "tpu.region"() ({
      %run_scoped3A = tpu.sem_alloc : memref<!tpu.dma_semaphore, #tpu.memory_space<semaphore_mem>>
      %dma_start3A = arith.constant 0 : i32
      %dma_start3A_51 = tpu.memref_slice %arg9[%add3A_34, %dma_start3A] : memref<10240x128xf32, #tpu.memory_space<vmem_shared>> -> memref<128x128xf32, #tpu.memory_space<vmem_shared>>
      %dma_start3A_52 = arith.constant 0 : i32
      %dma_start3A_53 = tpu.memref_slice %arg9[%add3A_34, %dma_start3A_52] : memref<10240x128xf32, #tpu.memory_space<vmem_shared>> -> memref<128x128xf32, #tpu.memory_space<vmem_shared>>
      tpu.enqueue_dma source(%dma_start3A_53 : memref<128x128xf32, #tpu.memory_space<vmem_shared>>) target(%arg8 : memref<128x128xf32, #tpu.memory_space<vmem>>) target_semaphore(%run_scoped3A : memref<!tpu.dma_semaphore, #tpu.memory_space<semaphore_mem>>)
      %dma_wait3A = arith.constant 0 : i32
      %dma_wait3A_54 = tpu.memref_slice %arg9[%add3A_34, %dma_wait3A] : memref<10240x128xf32, #tpu.memory_space<vmem_shared>> -> memref<128x128xf32, #tpu.memory_space<vmem_shared>>
      %dma_wait3A_55 = arith.constant 0 : i32
      %dma_wait3A_56 = tpu.memref_slice %arg9[%add3A_34, %dma_wait3A_55] : memref<10240x128xf32, #tpu.memory_space<vmem_shared>> -> memref<128x128xf32, #tpu.memory_space<vmem_shared>>
      tpu.wait_dma2 semaphore(%run_scoped3A : memref<!tpu.dma_semaphore, #tpu.memory_space<semaphore_mem>>) src(%dma_wait3A_56 : memref<128x128xf32, #tpu.memory_space<vmem_shared>>) dst(%arg8 : memref<128x128xf32, #tpu.memory_space<vmem>>)
      tpu.yield
    }) : () -> ()
    "tpu.region"() ({
      %run_scoped3A = tpu.sem_alloc : memref<!tpu.dma_semaphore, #tpu.memory_space<semaphore_mem>>
      %dma_start3A = arith.constant 0 : i32
      %dma_start3A_51 = tpu.memref_slice %arg5[%arg0, %add3A_34, %dma_start3A] : memref<2x10240x128xf32, #tpu.memory_space<hbm>> -> memref<1x128x128xf32, #tpu.memory_space<hbm>>
      %dma_start3A_52 = tpu.memref_squeeze %dma_start3A_51 : memref<1x128x128xf32, #tpu.memory_space<hbm>> -> memref<128x128xf32, #tpu.memory_space<hbm>>
      %dma_start3A_53 = arith.constant 0 : i32
      %dma_start3A_54 = tpu.memref_slice %arg5[%arg0, %add3A_34, %dma_start3A_53] : memref<2x10240x128xf32, #tpu.memory_space<hbm>> -> memref<1x128x128xf32, #tpu.memory_space<hbm>>
      %dma_start3A_55 = tpu.memref_squeeze %dma_start3A_54 : memref<1x128x128xf32, #tpu.memory_space<hbm>> -> memref<128x128xf32, #tpu.memory_space<hbm>>
      tpu.enqueue_dma source(%arg8 : memref<128x128xf32, #tpu.memory_space<vmem>>) target(%dma_start3A_55 : memref<128x128xf32, #tpu.memory_space<hbm>>) target_semaphore(%run_scoped3A : memref<!tpu.dma_semaphore, #tpu.memory_space<semaphore_mem>>)
      %dma_wait3A = arith.constant 0 : i32
      %dma_wait3A_56 = tpu.memref_slice %arg5[%arg0, %add3A_34, %dma_wait3A] : memref<2x10240x128xf32, #tpu.memory_space<hbm>> -> memref<1x128x128xf32, #tpu.memory_space<hbm>>
      %dma_wait3A_57 = tpu.memref_squeeze %dma_wait3A_56 : memref<1x128x128xf32, #tpu.memory_space<hbm>> -> memref<128x128xf32, #tpu.memory_space<hbm>>
      %dma_wait3A_58 = arith.constant 0 : i32
      %dma_wait3A_59 = tpu.memref_slice %arg5[%arg0, %add3A_34, %dma_wait3A_58] : memref<2x10240x128xf32, #tpu.memory_space<hbm>> -> memref<1x128x128xf32, #tpu.memory_space<hbm>>
      %dma_wait3A_60 = tpu.memref_squeeze %dma_wait3A_59 : memref<1x128x128xf32, #tpu.memory_space<hbm>> -> memref<128x128xf32, #tpu.memory_space<hbm>>
      tpu.wait_dma2 semaphore(%run_scoped3A : memref<!tpu.dma_semaphore, #tpu.memory_space<semaphore_mem>>) src(%arg8 : memref<128x128xf32, #tpu.memory_space<vmem>>) dst(%dma_wait3A_60 : memref<128x128xf32, #tpu.memory_space<hbm>>)
      tpu.yield
    }) : () -> ()
    %mul3A_35 = arith.constant 640 : i32
    %mul3A_36 = arith.muli %arg1, %mul3A_35 : i32
    %add3A_37 = arith.constant 128 : i32
    %add3A_38 = arith.addi %mul3A_36, %add3A_37 : i32
    "tpu.region"() ({
      %run_scoped3A = tpu.sem_alloc : memref<!tpu.dma_semaphore, #tpu.memory_space<semaphore_mem>>
      %dma_start3A = arith.constant 0 : i32
      %dma_start3A_51 = tpu.memref_slice %arg9[%add3A_38, %dma_start3A] : memref<10240x128xf32, #tpu.memory_space<vmem_shared>> -> memref<128x128xf32, #tpu.memory_space<vmem_shared>>
      %dma_start3A_52 = arith.constant 0 : i32
      %dma_start3A_53 = tpu.memref_slice %arg9[%add3A_38, %dma_start3A_52] : memref<10240x128xf32, #tpu.memory_space<vmem_shared>> -> memref<128x128xf32, #tpu.memory_space<vmem_shared>>
      tpu.enqueue_dma source(%dma_start3A_53 : memref<128x128xf32, #tpu.memory_space<vmem_shared>>) target(%arg8 : memref<128x128xf32, #tpu.memory_space<vmem>>) target_semaphore(%run_scoped3A : memref<!tpu.dma_semaphore, #tpu.memory_space<semaphore_mem>>)
      %dma_wait3A = arith.constant 0 : i32
      %dma_wait3A_54 = tpu.memref_slice %arg9[%add3A_38, %dma_wait3A] : memref<10240x128xf32, #tpu.memory_space<vmem_shared>> -> memref<128x128xf32, #tpu.memory_space<vmem_shared>>
      %dma_wait3A_55 = arith.constant 0 : i32
      %dma_wait3A_56 = tpu.memref_slice %arg9[%add3A_38, %dma_wait3A_55] : memref<10240x128xf32, #tpu.memory_space<vmem_shared>> -> memref<128x128xf32, #tpu.memory_space<vmem_shared>>
      tpu.wait_dma2 semaphore(%run_scoped3A : memref<!tpu.dma_semaphore, #tpu.memory_space<semaphore_mem>>) src(%dma_wait3A_56 : memref<128x128xf32, #tpu.memory_space<vmem_shared>>) dst(%arg8 : memref<128x128xf32, #tpu.memory_space<vmem>>)
      tpu.yield
    }) : () -> ()
    "tpu.region"() ({
      %run_scoped3A = tpu.sem_alloc : memref<!tpu.dma_semaphore, #tpu.memory_space<semaphore_mem>>
      %dma_start3A = arith.constant 0 : i32
      %dma_start3A_51 = tpu.memref_slice %arg5[%arg0, %add3A_38, %dma_start3A] : memref<2x10240x128xf32, #tpu.memory_space<hbm>> -> memref<1x128x128xf32, #tpu.memory_space<hbm>>
      %dma_start3A_52 = tpu.memref_squeeze %dma_start3A_51 : memref<1x128x128xf32, #tpu.memory_space<hbm>> -> memref<128x128xf32, #tpu.memory_space<hbm>>
      %dma_start3A_53 = arith.constant 0 : i32
      %dma_start3A_54 = tpu.memref_slice %arg5[%arg0, %add3A_38, %dma_start3A_53] : memref<2x10240x128xf32, #tpu.memory_space<hbm>> -> memref<1x128x128xf32, #tpu.memory_space<hbm>>
      %dma_start3A_55 = tpu.memref_squeeze %dma_start3A_54 : memref<1x128x128xf32, #tpu.memory_space<hbm>> -> memref<128x128xf32, #tpu.memory_space<hbm>>
      tpu.enqueue_dma source(%arg8 : memref<128x128xf32, #tpu.memory_space<vmem>>) target(%dma_start3A_55 : memref<128x128xf32, #tpu.memory_space<hbm>>) target_semaphore(%run_scoped3A : memref<!tpu.dma_semaphore, #tpu.memory_space<semaphore_mem>>)
      %dma_wait3A = arith.constant 0 : i32
      %dma_wait3A_56 = tpu.memref_slice %arg5[%arg0, %add3A_38, %dma_wait3A] : memref<2x10240x128xf32, #tpu.memory_space<hbm>> -> memref<1x128x128xf32, #tpu.memory_space<hbm>>
      %dma_wait3A_57 = tpu.memref_squeeze %dma_wait3A_56 : memref<1x128x128xf32, #tpu.memory_space<hbm>> -> memref<128x128xf32, #tpu.memory_space<hbm>>
      %dma_wait3A_58 = arith.constant 0 : i32
      %dma_wait3A_59 = tpu.memref_slice %arg5[%arg0, %add3A_38, %dma_wait3A_58] : memref<2x10240x128xf32, #tpu.memory_space<hbm>> -> memref<1x128x128xf32, #tpu.memory_space<hbm>>
      %dma_wait3A_60 = tpu.memref_squeeze %dma_wait3A_59 : memref<1x128x128xf32, #tpu.memory_space<hbm>> -> memref<128x128xf32, #tpu.memory_space<hbm>>
      tpu.wait_dma2 semaphore(%run_scoped3A : memref<!tpu.dma_semaphore, #tpu.memory_space<semaphore_mem>>) src(%arg8 : memref<128x128xf32, #tpu.memory_space<vmem>>) dst(%dma_wait3A_60 : memref<128x128xf32, #tpu.memory_space<hbm>>)
      tpu.yield
    }) : () -> ()
    %mul3A_39 = arith.constant 640 : i32
    %mul3A_40 = arith.muli %arg1, %mul3A_39 : i32
    %add3A_41 = arith.constant 256 : i32
    %add3A_42 = arith.addi %mul3A_40, %add3A_41 : i32
    "tpu.region"() ({
      %run_scoped3A = tpu.sem_alloc : memref<!tpu.dma_semaphore, #tpu.memory_space<semaphore_mem>>
      %dma_start3A = arith.constant 0 : i32
      %dma_start3A_51 = tpu.memref_slice %arg9[%add3A_42, %dma_start3A] : memref<10240x128xf32, #tpu.memory_space<vmem_shared>> -> memref<128x128xf32, #tpu.memory_space<vmem_shared>>
      %dma_start3A_52 = arith.constant 0 : i32
      %dma_start3A_53 = tpu.memref_slice %arg9[%add3A_42, %dma_start3A_52] : memref<10240x128xf32, #tpu.memory_space<vmem_shared>> -> memref<128x128xf32, #tpu.memory_space<vmem_shared>>
      tpu.enqueue_dma source(%dma_start3A_53 : memref<128x128xf32, #tpu.memory_space<vmem_shared>>) target(%arg8 : memref<128x128xf32, #tpu.memory_space<vmem>>) target_semaphore(%run_scoped3A : memref<!tpu.dma_semaphore, #tpu.memory_space<semaphore_mem>>)
      %dma_wait3A = arith.constant 0 : i32
      %dma_wait3A_54 = tpu.memref_slice %arg9[%add3A_42, %dma_wait3A] : memref<10240x128xf32, #tpu.memory_space<vmem_shared>> -> memref<128x128xf32, #tpu.memory_space<vmem_shared>>
      %dma_wait3A_55 = arith.constant 0 : i32
      %dma_wait3A_56 = tpu.memref_slice %arg9[%add3A_42, %dma_wait3A_55] : memref<10240x128xf32, #tpu.memory_space<vmem_shared>> -> memref<128x128xf32, #tpu.memory_space<vmem_shared>>
      tpu.wait_dma2 semaphore(%run_scoped3A : memref<!tpu.dma_semaphore, #tpu.memory_space<semaphore_mem>>) src(%dma_wait3A_56 : memref<128x128xf32, #tpu.memory_space<vmem_shared>>) dst(%arg8 : memref<128x128xf32, #tpu.memory_space<vmem>>)
      tpu.yield
    }) : () -> ()
    "tpu.region"() ({
      %run_scoped3A = tpu.sem_alloc : memref<!tpu.dma_semaphore, #tpu.memory_space<semaphore_mem>>
      %dma_start3A = arith.constant 0 : i32
      %dma_start3A_51 = tpu.memref_slice %arg5[%arg0, %add3A_42, %dma_start3A] : memref<2x10240x128xf32, #tpu.memory_space<hbm>> -> memref<1x128x128xf32, #tpu.memory_space<hbm>>
      %dma_start3A_52 = tpu.memref_squeeze %dma_start3A_51 : memref<1x128x128xf32, #tpu.memory_space<hbm>> -> memref<128x128xf32, #tpu.memory_space<hbm>>
      %dma_start3A_53 = arith.constant 0 : i32
      %dma_start3A_54 = tpu.memref_slice %arg5[%arg0, %add3A_42, %dma_start3A_53] : memref<2x10240x128xf32, #tpu.memory_space<hbm>> -> memref<1x128x128xf32, #tpu.memory_space<hbm>>
      %dma_start3A_55 = tpu.memref_squeeze %dma_start3A_54 : memref<1x128x128xf32, #tpu.memory_space<hbm>> -> memref<128x128xf32, #tpu.memory_space<hbm>>
      tpu.enqueue_dma source(%arg8 : memref<128x128xf32, #tpu.memory_space<vmem>>) target(%dma_start3A_55 : memref<128x128xf32, #tpu.memory_space<hbm>>) target_semaphore(%run_scoped3A : memref<!tpu.dma_semaphore, #tpu.memory_space<semaphore_mem>>)
      %dma_wait3A = arith.constant 0 : i32
      %dma_wait3A_56 = tpu.memref_slice %arg5[%arg0, %add3A_42, %dma_wait3A] : memref<2x10240x128xf32, #tpu.memory_space<hbm>> -> memref<1x128x128xf32, #tpu.memory_space<hbm>>
      %dma_wait3A_57 = tpu.memref_squeeze %dma_wait3A_56 : memref<1x128x128xf32, #tpu.memory_space<hbm>> -> memref<128x128xf32, #tpu.memory_space<hbm>>
      %dma_wait3A_58 = arith.constant 0 : i32
      %dma_wait3A_59 = tpu.memref_slice %arg5[%arg0, %add3A_42, %dma_wait3A_58] : memref<2x10240x128xf32, #tpu.memory_space<hbm>> -> memref<1x128x128xf32, #tpu.memory_space<hbm>>
      %dma_wait3A_60 = tpu.memref_squeeze %dma_wait3A_59 : memref<1x128x128xf32, #tpu.memory_space<hbm>> -> memref<128x128xf32, #tpu.memory_space<hbm>>
      tpu.wait_dma2 semaphore(%run_scoped3A : memref<!tpu.dma_semaphore, #tpu.memory_space<semaphore_mem>>) src(%arg8 : memref<128x128xf32, #tpu.memory_space<vmem>>) dst(%dma_wait3A_60 : memref<128x128xf32, #tpu.memory_space<hbm>>)
      tpu.yield
    }) : () -> ()
    %mul3A_43 = arith.constant 640 : i32
    %mul3A_44 = arith.muli %arg1, %mul3A_43 : i32
    %add3A_45 = arith.constant 384 : i32
    %add3A_46 = arith.addi %mul3A_44, %add3A_45 : i32
    "tpu.region"() ({
      %run_scoped3A = tpu.sem_alloc : memref<!tpu.dma_semaphore, #tpu.memory_space<semaphore_mem>>
      %dma_start3A = arith.constant 0 : i32
      %dma_start3A_51 = tpu.memref_slice %arg9[%add3A_46, %dma_start3A] : memref<10240x128xf32, #tpu.memory_space<vmem_shared>> -> memref<128x128xf32, #tpu.memory_space<vmem_shared>>
      %dma_start3A_52 = arith.constant 0 : i32
      %dma_start3A_53 = tpu.memref_slice %arg9[%add3A_46, %dma_start3A_52] : memref<10240x128xf32, #tpu.memory_space<vmem_shared>> -> memref<128x128xf32, #tpu.memory_space<vmem_shared>>
      tpu.enqueue_dma source(%dma_start3A_53 : memref<128x128xf32, #tpu.memory_space<vmem_shared>>) target(%arg8 : memref<128x128xf32, #tpu.memory_space<vmem>>) target_semaphore(%run_scoped3A : memref<!tpu.dma_semaphore, #tpu.memory_space<semaphore_mem>>)
      %dma_wait3A = arith.constant 0 : i32
      %dma_wait3A_54 = tpu.memref_slice %arg9[%add3A_46, %dma_wait3A] : memref<10240x128xf32, #tpu.memory_space<vmem_shared>> -> memref<128x128xf32, #tpu.memory_space<vmem_shared>>
      %dma_wait3A_55 = arith.constant 0 : i32
      %dma_wait3A_56 = tpu.memref_slice %arg9[%add3A_46, %dma_wait3A_55] : memref<10240x128xf32, #tpu.memory_space<vmem_shared>> -> memref<128x128xf32, #tpu.memory_space<vmem_shared>>
      tpu.wait_dma2 semaphore(%run_scoped3A : memref<!tpu.dma_semaphore, #tpu.memory_space<semaphore_mem>>) src(%dma_wait3A_56 : memref<128x128xf32, #tpu.memory_space<vmem_shared>>) dst(%arg8 : memref<128x128xf32, #tpu.memory_space<vmem>>)
      tpu.yield
    }) : () -> ()
    "tpu.region"() ({
      %run_scoped3A = tpu.sem_alloc : memref<!tpu.dma_semaphore, #tpu.memory_space<semaphore_mem>>
      %dma_start3A = arith.constant 0 : i32
      %dma_start3A_51 = tpu.memref_slice %arg5[%arg0, %add3A_46, %dma_start3A] : memref<2x10240x128xf32, #tpu.memory_space<hbm>> -> memref<1x128x128xf32, #tpu.memory_space<hbm>>
      %dma_start3A_52 = tpu.memref_squeeze %dma_start3A_51 : memref<1x128x128xf32, #tpu.memory_space<hbm>> -> memref<128x128xf32, #tpu.memory_space<hbm>>
      %dma_start3A_53 = arith.constant 0 : i32
      %dma_start3A_54 = tpu.memref_slice %arg5[%arg0, %add3A_46, %dma_start3A_53] : memref<2x10240x128xf32, #tpu.memory_space<hbm>> -> memref<1x128x128xf32, #tpu.memory_space<hbm>>
      %dma_start3A_55 = tpu.memref_squeeze %dma_start3A_54 : memref<1x128x128xf32, #tpu.memory_space<hbm>> -> memref<128x128xf32, #tpu.memory_space<hbm>>
      tpu.enqueue_dma source(%arg8 : memref<128x128xf32, #tpu.memory_space<vmem>>) target(%dma_start3A_55 : memref<128x128xf32, #tpu.memory_space<hbm>>) target_semaphore(%run_scoped3A : memref<!tpu.dma_semaphore, #tpu.memory_space<semaphore_mem>>)
      %dma_wait3A = arith.constant 0 : i32
      %dma_wait3A_56 = tpu.memref_slice %arg5[%arg0, %add3A_46, %dma_wait3A] : memref<2x10240x128xf32, #tpu.memory_space<hbm>> -> memref<1x128x128xf32, #tpu.memory_space<hbm>>
      %dma_wait3A_57 = tpu.memref_squeeze %dma_wait3A_56 : memref<1x128x128xf32, #tpu.memory_space<hbm>> -> memref<128x128xf32, #tpu.memory_space<hbm>>
      %dma_wait3A_58 = arith.constant 0 : i32
      %dma_wait3A_59 = tpu.memref_slice %arg5[%arg0, %add3A_46, %dma_wait3A_58] : memref<2x10240x128xf32, #tpu.memory_space<hbm>> -> memref<1x128x128xf32, #tpu.memory_space<hbm>>
      %dma_wait3A_60 = tpu.memref_squeeze %dma_wait3A_59 : memref<1x128x128xf32, #tpu.memory_space<hbm>> -> memref<128x128xf32, #tpu.memory_space<hbm>>
      tpu.wait_dma2 semaphore(%run_scoped3A : memref<!tpu.dma_semaphore, #tpu.memory_space<semaphore_mem>>) src(%arg8 : memref<128x128xf32, #tpu.memory_space<vmem>>) dst(%dma_wait3A_60 : memref<128x128xf32, #tpu.memory_space<hbm>>)
      tpu.yield
    }) : () -> ()
    %mul3A_47 = arith.constant 640 : i32
    %mul3A_48 = arith.muli %arg1, %mul3A_47 : i32
    %add3A_49 = arith.constant 512 : i32
    %add3A_50 = arith.addi %mul3A_48, %add3A_49 : i32
    "tpu.region"() ({
      %run_scoped3A = tpu.sem_alloc : memref<!tpu.dma_semaphore, #tpu.memory_space<semaphore_mem>>
      %dma_start3A = arith.constant 0 : i32
      %dma_start3A_51 = tpu.memref_slice %arg9[%add3A_50, %dma_start3A] : memref<10240x128xf32, #tpu.memory_space<vmem_shared>> -> memref<128x128xf32, #tpu.memory_space<vmem_shared>>
      %dma_start3A_52 = arith.constant 0 : i32
      %dma_start3A_53 = tpu.memref_slice %arg9[%add3A_50, %dma_start3A_52] : memref<10240x128xf32, #tpu.memory_space<vmem_shared>> -> memref<128x128xf32, #tpu.memory_space<vmem_shared>>
      tpu.enqueue_dma source(%dma_start3A_53 : memref<128x128xf32, #tpu.memory_space<vmem_shared>>) target(%arg8 : memref<128x128xf32, #tpu.memory_space<vmem>>) target_semaphore(%run_scoped3A : memref<!tpu.dma_semaphore, #tpu.memory_space<semaphore_mem>>)
      %dma_wait3A = arith.constant 0 : i32
      %dma_wait3A_54 = tpu.memref_slice %arg9[%add3A_50, %dma_wait3A] : memref<10240x128xf32, #tpu.memory_space<vmem_shared>> -> memref<128x128xf32, #tpu.memory_space<vmem_shared>>
      %dma_wait3A_55 = arith.constant 0 : i32
      %dma_wait3A_56 = tpu.memref_slice %arg9[%add3A_50, %dma_wait3A_55] : memref<10240x128xf32, #tpu.memory_space<vmem_shared>> -> memref<128x128xf32, #tpu.memory_space<vmem_shared>>
      tpu.wait_dma2 semaphore(%run_scoped3A : memref<!tpu.dma_semaphore, #tpu.memory_space<semaphore_mem>>) src(%dma_wait3A_56 : memref<128x128xf32, #tpu.memory_space<vmem_shared>>) dst(%arg8 : memref<128x128xf32, #tpu.memory_space<vmem>>)
      tpu.yield
    }) : () -> ()
    "tpu.region"() ({
      %run_scoped3A = tpu.sem_alloc : memref<!tpu.dma_semaphore, #tpu.memory_space<semaphore_mem>>
      %dma_start3A = arith.constant 0 : i32
      %dma_start3A_51 = tpu.memref_slice %arg5[%arg0, %add3A_50, %dma_start3A] : memref<2x10240x128xf32, #tpu.memory_space<hbm>> -> memref<1x128x128xf32, #tpu.memory_space<hbm>>
      %dma_start3A_52 = tpu.memref_squeeze %dma_start3A_51 : memref<1x128x128xf32, #tpu.memory_space<hbm>> -> memref<128x128xf32, #tpu.memory_space<hbm>>
      %dma_start3A_53 = arith.constant 0 : i32
      %dma_start3A_54 = tpu.memref_slice %arg5[%arg0, %add3A_50, %dma_start3A_53] : memref<2x10240x128xf32, #tpu.memory_space<hbm>> -> memref<1x128x128xf32, #tpu.memory_space<hbm>>
      %dma_start3A_55 = tpu.memref_squeeze %dma_start3A_54 : memref<1x128x128xf32, #tpu.memory_space<hbm>> -> memref<128x128xf32, #tpu.memory_space<hbm>>
      tpu.enqueue_dma source(%arg8 : memref<128x128xf32, #tpu.memory_space<vmem>>) target(%dma_start3A_55 : memref<128x128xf32, #tpu.memory_space<hbm>>) target_semaphore(%run_scoped3A : memref<!tpu.dma_semaphore, #tpu.memory_space<semaphore_mem>>)
      %dma_wait3A = arith.constant 0 : i32
      %dma_wait3A_56 = tpu.memref_slice %arg5[%arg0, %add3A_50, %dma_wait3A] : memref<2x10240x128xf32, #tpu.memory_space<hbm>> -> memref<1x128x128xf32, #tpu.memory_space<hbm>>
      %dma_wait3A_57 = tpu.memref_squeeze %dma_wait3A_56 : memref<1x128x128xf32, #tpu.memory_space<hbm>> -> memref<128x128xf32, #tpu.memory_space<hbm>>
      %dma_wait3A_58 = arith.constant 0 : i32
      %dma_wait3A_59 = tpu.memref_slice %arg5[%arg0, %add3A_50, %dma_wait3A_58] : memref<2x10240x128xf32, #tpu.memory_space<hbm>> -> memref<1x128x128xf32, #tpu.memory_space<hbm>>
      %dma_wait3A_60 = tpu.memref_squeeze %dma_wait3A_59 : memref<1x128x128xf32, #tpu.memory_space<hbm>> -> memref<128x128xf32, #tpu.memory_space<hbm>>
      tpu.wait_dma2 semaphore(%run_scoped3A : memref<!tpu.dma_semaphore, #tpu.memory_space<semaphore_mem>>) src(%arg8 : memref<128x128xf32, #tpu.memory_space<vmem>>) dst(%dma_wait3A_60 : memref<128x128xf32, #tpu.memory_space<hbm>>)
      tpu.yield
    }) : () -> ()
    return
  }
}

#map = affine_map<(d0, d1) -> (0, 0, 0)>
module attributes {stable_mosaic.version = 14 : i64} {
  func.func @_deg_body(%arg0: i32, %arg1: i32, %arg2: memref<32x79x128xi32, #tpu.memory_space<hbm>>, %arg3: memref<2x10240x128xf32, #tpu.memory_space<hbm>>, %arg4: memref<79x128xi32, #tpu.memory_space<vmem>>, %arg5: memref<128x128xf32, #tpu.memory_space<vmem>>, %arg6: memref<10240x128xf32, #tpu.memory_space<vmem_shared>>) attributes {dimension_semantics = [#tpu.dimension_semantics<core_parallel>, #tpu.dimension_semantics<subcore_parallel>], iteration_bounds = array<i64: 2, 16>, scalar_prefetch = 0 : i64, scratch_operands = 3 : i64, tpu.core_type = #tpu.core_type<sc_vector_subcore>, window_params = [{transform_indices = #map}, {transform_indices = #map}]} {
    %mul3A = arith.constant 2 : i32
    %mul3A_0 = arith.muli %arg1, %mul3A : i32
    %add3A = arith.addi %mul3A_0, %arg0 : i32
    %scan3A = arith.constant 0 : i32
    %scan3A_1 = arith.constant 128 : i32
    %scan3A_2 = arith.addi %scan3A, %scan3A_1 : i32
    %scan3A_3 = arith.constant 1 : i32
    scf.for %scan3A_56 = %scan3A to %scan3A_2 step %scan3A_3  : i32 {
      %broadcast_in_dim3A = arith.constant 0.000000e+00 : f32
      %broadcast_in_dim3A_57 = vector.broadcast %broadcast_in_dim3A : f32 to vector<16xf32>
      %swap3A = arith.index_cast %scan3A_56 : i32 to index
      %swap3A_58 = arith.constant 0 : index
      %swap3A_59 = tpu.vector_load %arg5[%swap3A, %swap3A_58] {strides = array<i32>} : memref<128x128xf32, #tpu.memory_space<vmem>>, vector<1x16xf32>,
      %swap3A_60 = vector.shape_cast %swap3A_59 : vector<1x16xf32> to vector<16xf32>
      %swap3A_61 = vector.shape_cast %broadcast_in_dim3A_57 : vector<16xf32> to vector<1x16xf32>
      tpu.vector_store %arg5[%swap3A, %swap3A_58], %swap3A_61 {strides = array<i32>} : memref<128x128xf32, #tpu.memory_space<vmem>>, vector<1x16xf32>,
      %broadcast_in_dim3A_62 = arith.constant 0.000000e+00 : f32
      %broadcast_in_dim3A_63 = vector.broadcast %broadcast_in_dim3A_62 : f32 to vector<16xf32>
      %swap3A_64 = arith.index_cast %scan3A_56 : i32 to index
      %swap3A_65 = arith.constant 16 : index
      %swap3A_66 = tpu.vector_load %arg5[%swap3A_64, %swap3A_65] {strides = array<i32>} : memref<128x128xf32, #tpu.memory_space<vmem>>, vector<1x16xf32>,
      %swap3A_67 = vector.shape_cast %swap3A_66 : vector<1x16xf32> to vector<16xf32>
      %swap3A_68 = vector.shape_cast %broadcast_in_dim3A_63 : vector<16xf32> to vector<1x16xf32>
      tpu.vector_store %arg5[%swap3A_64, %swap3A_65], %swap3A_68 {strides = array<i32>} : memref<128x128xf32, #tpu.memory_space<vmem>>, vector<1x16xf32>,
      %broadcast_in_dim3A_69 = arith.constant 0.000000e+00 : f32
      %broadcast_in_dim3A_70 = vector.broadcast %broadcast_in_dim3A_69 : f32 to vector<16xf32>
      %swap3A_71 = arith.index_cast %scan3A_56 : i32 to index
      %swap3A_72 = arith.constant 32 : index
      %swap3A_73 = tpu.vector_load %arg5[%swap3A_71, %swap3A_72] {strides = array<i32>} : memref<128x128xf32, #tpu.memory_space<vmem>>, vector<1x16xf32>,
      %swap3A_74 = vector.shape_cast %swap3A_73 : vector<1x16xf32> to vector<16xf32>
      %swap3A_75 = vector.shape_cast %broadcast_in_dim3A_70 : vector<16xf32> to vector<1x16xf32>
      tpu.vector_store %arg5[%swap3A_71, %swap3A_72], %swap3A_75 {strides = array<i32>} : memref<128x128xf32, #tpu.memory_space<vmem>>, vector<1x16xf32>,
      %broadcast_in_dim3A_76 = arith.constant 0.000000e+00 : f32
      %broadcast_in_dim3A_77 = vector.broadcast %broadcast_in_dim3A_76 : f32 to vector<16xf32>
      %swap3A_78 = arith.index_cast %scan3A_56 : i32 to index
      %swap3A_79 = arith.constant 48 : index
      %swap3A_80 = tpu.vector_load %arg5[%swap3A_78, %swap3A_79] {strides = array<i32>} : memref<128x128xf32, #tpu.memory_space<vmem>>, vector<1x16xf32>,
      %swap3A_81 = vector.shape_cast %swap3A_80 : vector<1x16xf32> to vector<16xf32>
      %swap3A_82 = vector.shape_cast %broadcast_in_dim3A_77 : vector<16xf32> to vector<1x16xf32>
      tpu.vector_store %arg5[%swap3A_78, %swap3A_79], %swap3A_82 {strides = array<i32>} : memref<128x128xf32, #tpu.memory_space<vmem>>, vector<1x16xf32>,
      %broadcast_in_dim3A_83 = arith.constant 0.000000e+00 : f32
      %broadcast_in_dim3A_84 = vector.broadcast %broadcast_in_dim3A_83 : f32 to vector<16xf32>
      %swap3A_85 = arith.index_cast %scan3A_56 : i32 to index
      %swap3A_86 = arith.constant 64 : index
      %swap3A_87 = tpu.vector_load %arg5[%swap3A_85, %swap3A_86] {strides = array<i32>} : memref<128x128xf32, #tpu.memory_space<vmem>>, vector<1x16xf32>,
      %swap3A_88 = vector.shape_cast %swap3A_87 : vector<1x16xf32> to vector<16xf32>
      %swap3A_89 = vector.shape_cast %broadcast_in_dim3A_84 : vector<16xf32> to vector<1x16xf32>
      tpu.vector_store %arg5[%swap3A_85, %swap3A_86], %swap3A_89 {strides = array<i32>} : memref<128x128xf32, #tpu.memory_space<vmem>>, vector<1x16xf32>,
      %broadcast_in_dim3A_90 = arith.constant 0.000000e+00 : f32
      %broadcast_in_dim3A_91 = vector.broadcast %broadcast_in_dim3A_90 : f32 to vector<16xf32>
      %swap3A_92 = arith.index_cast %scan3A_56 : i32 to index
      %swap3A_93 = arith.constant 80 : index
      %swap3A_94 = tpu.vector_load %arg5[%swap3A_92, %swap3A_93] {strides = array<i32>} : memref<128x128xf32, #tpu.memory_space<vmem>>, vector<1x16xf32>,
      %swap3A_95 = vector.shape_cast %swap3A_94 : vector<1x16xf32> to vector<16xf32>
      %swap3A_96 = vector.shape_cast %broadcast_in_dim3A_91 : vector<16xf32> to vector<1x16xf32>
      tpu.vector_store %arg5[%swap3A_92, %swap3A_93], %swap3A_96 {strides = array<i32>} : memref<128x128xf32, #tpu.memory_space<vmem>>, vector<1x16xf32>,
      %broadcast_in_dim3A_97 = arith.constant 0.000000e+00 : f32
      %broadcast_in_dim3A_98 = vector.broadcast %broadcast_in_dim3A_97 : f32 to vector<16xf32>
      %swap3A_99 = arith.index_cast %scan3A_56 : i32 to index
      %swap3A_100 = arith.constant 96 : index
      %swap3A_101 = tpu.vector_load %arg5[%swap3A_99, %swap3A_100] {strides = array<i32>} : memref<128x128xf32, #tpu.memory_space<vmem>>, vector<1x16xf32>,
      %swap3A_102 = vector.shape_cast %swap3A_101 : vector<1x16xf32> to vector<16xf32>
      %swap3A_103 = vector.shape_cast %broadcast_in_dim3A_98 : vector<16xf32> to vector<1x16xf32>
      tpu.vector_store %arg5[%swap3A_99, %swap3A_100], %swap3A_103 {strides = array<i32>} : memref<128x128xf32, #tpu.memory_space<vmem>>, vector<1x16xf32>,
      %broadcast_in_dim3A_104 = arith.constant 0.000000e+00 : f32
      %broadcast_in_dim3A_105 = vector.broadcast %broadcast_in_dim3A_104 : f32 to vector<16xf32>
      %swap3A_106 = arith.index_cast %scan3A_56 : i32 to index
      %swap3A_107 = arith.constant 112 : index
      %swap3A_108 = tpu.vector_load %arg5[%swap3A_106, %swap3A_107] {strides = array<i32>} : memref<128x128xf32, #tpu.memory_space<vmem>>, vector<1x16xf32>,
      %swap3A_109 = vector.shape_cast %swap3A_108 : vector<1x16xf32> to vector<16xf32>
      %swap3A_110 = vector.shape_cast %broadcast_in_dim3A_105 : vector<16xf32> to vector<1x16xf32>
      tpu.vector_store %arg5[%swap3A_106, %swap3A_107], %swap3A_110 {strides = array<i32>} : memref<128x128xf32, #tpu.memory_space<vmem>>, vector<1x16xf32>,
    }
    %scan3A_4 = arith.constant 128 : i32
    %mul3A_5 = arith.constant 640 : i32
    %mul3A_6 = arith.muli %arg1, %mul3A_5 : i32
    %add3A_7 = arith.constant 0 : i32
    %add3A_8 = arith.addi %mul3A_6, %add3A_7 : i32
    "tpu.region"() ({
      %run_scoped3A = tpu.sem_alloc : memref<!tpu.dma_semaphore, #tpu.memory_space<semaphore_mem>>
      %dma_start3A = arith.constant 0 : i32
      %dma_start3A_56 = tpu.memref_slice %arg6[%add3A_8, %dma_start3A] : memref<10240x128xf32, #tpu.memory_space<vmem_shared>> -> memref<128x128xf32, #tpu.memory_space<vmem_shared>>
      %dma_start3A_57 = arith.constant 0 : i32
      %dma_start3A_58 = tpu.memref_slice %arg6[%add3A_8, %dma_start3A_57] : memref<10240x128xf32, #tpu.memory_space<vmem_shared>> -> memref<128x128xf32, #tpu.memory_space<vmem_shared>>
      tpu.enqueue_dma source(%arg5 : memref<128x128xf32, #tpu.memory_space<vmem>>) target(%dma_start3A_58 : memref<128x128xf32, #tpu.memory_space<vmem_shared>>) target_semaphore(%run_scoped3A : memref<!tpu.dma_semaphore, #tpu.memory_space<semaphore_mem>>)
      %dma_wait3A = arith.constant 0 : i32
      %dma_wait3A_59 = tpu.memref_slice %arg6[%add3A_8, %dma_wait3A] : memref<10240x128xf32, #tpu.memory_space<vmem_shared>> -> memref<128x128xf32, #tpu.memory_space<vmem_shared>>
      %dma_wait3A_60 = arith.constant 0 : i32
      %dma_wait3A_61 = tpu.memref_slice %arg6[%add3A_8, %dma_wait3A_60] : memref<10240x128xf32, #tpu.memory_space<vmem_shared>> -> memref<128x128xf32, #tpu.memory_space<vmem_shared>>
      tpu.wait_dma2 semaphore(%run_scoped3A : memref<!tpu.dma_semaphore, #tpu.memory_space<semaphore_mem>>) src(%arg5 : memref<128x128xf32, #tpu.memory_space<vmem>>) dst(%dma_wait3A_61 : memref<128x128xf32, #tpu.memory_space<vmem_shared>>)
      tpu.yield
    }) : () -> ()
    %mul3A_9 = arith.constant 640 : i32
    %mul3A_10 = arith.muli %arg1, %mul3A_9 : i32
    %add3A_11 = arith.constant 128 : i32
    %add3A_12 = arith.addi %mul3A_10, %add3A_11 : i32
    "tpu.region"() ({
      %run_scoped3A = tpu.sem_alloc : memref<!tpu.dma_semaphore, #tpu.memory_space<semaphore_mem>>
      %dma_start3A = arith.constant 0 : i32
      %dma_start3A_56 = tpu.memref_slice %arg6[%add3A_12, %dma_start3A] : memref<10240x128xf32, #tpu.memory_space<vmem_shared>> -> memref<128x128xf32, #tpu.memory_space<vmem_shared>>
      %dma_start3A_57 = arith.constant 0 : i32
      %dma_start3A_58 = tpu.memref_slice %arg6[%add3A_12, %dma_start3A_57] : memref<10240x128xf32, #tpu.memory_space<vmem_shared>> -> memref<128x128xf32, #tpu.memory_space<vmem_shared>>
      tpu.enqueue_dma source(%arg5 : memref<128x128xf32, #tpu.memory_space<vmem>>) target(%dma_start3A_58 : memref<128x128xf32, #tpu.memory_space<vmem_shared>>) target_semaphore(%run_scoped3A : memref<!tpu.dma_semaphore, #tpu.memory_space<semaphore_mem>>)
      %dma_wait3A = arith.constant 0 : i32
      %dma_wait3A_59 = tpu.memref_slice %arg6[%add3A_12, %dma_wait3A] : memref<10240x128xf32, #tpu.memory_space<vmem_shared>> -> memref<128x128xf32, #tpu.memory_space<vmem_shared>>
      %dma_wait3A_60 = arith.constant 0 : i32
      %dma_wait3A_61 = tpu.memref_slice %arg6[%add3A_12, %dma_wait3A_60] : memref<10240x128xf32, #tpu.memory_space<vmem_shared>> -> memref<128x128xf32, #tpu.memory_space<vmem_shared>>
      tpu.wait_dma2 semaphore(%run_scoped3A : memref<!tpu.dma_semaphore, #tpu.memory_space<semaphore_mem>>) src(%arg5 : memref<128x128xf32, #tpu.memory_space<vmem>>) dst(%dma_wait3A_61 : memref<128x128xf32, #tpu.memory_space<vmem_shared>>)
      tpu.yield
    }) : () -> ()
    %mul3A_13 = arith.constant 640 : i32
    %mul3A_14 = arith.muli %arg1, %mul3A_13 : i32
    %add3A_15 = arith.constant 256 : i32
    %add3A_16 = arith.addi %mul3A_14, %add3A_15 : i32
    "tpu.region"() ({
      %run_scoped3A = tpu.sem_alloc : memref<!tpu.dma_semaphore, #tpu.memory_space<semaphore_mem>>
      %dma_start3A = arith.constant 0 : i32
      %dma_start3A_56 = tpu.memref_slice %arg6[%add3A_16, %dma_start3A] : memref<10240x128xf32, #tpu.memory_space<vmem_shared>> -> memref<128x128xf32, #tpu.memory_space<vmem_shared>>
      %dma_start3A_57 = arith.constant 0 : i32
      %dma_start3A_58 = tpu.memref_slice %arg6[%add3A_16, %dma_start3A_57] : memref<10240x128xf32, #tpu.memory_space<vmem_shared>> -> memref<128x128xf32, #tpu.memory_space<vmem_shared>>
      tpu.enqueue_dma source(%arg5 : memref<128x128xf32, #tpu.memory_space<vmem>>) target(%dma_start3A_58 : memref<128x128xf32, #tpu.memory_space<vmem_shared>>) target_semaphore(%run_scoped3A : memref<!tpu.dma_semaphore, #tpu.memory_space<semaphore_mem>>)
      %dma_wait3A = arith.constant 0 : i32
      %dma_wait3A_59 = tpu.memref_slice %arg6[%add3A_16, %dma_wait3A] : memref<10240x128xf32, #tpu.memory_space<vmem_shared>> -> memref<128x128xf32, #tpu.memory_space<vmem_shared>>
      %dma_wait3A_60 = arith.constant 0 : i32
      %dma_wait3A_61 = tpu.memref_slice %arg6[%add3A_16, %dma_wait3A_60] : memref<10240x128xf32, #tpu.memory_space<vmem_shared>> -> memref<128x128xf32, #tpu.memory_space<vmem_shared>>
      tpu.wait_dma2 semaphore(%run_scoped3A : memref<!tpu.dma_semaphore, #tpu.memory_space<semaphore_mem>>) src(%arg5 : memref<128x128xf32, #tpu.memory_space<vmem>>) dst(%dma_wait3A_61 : memref<128x128xf32, #tpu.memory_space<vmem_shared>>)
      tpu.yield
    }) : () -> ()
    %mul3A_17 = arith.constant 640 : i32
    %mul3A_18 = arith.muli %arg1, %mul3A_17 : i32
    %add3A_19 = arith.constant 384 : i32
    %add3A_20 = arith.addi %mul3A_18, %add3A_19 : i32
    "tpu.region"() ({
      %run_scoped3A = tpu.sem_alloc : memref<!tpu.dma_semaphore, #tpu.memory_space<semaphore_mem>>
      %dma_start3A = arith.constant 0 : i32
      %dma_start3A_56 = tpu.memref_slice %arg6[%add3A_20, %dma_start3A] : memref<10240x128xf32, #tpu.memory_space<vmem_shared>> -> memref<128x128xf32, #tpu.memory_space<vmem_shared>>
      %dma_start3A_57 = arith.constant 0 : i32
      %dma_start3A_58 = tpu.memref_slice %arg6[%add3A_20, %dma_start3A_57] : memref<10240x128xf32, #tpu.memory_space<vmem_shared>> -> memref<128x128xf32, #tpu.memory_space<vmem_shared>>
      tpu.enqueue_dma source(%arg5 : memref<128x128xf32, #tpu.memory_space<vmem>>) target(%dma_start3A_58 : memref<128x128xf32, #tpu.memory_space<vmem_shared>>) target_semaphore(%run_scoped3A : memref<!tpu.dma_semaphore, #tpu.memory_space<semaphore_mem>>)
      %dma_wait3A = arith.constant 0 : i32
      %dma_wait3A_59 = tpu.memref_slice %arg6[%add3A_20, %dma_wait3A] : memref<10240x128xf32, #tpu.memory_space<vmem_shared>> -> memref<128x128xf32, #tpu.memory_space<vmem_shared>>
      %dma_wait3A_60 = arith.constant 0 : i32
      %dma_wait3A_61 = tpu.memref_slice %arg6[%add3A_20, %dma_wait3A_60] : memref<10240x128xf32, #tpu.memory_space<vmem_shared>> -> memref<128x128xf32, #tpu.memory_space<vmem_shared>>
      tpu.wait_dma2 semaphore(%run_scoped3A : memref<!tpu.dma_semaphore, #tpu.memory_space<semaphore_mem>>) src(%arg5 : memref<128x128xf32, #tpu.memory_space<vmem>>) dst(%dma_wait3A_61 : memref<128x128xf32, #tpu.memory_space<vmem_shared>>)
      tpu.yield
    }) : () -> ()
    %mul3A_21 = arith.constant 640 : i32
    %mul3A_22 = arith.muli %arg1, %mul3A_21 : i32
    %add3A_23 = arith.constant 512 : i32
    %add3A_24 = arith.addi %mul3A_22, %add3A_23 : i32
    "tpu.region"() ({
      %run_scoped3A = tpu.sem_alloc : memref<!tpu.dma_semaphore, #tpu.memory_space<semaphore_mem>>
      %dma_start3A = arith.constant 0 : i32
      %dma_start3A_56 = tpu.memref_slice %arg6[%add3A_24, %dma_start3A] : memref<10240x128xf32, #tpu.memory_space<vmem_shared>> -> memref<128x128xf32, #tpu.memory_space<vmem_shared>>
      %dma_start3A_57 = arith.constant 0 : i32
      %dma_start3A_58 = tpu.memref_slice %arg6[%add3A_24, %dma_start3A_57] : memref<10240x128xf32, #tpu.memory_space<vmem_shared>> -> memref<128x128xf32, #tpu.memory_space<vmem_shared>>
      tpu.enqueue_dma source(%arg5 : memref<128x128xf32, #tpu.memory_space<vmem>>) target(%dma_start3A_58 : memref<128x128xf32, #tpu.memory_space<vmem_shared>>) target_semaphore(%run_scoped3A : memref<!tpu.dma_semaphore, #tpu.memory_space<semaphore_mem>>)
      %dma_wait3A = arith.constant 0 : i32
      %dma_wait3A_59 = tpu.memref_slice %arg6[%add3A_24, %dma_wait3A] : memref<10240x128xf32, #tpu.memory_space<vmem_shared>> -> memref<128x128xf32, #tpu.memory_space<vmem_shared>>
      %dma_wait3A_60 = arith.constant 0 : i32
      %dma_wait3A_61 = tpu.memref_slice %arg6[%add3A_24, %dma_wait3A_60] : memref<10240x128xf32, #tpu.memory_space<vmem_shared>> -> memref<128x128xf32, #tpu.memory_space<vmem_shared>>
      tpu.wait_dma2 semaphore(%run_scoped3A : memref<!tpu.dma_semaphore, #tpu.memory_space<semaphore_mem>>) src(%arg5 : memref<128x128xf32, #tpu.memory_space<vmem>>) dst(%dma_wait3A_61 : memref<128x128xf32, #tpu.memory_space<vmem_shared>>)
      tpu.yield
    }) : () -> ()
    %scan3A_25 = arith.constant 0 : i32
    %scan3A_26 = arith.constant 128 : i32
    %scan3A_27 = arith.addi %scan3A_25, %scan3A_26 : i32
    %scan3A_28 = arith.constant 1 : i32
    scf.for %scan3A_56 = %scan3A_25 to %scan3A_27 step %scan3A_28  : i32 {
      %broadcast_in_dim3A = arith.constant 1.000000e+00 : f32
      %broadcast_in_dim3A_57 = vector.broadcast %broadcast_in_dim3A : f32 to vector<16xf32>
      %swap3A = arith.index_cast %scan3A_56 : i32 to index
      %swap3A_58 = arith.constant 0 : index
      %swap3A_59 = tpu.vector_load %arg5[%swap3A, %swap3A_58] {strides = array<i32>} : memref<128x128xf32, #tpu.memory_space<vmem>>, vector<1x16xf32>,
      %swap3A_60 = vector.shape_cast %swap3A_59 : vector<1x16xf32> to vector<16xf32>
      %swap3A_61 = vector.shape_cast %broadcast_in_dim3A_57 : vector<16xf32> to vector<1x16xf32>
      tpu.vector_store %arg5[%swap3A, %swap3A_58], %swap3A_61 {strides = array<i32>} : memref<128x128xf32, #tpu.memory_space<vmem>>, vector<1x16xf32>,
      %broadcast_in_dim3A_62 = arith.constant 1.000000e+00 : f32
      %broadcast_in_dim3A_63 = vector.broadcast %broadcast_in_dim3A_62 : f32 to vector<16xf32>
      %swap3A_64 = arith.index_cast %scan3A_56 : i32 to index
      %swap3A_65 = arith.constant 16 : index
      %swap3A_66 = tpu.vector_load %arg5[%swap3A_64, %swap3A_65] {strides = array<i32>} : memref<128x128xf32, #tpu.memory_space<vmem>>, vector<1x16xf32>,
      %swap3A_67 = vector.shape_cast %swap3A_66 : vector<1x16xf32> to vector<16xf32>
      %swap3A_68 = vector.shape_cast %broadcast_in_dim3A_63 : vector<16xf32> to vector<1x16xf32>
      tpu.vector_store %arg5[%swap3A_64, %swap3A_65], %swap3A_68 {strides = array<i32>} : memref<128x128xf32, #tpu.memory_space<vmem>>, vector<1x16xf32>,
      %broadcast_in_dim3A_69 = arith.constant 1.000000e+00 : f32
      %broadcast_in_dim3A_70 = vector.broadcast %broadcast_in_dim3A_69 : f32 to vector<16xf32>
      %swap3A_71 = arith.index_cast %scan3A_56 : i32 to index
      %swap3A_72 = arith.constant 32 : index
      %swap3A_73 = tpu.vector_load %arg5[%swap3A_71, %swap3A_72] {strides = array<i32>} : memref<128x128xf32, #tpu.memory_space<vmem>>, vector<1x16xf32>,
      %swap3A_74 = vector.shape_cast %swap3A_73 : vector<1x16xf32> to vector<16xf32>
      %swap3A_75 = vector.shape_cast %broadcast_in_dim3A_70 : vector<16xf32> to vector<1x16xf32>
      tpu.vector_store %arg5[%swap3A_71, %swap3A_72], %swap3A_75 {strides = array<i32>} : memref<128x128xf32, #tpu.memory_space<vmem>>, vector<1x16xf32>,
      %broadcast_in_dim3A_76 = arith.constant 1.000000e+00 : f32
      %broadcast_in_dim3A_77 = vector.broadcast %broadcast_in_dim3A_76 : f32 to vector<16xf32>
      %swap3A_78 = arith.index_cast %scan3A_56 : i32 to index
      %swap3A_79 = arith.constant 48 : index
      %swap3A_80 = tpu.vector_load %arg5[%swap3A_78, %swap3A_79] {strides = array<i32>} : memref<128x128xf32, #tpu.memory_space<vmem>>, vector<1x16xf32>,
      %swap3A_81 = vector.shape_cast %swap3A_80 : vector<1x16xf32> to vector<16xf32>
      %swap3A_82 = vector.shape_cast %broadcast_in_dim3A_77 : vector<16xf32> to vector<1x16xf32>
      tpu.vector_store %arg5[%swap3A_78, %swap3A_79], %swap3A_82 {strides = array<i32>} : memref<128x128xf32, #tpu.memory_space<vmem>>, vector<1x16xf32>,
      %broadcast_in_dim3A_83 = arith.constant 1.000000e+00 : f32
      %broadcast_in_dim3A_84 = vector.broadcast %broadcast_in_dim3A_83 : f32 to vector<16xf32>
      %swap3A_85 = arith.index_cast %scan3A_56 : i32 to index
      %swap3A_86 = arith.constant 64 : index
      %swap3A_87 = tpu.vector_load %arg5[%swap3A_85, %swap3A_86] {strides = array<i32>} : memref<128x128xf32, #tpu.memory_space<vmem>>, vector<1x16xf32>,
      %swap3A_88 = vector.shape_cast %swap3A_87 : vector<1x16xf32> to vector<16xf32>
      %swap3A_89 = vector.shape_cast %broadcast_in_dim3A_84 : vector<16xf32> to vector<1x16xf32>
      tpu.vector_store %arg5[%swap3A_85, %swap3A_86], %swap3A_89 {strides = array<i32>} : memref<128x128xf32, #tpu.memory_space<vmem>>, vector<1x16xf32>,
      %broadcast_in_dim3A_90 = arith.constant 1.000000e+00 : f32
      %broadcast_in_dim3A_91 = vector.broadcast %broadcast_in_dim3A_90 : f32 to vector<16xf32>
      %swap3A_92 = arith.index_cast %scan3A_56 : i32 to index
      %swap3A_93 = arith.constant 80 : index
      %swap3A_94 = tpu.vector_load %arg5[%swap3A_92, %swap3A_93] {strides = array<i32>} : memref<128x128xf32, #tpu.memory_space<vmem>>, vector<1x16xf32>,
      %swap3A_95 = vector.shape_cast %swap3A_94 : vector<1x16xf32> to vector<16xf32>
      %swap3A_96 = vector.shape_cast %broadcast_in_dim3A_91 : vector<16xf32> to vector<1x16xf32>
      tpu.vector_store %arg5[%swap3A_92, %swap3A_93], %swap3A_96 {strides = array<i32>} : memref<128x128xf32, #tpu.memory_space<vmem>>, vector<1x16xf32>,
      %broadcast_in_dim3A_97 = arith.constant 1.000000e+00 : f32
      %broadcast_in_dim3A_98 = vector.broadcast %broadcast_in_dim3A_97 : f32 to vector<16xf32>
      %swap3A_99 = arith.index_cast %scan3A_56 : i32 to index
      %swap3A_100 = arith.constant 96 : index
      %swap3A_101 = tpu.vector_load %arg5[%swap3A_99, %swap3A_100] {strides = array<i32>} : memref<128x128xf32, #tpu.memory_space<vmem>>, vector<1x16xf32>,
      %swap3A_102 = vector.shape_cast %swap3A_101 : vector<1x16xf32> to vector<16xf32>
      %swap3A_103 = vector.shape_cast %broadcast_in_dim3A_98 : vector<16xf32> to vector<1x16xf32>
      tpu.vector_store %arg5[%swap3A_99, %swap3A_100], %swap3A_103 {strides = array<i32>} : memref<128x128xf32, #tpu.memory_space<vmem>>, vector<1x16xf32>,
      %broadcast_in_dim3A_104 = arith.constant 1.000000e+00 : f32
      %broadcast_in_dim3A_105 = vector.broadcast %broadcast_in_dim3A_104 : f32 to vector<16xf32>
      %swap3A_106 = arith.index_cast %scan3A_56 : i32 to index
      %swap3A_107 = arith.constant 112 : index
      %swap3A_108 = tpu.vector_load %arg5[%swap3A_106, %swap3A_107] {strides = array<i32>} : memref<128x128xf32, #tpu.memory_space<vmem>>, vector<1x16xf32>,
      %swap3A_109 = vector.shape_cast %swap3A_108 : vector<1x16xf32> to vector<16xf32>
      %swap3A_110 = vector.shape_cast %broadcast_in_dim3A_105 : vector<16xf32> to vector<1x16xf32>
      tpu.vector_store %arg5[%swap3A_106, %swap3A_107], %swap3A_110 {strides = array<i32>} : memref<128x128xf32, #tpu.memory_space<vmem>>, vector<1x16xf32>,
    }
    %scan3A_29 = arith.constant 128 : i32
    %barrier3A = arith.constant 0 : index
    tpu.barrier barrier_id(%barrier3A)
    "tpu.region"() ({
      %run_scoped3A = tpu.sem_alloc : memref<!tpu.dma_semaphore, #tpu.memory_space<semaphore_mem>>
      %dma_start3A = arith.constant 0 : i32
      %dma_start3A_56 = arith.constant 0 : i32
      %dma_start3A_57 = tpu.memref_slice %arg2[%add3A, %dma_start3A, %dma_start3A_56] : memref<32x79x128xi32, #tpu.memory_space<hbm>> -> memref<1x79x128xi32, #tpu.memory_space<hbm>>
      %dma_start3A_58 = tpu.memref_squeeze %dma_start3A_57 : memref<1x79x128xi32, #tpu.memory_space<hbm>> -> memref<79x128xi32, #tpu.memory_space<hbm>>
      %dma_start3A_59 = arith.constant 0 : i32
      %dma_start3A_60 = arith.constant 0 : i32
      %dma_start3A_61 = tpu.memref_slice %arg2[%add3A, %dma_start3A_59, %dma_start3A_60] : memref<32x79x128xi32, #tpu.memory_space<hbm>> -> memref<1x79x128xi32, #tpu.memory_space<hbm>>
      %dma_start3A_62 = tpu.memref_squeeze %dma_start3A_61 : memref<1x79x128xi32, #tpu.memory_space<hbm>> -> memref<79x128xi32, #tpu.memory_space<hbm>>
      tpu.enqueue_dma source(%dma_start3A_62 : memref<79x128xi32, #tpu.memory_space<hbm>>) target(%arg4 : memref<79x128xi32, #tpu.memory_space<vmem>>) target_semaphore(%run_scoped3A : memref<!tpu.dma_semaphore, #tpu.memory_space<semaphore_mem>>)
      %dma_wait3A = arith.constant 0 : i32
      %dma_wait3A_63 = arith.constant 0 : i32
      %dma_wait3A_64 = tpu.memref_slice %arg2[%add3A, %dma_wait3A, %dma_wait3A_63] : memref<32x79x128xi32, #tpu.memory_space<hbm>> -> memref<1x79x128xi32, #tpu.memory_space<hbm>>
      %dma_wait3A_65 = tpu.memref_squeeze %dma_wait3A_64 : memref<1x79x128xi32, #tpu.memory_space<hbm>> -> memref<79x128xi32, #tpu.memory_space<hbm>>
      %dma_wait3A_66 = arith.constant 0 : i32
      %dma_wait3A_67 = arith.constant 0 : i32
      %dma_wait3A_68 = tpu.memref_slice %arg2[%add3A, %dma_wait3A_66, %dma_wait3A_67] : memref<32x79x128xi32, #tpu.memory_space<hbm>> -> memref<1x79x128xi32, #tpu.memory_space<hbm>>
      %dma_wait3A_69 = tpu.memref_squeeze %dma_wait3A_68 : memref<1x79x128xi32, #tpu.memory_space<hbm>> -> memref<79x128xi32, #tpu.memory_space<hbm>>
      tpu.wait_dma2 semaphore(%run_scoped3A : memref<!tpu.dma_semaphore, #tpu.memory_space<semaphore_mem>>) src(%dma_wait3A_69 : memref<79x128xi32, #tpu.memory_space<hbm>>) dst(%arg4 : memref<79x128xi32, #tpu.memory_space<vmem>>)
      tpu.yield
    }) : () -> ()
    %scan3A_30 = arith.constant 0 : i32
    %scan3A_31 = arith.constant 79 : i32
    %scan3A_32 = arith.addi %scan3A_30, %scan3A_31 : i32
    %scan3A_33 = arith.constant 1 : i32
    scf.for %scan3A_56 = %scan3A_30 to %scan3A_32 step %scan3A_33  : i32 {
      "tpu.region"() ({
        %run_scoped3A = tpu.sem_alloc : memref<!tpu.dma_semaphore, #tpu.memory_space<semaphore_mem>>
        %dma_start3A = arith.constant 0 : i32
        %dma_start3A_57 = tpu.memref_slice %arg4[%scan3A_56, %dma_start3A] : memref<79x128xi32, #tpu.memory_space<vmem>> -> memref<1x128xi32, #tpu.memory_space<vmem>>
        %dma_start3A_58 = tpu.memref_squeeze %dma_start3A_57 : memref<1x128xi32, #tpu.memory_space<vmem>> -> memref<128xi32, #tpu.memory_space<vmem>>
        %dma_start3A_59 = arith.constant 0 : i32
        %dma_start3A_60 = arith.constant 0 : i32
        %dma_start3A_61 = tpu.memref_slice %arg6[%dma_start3A_59, %dma_start3A_60] : memref<10240x128xf32, #tpu.memory_space<vmem_shared>> -> memref<10240x128xf32, #tpu.memory_space<vmem_shared>>
        tpu.enqueue_indirect_dma source(%arg5 : memref<128x128xf32, #tpu.memory_space<vmem>>) target(%dma_start3A_61 : memref<10240x128xf32, #tpu.memory_space<vmem_shared>>) offsets(%dma_start3A_58 : memref<128xi32, #tpu.memory_space<vmem>>) semaphore(%run_scoped3A : memref<!tpu.dma_semaphore, #tpu.memory_space<semaphore_mem>>) {add = true}
        %dma_wait3A = arith.constant 0 : i32
        %dma_wait3A_62 = tpu.memref_slice %arg4[%scan3A_56, %dma_wait3A] : memref<79x128xi32, #tpu.memory_space<vmem>> -> memref<1x128xi32, #tpu.memory_space<vmem>>
        %dma_wait3A_63 = tpu.memref_squeeze %dma_wait3A_62 : memref<1x128xi32, #tpu.memory_space<vmem>> -> memref<128xi32, #tpu.memory_space<vmem>>
        %dma_wait3A_64 = arith.constant 0 : i32
        %dma_wait3A_65 = arith.constant 0 : i32
        %dma_wait3A_66 = tpu.memref_slice %arg6[%dma_wait3A_64, %dma_wait3A_65] : memref<10240x128xf32, #tpu.memory_space<vmem_shared>> -> memref<10240x128xf32, #tpu.memory_space<vmem_shared>>
        tpu.wait_indirect_dma semaphore(%run_scoped3A : memref<!tpu.dma_semaphore, #tpu.memory_space<semaphore_mem>>) src(%arg5 : memref<128x128xf32, #tpu.memory_space<vmem>>) dst(%dma_wait3A_66 : memref<10240x128xf32, #tpu.memory_space<vmem_shared>>)
        tpu.yield
      }) : () -> ()
    }
    %scan3A_34 = arith.constant 79 : i32
    %barrier3A_35 = arith.constant 0 : index
    tpu.barrier barrier_id(%barrier3A_35)
    %mul3A_36 = arith.constant 640 : i32
    %mul3A_37 = arith.muli %arg1, %mul3A_36 : i32
    %add3A_38 = arith.constant 0 : i32
    %add3A_39 = arith.addi %mul3A_37, %add3A_38 : i32
    "tpu.region"() ({
      %run_scoped3A = tpu.sem_alloc : memref<!tpu.dma_semaphore, #tpu.memory_space<semaphore_mem>>
      %dma_start3A = arith.constant 0 : i32
      %dma_start3A_56 = tpu.memref_slice %arg6[%add3A_39, %dma_start3A] : memref<10240x128xf32, #tpu.memory_space<vmem_shared>> -> memref<128x128xf32, #tpu.memory_space<vmem_shared>>
      %dma_start3A_57 = arith.constant 0 : i32
      %dma_start3A_58 = tpu.memref_slice %arg6[%add3A_39, %dma_start3A_57] : memref<10240x128xf32, #tpu.memory_space<vmem_shared>> -> memref<128x128xf32, #tpu.memory_space<vmem_shared>>
      tpu.enqueue_dma source(%dma_start3A_58 : memref<128x128xf32, #tpu.memory_space<vmem_shared>>) target(%arg5 : memref<128x128xf32, #tpu.memory_space<vmem>>) target_semaphore(%run_scoped3A : memref<!tpu.dma_semaphore, #tpu.memory_space<semaphore_mem>>)
      %dma_wait3A = arith.constant 0 : i32
      %dma_wait3A_59 = tpu.memref_slice %arg6[%add3A_39, %dma_wait3A] : memref<10240x128xf32, #tpu.memory_space<vmem_shared>> -> memref<128x128xf32, #tpu.memory_space<vmem_shared>>
      %dma_wait3A_60 = arith.constant 0 : i32
      %dma_wait3A_61 = tpu.memref_slice %arg6[%add3A_39, %dma_wait3A_60] : memref<10240x128xf32, #tpu.memory_space<vmem_shared>> -> memref<128x128xf32, #tpu.memory_space<vmem_shared>>
      tpu.wait_dma2 semaphore(%run_scoped3A : memref<!tpu.dma_semaphore, #tpu.memory_space<semaphore_mem>>) src(%dma_wait3A_61 : memref<128x128xf32, #tpu.memory_space<vmem_shared>>) dst(%arg5 : memref<128x128xf32, #tpu.memory_space<vmem>>)
      tpu.yield
    }) : () -> ()
    "tpu.region"() ({
      %run_scoped3A = tpu.sem_alloc : memref<!tpu.dma_semaphore, #tpu.memory_space<semaphore_mem>>
      %dma_start3A = arith.constant 0 : i32
      %dma_start3A_56 = tpu.memref_slice %arg3[%arg0, %add3A_39, %dma_start3A] : memref<2x10240x128xf32, #tpu.memory_space<hbm>> -> memref<1x128x128xf32, #tpu.memory_space<hbm>>
      %dma_start3A_57 = tpu.memref_squeeze %dma_start3A_56 : memref<1x128x128xf32, #tpu.memory_space<hbm>> -> memref<128x128xf32, #tpu.memory_space<hbm>>
      %dma_start3A_58 = arith.constant 0 : i32
      %dma_start3A_59 = tpu.memref_slice %arg3[%arg0, %add3A_39, %dma_start3A_58] : memref<2x10240x128xf32, #tpu.memory_space<hbm>> -> memref<1x128x128xf32, #tpu.memory_space<hbm>>
      %dma_start3A_60 = tpu.memref_squeeze %dma_start3A_59 : memref<1x128x128xf32, #tpu.memory_space<hbm>> -> memref<128x128xf32, #tpu.memory_space<hbm>>
      tpu.enqueue_dma source(%arg5 : memref<128x128xf32, #tpu.memory_space<vmem>>) target(%dma_start3A_60 : memref<128x128xf32, #tpu.memory_space<hbm>>) target_semaphore(%run_scoped3A : memref<!tpu.dma_semaphore, #tpu.memory_space<semaphore_mem>>)
      %dma_wait3A = arith.constant 0 : i32
      %dma_wait3A_61 = tpu.memref_slice %arg3[%arg0, %add3A_39, %dma_wait3A] : memref<2x10240x128xf32, #tpu.memory_space<hbm>> -> memref<1x128x128xf32, #tpu.memory_space<hbm>>
      %dma_wait3A_62 = tpu.memref_squeeze %dma_wait3A_61 : memref<1x128x128xf32, #tpu.memory_space<hbm>> -> memref<128x128xf32, #tpu.memory_space<hbm>>
      %dma_wait3A_63 = arith.constant 0 : i32
      %dma_wait3A_64 = tpu.memref_slice %arg3[%arg0, %add3A_39, %dma_wait3A_63] : memref<2x10240x128xf32, #tpu.memory_space<hbm>> -> memref<1x128x128xf32, #tpu.memory_space<hbm>>
      %dma_wait3A_65 = tpu.memref_squeeze %dma_wait3A_64 : memref<1x128x128xf32, #tpu.memory_space<hbm>> -> memref<128x128xf32, #tpu.memory_space<hbm>>
      tpu.wait_dma2 semaphore(%run_scoped3A : memref<!tpu.dma_semaphore, #tpu.memory_space<semaphore_mem>>) src(%arg5 : memref<128x128xf32, #tpu.memory_space<vmem>>) dst(%dma_wait3A_65 : memref<128x128xf32, #tpu.memory_space<hbm>>)
      tpu.yield
    }) : () -> ()
    %mul3A_40 = arith.constant 640 : i32
    %mul3A_41 = arith.muli %arg1, %mul3A_40 : i32
    %add3A_42 = arith.constant 128 : i32
    %add3A_43 = arith.addi %mul3A_41, %add3A_42 : i32
    "tpu.region"() ({
      %run_scoped3A = tpu.sem_alloc : memref<!tpu.dma_semaphore, #tpu.memory_space<semaphore_mem>>
      %dma_start3A = arith.constant 0 : i32
      %dma_start3A_56 = tpu.memref_slice %arg6[%add3A_43, %dma_start3A] : memref<10240x128xf32, #tpu.memory_space<vmem_shared>> -> memref<128x128xf32, #tpu.memory_space<vmem_shared>>
      %dma_start3A_57 = arith.constant 0 : i32
      %dma_start3A_58 = tpu.memref_slice %arg6[%add3A_43, %dma_start3A_57] : memref<10240x128xf32, #tpu.memory_space<vmem_shared>> -> memref<128x128xf32, #tpu.memory_space<vmem_shared>>
      tpu.enqueue_dma source(%dma_start3A_58 : memref<128x128xf32, #tpu.memory_space<vmem_shared>>) target(%arg5 : memref<128x128xf32, #tpu.memory_space<vmem>>) target_semaphore(%run_scoped3A : memref<!tpu.dma_semaphore, #tpu.memory_space<semaphore_mem>>)
      %dma_wait3A = arith.constant 0 : i32
      %dma_wait3A_59 = tpu.memref_slice %arg6[%add3A_43, %dma_wait3A] : memref<10240x128xf32, #tpu.memory_space<vmem_shared>> -> memref<128x128xf32, #tpu.memory_space<vmem_shared>>
      %dma_wait3A_60 = arith.constant 0 : i32
      %dma_wait3A_61 = tpu.memref_slice %arg6[%add3A_43, %dma_wait3A_60] : memref<10240x128xf32, #tpu.memory_space<vmem_shared>> -> memref<128x128xf32, #tpu.memory_space<vmem_shared>>
      tpu.wait_dma2 semaphore(%run_scoped3A : memref<!tpu.dma_semaphore, #tpu.memory_space<semaphore_mem>>) src(%dma_wait3A_61 : memref<128x128xf32, #tpu.memory_space<vmem_shared>>) dst(%arg5 : memref<128x128xf32, #tpu.memory_space<vmem>>)
      tpu.yield
    }) : () -> ()
    "tpu.region"() ({
      %run_scoped3A = tpu.sem_alloc : memref<!tpu.dma_semaphore, #tpu.memory_space<semaphore_mem>>
      %dma_start3A = arith.constant 0 : i32
      %dma_start3A_56 = tpu.memref_slice %arg3[%arg0, %add3A_43, %dma_start3A] : memref<2x10240x128xf32, #tpu.memory_space<hbm>> -> memref<1x128x128xf32, #tpu.memory_space<hbm>>
      %dma_start3A_57 = tpu.memref_squeeze %dma_start3A_56 : memref<1x128x128xf32, #tpu.memory_space<hbm>> -> memref<128x128xf32, #tpu.memory_space<hbm>>
      %dma_start3A_58 = arith.constant 0 : i32
      %dma_start3A_59 = tpu.memref_slice %arg3[%arg0, %add3A_43, %dma_start3A_58] : memref<2x10240x128xf32, #tpu.memory_space<hbm>> -> memref<1x128x128xf32, #tpu.memory_space<hbm>>
      %dma_start3A_60 = tpu.memref_squeeze %dma_start3A_59 : memref<1x128x128xf32, #tpu.memory_space<hbm>> -> memref<128x128xf32, #tpu.memory_space<hbm>>
      tpu.enqueue_dma source(%arg5 : memref<128x128xf32, #tpu.memory_space<vmem>>) target(%dma_start3A_60 : memref<128x128xf32, #tpu.memory_space<hbm>>) target_semaphore(%run_scoped3A : memref<!tpu.dma_semaphore, #tpu.memory_space<semaphore_mem>>)
      %dma_wait3A = arith.constant 0 : i32
      %dma_wait3A_61 = tpu.memref_slice %arg3[%arg0, %add3A_43, %dma_wait3A] : memref<2x10240x128xf32, #tpu.memory_space<hbm>> -> memref<1x128x128xf32, #tpu.memory_space<hbm>>
      %dma_wait3A_62 = tpu.memref_squeeze %dma_wait3A_61 : memref<1x128x128xf32, #tpu.memory_space<hbm>> -> memref<128x128xf32, #tpu.memory_space<hbm>>
      %dma_wait3A_63 = arith.constant 0 : i32
      %dma_wait3A_64 = tpu.memref_slice %arg3[%arg0, %add3A_43, %dma_wait3A_63] : memref<2x10240x128xf32, #tpu.memory_space<hbm>> -> memref<1x128x128xf32, #tpu.memory_space<hbm>>
      %dma_wait3A_65 = tpu.memref_squeeze %dma_wait3A_64 : memref<1x128x128xf32, #tpu.memory_space<hbm>> -> memref<128x128xf32, #tpu.memory_space<hbm>>
      tpu.wait_dma2 semaphore(%run_scoped3A : memref<!tpu.dma_semaphore, #tpu.memory_space<semaphore_mem>>) src(%arg5 : memref<128x128xf32, #tpu.memory_space<vmem>>) dst(%dma_wait3A_65 : memref<128x128xf32, #tpu.memory_space<hbm>>)
      tpu.yield
    }) : () -> ()
    %mul3A_44 = arith.constant 640 : i32
    %mul3A_45 = arith.muli %arg1, %mul3A_44 : i32
    %add3A_46 = arith.constant 256 : i32
    %add3A_47 = arith.addi %mul3A_45, %add3A_46 : i32
    "tpu.region"() ({
      %run_scoped3A = tpu.sem_alloc : memref<!tpu.dma_semaphore, #tpu.memory_space<semaphore_mem>>
      %dma_start3A = arith.constant 0 : i32
      %dma_start3A_56 = tpu.memref_slice %arg6[%add3A_47, %dma_start3A] : memref<10240x128xf32, #tpu.memory_space<vmem_shared>> -> memref<128x128xf32, #tpu.memory_space<vmem_shared>>
      %dma_start3A_57 = arith.constant 0 : i32
      %dma_start3A_58 = tpu.memref_slice %arg6[%add3A_47, %dma_start3A_57] : memref<10240x128xf32, #tpu.memory_space<vmem_shared>> -> memref<128x128xf32, #tpu.memory_space<vmem_shared>>
      tpu.enqueue_dma source(%dma_start3A_58 : memref<128x128xf32, #tpu.memory_space<vmem_shared>>) target(%arg5 : memref<128x128xf32, #tpu.memory_space<vmem>>) target_semaphore(%run_scoped3A : memref<!tpu.dma_semaphore, #tpu.memory_space<semaphore_mem>>)
      %dma_wait3A = arith.constant 0 : i32
      %dma_wait3A_59 = tpu.memref_slice %arg6[%add3A_47, %dma_wait3A] : memref<10240x128xf32, #tpu.memory_space<vmem_shared>> -> memref<128x128xf32, #tpu.memory_space<vmem_shared>>
      %dma_wait3A_60 = arith.constant 0 : i32
      %dma_wait3A_61 = tpu.memref_slice %arg6[%add3A_47, %dma_wait3A_60] : memref<10240x128xf32, #tpu.memory_space<vmem_shared>> -> memref<128x128xf32, #tpu.memory_space<vmem_shared>>
      tpu.wait_dma2 semaphore(%run_scoped3A : memref<!tpu.dma_semaphore, #tpu.memory_space<semaphore_mem>>) src(%dma_wait3A_61 : memref<128x128xf32, #tpu.memory_space<vmem_shared>>) dst(%arg5 : memref<128x128xf32, #tpu.memory_space<vmem>>)
      tpu.yield
    }) : () -> ()
    "tpu.region"() ({
      %run_scoped3A = tpu.sem_alloc : memref<!tpu.dma_semaphore, #tpu.memory_space<semaphore_mem>>
      %dma_start3A = arith.constant 0 : i32
      %dma_start3A_56 = tpu.memref_slice %arg3[%arg0, %add3A_47, %dma_start3A] : memref<2x10240x128xf32, #tpu.memory_space<hbm>> -> memref<1x128x128xf32, #tpu.memory_space<hbm>>
      %dma_start3A_57 = tpu.memref_squeeze %dma_start3A_56 : memref<1x128x128xf32, #tpu.memory_space<hbm>> -> memref<128x128xf32, #tpu.memory_space<hbm>>
      %dma_start3A_58 = arith.constant 0 : i32
      %dma_start3A_59 = tpu.memref_slice %arg3[%arg0, %add3A_47, %dma_start3A_58] : memref<2x10240x128xf32, #tpu.memory_space<hbm>> -> memref<1x128x128xf32, #tpu.memory_space<hbm>>
      %dma_start3A_60 = tpu.memref_squeeze %dma_start3A_59 : memref<1x128x128xf32, #tpu.memory_space<hbm>> -> memref<128x128xf32, #tpu.memory_space<hbm>>
      tpu.enqueue_dma source(%arg5 : memref<128x128xf32, #tpu.memory_space<vmem>>) target(%dma_start3A_60 : memref<128x128xf32, #tpu.memory_space<hbm>>) target_semaphore(%run_scoped3A : memref<!tpu.dma_semaphore, #tpu.memory_space<semaphore_mem>>)
      %dma_wait3A = arith.constant 0 : i32
      %dma_wait3A_61 = tpu.memref_slice %arg3[%arg0, %add3A_47, %dma_wait3A] : memref<2x10240x128xf32, #tpu.memory_space<hbm>> -> memref<1x128x128xf32, #tpu.memory_space<hbm>>
      %dma_wait3A_62 = tpu.memref_squeeze %dma_wait3A_61 : memref<1x128x128xf32, #tpu.memory_space<hbm>> -> memref<128x128xf32, #tpu.memory_space<hbm>>
      %dma_wait3A_63 = arith.constant 0 : i32
      %dma_wait3A_64 = tpu.memref_slice %arg3[%arg0, %add3A_47, %dma_wait3A_63] : memref<2x10240x128xf32, #tpu.memory_space<hbm>> -> memref<1x128x128xf32, #tpu.memory_space<hbm>>
      %dma_wait3A_65 = tpu.memref_squeeze %dma_wait3A_64 : memref<1x128x128xf32, #tpu.memory_space<hbm>> -> memref<128x128xf32, #tpu.memory_space<hbm>>
      tpu.wait_dma2 semaphore(%run_scoped3A : memref<!tpu.dma_semaphore, #tpu.memory_space<semaphore_mem>>) src(%arg5 : memref<128x128xf32, #tpu.memory_space<vmem>>) dst(%dma_wait3A_65 : memref<128x128xf32, #tpu.memory_space<hbm>>)
      tpu.yield
    }) : () -> ()
    %mul3A_48 = arith.constant 640 : i32
    %mul3A_49 = arith.muli %arg1, %mul3A_48 : i32
    %add3A_50 = arith.constant 384 : i32
    %add3A_51 = arith.addi %mul3A_49, %add3A_50 : i32
    "tpu.region"() ({
      %run_scoped3A = tpu.sem_alloc : memref<!tpu.dma_semaphore, #tpu.memory_space<semaphore_mem>>
      %dma_start3A = arith.constant 0 : i32
      %dma_start3A_56 = tpu.memref_slice %arg6[%add3A_51, %dma_start3A] : memref<10240x128xf32, #tpu.memory_space<vmem_shared>> -> memref<128x128xf32, #tpu.memory_space<vmem_shared>>
      %dma_start3A_57 = arith.constant 0 : i32
      %dma_start3A_58 = tpu.memref_slice %arg6[%add3A_51, %dma_start3A_57] : memref<10240x128xf32, #tpu.memory_space<vmem_shared>> -> memref<128x128xf32, #tpu.memory_space<vmem_shared>>
      tpu.enqueue_dma source(%dma_start3A_58 : memref<128x128xf32, #tpu.memory_space<vmem_shared>>) target(%arg5 : memref<128x128xf32, #tpu.memory_space<vmem>>) target_semaphore(%run_scoped3A : memref<!tpu.dma_semaphore, #tpu.memory_space<semaphore_mem>>)
      %dma_wait3A = arith.constant 0 : i32
      %dma_wait3A_59 = tpu.memref_slice %arg6[%add3A_51, %dma_wait3A] : memref<10240x128xf32, #tpu.memory_space<vmem_shared>> -> memref<128x128xf32, #tpu.memory_space<vmem_shared>>
      %dma_wait3A_60 = arith.constant 0 : i32
      %dma_wait3A_61 = tpu.memref_slice %arg6[%add3A_51, %dma_wait3A_60] : memref<10240x128xf32, #tpu.memory_space<vmem_shared>> -> memref<128x128xf32, #tpu.memory_space<vmem_shared>>
      tpu.wait_dma2 semaphore(%run_scoped3A : memref<!tpu.dma_semaphore, #tpu.memory_space<semaphore_mem>>) src(%dma_wait3A_61 : memref<128x128xf32, #tpu.memory_space<vmem_shared>>) dst(%arg5 : memref<128x128xf32, #tpu.memory_space<vmem>>)
      tpu.yield
    }) : () -> ()
    "tpu.region"() ({
      %run_scoped3A = tpu.sem_alloc : memref<!tpu.dma_semaphore, #tpu.memory_space<semaphore_mem>>
      %dma_start3A = arith.constant 0 : i32
      %dma_start3A_56 = tpu.memref_slice %arg3[%arg0, %add3A_51, %dma_start3A] : memref<2x10240x128xf32, #tpu.memory_space<hbm>> -> memref<1x128x128xf32, #tpu.memory_space<hbm>>
      %dma_start3A_57 = tpu.memref_squeeze %dma_start3A_56 : memref<1x128x128xf32, #tpu.memory_space<hbm>> -> memref<128x128xf32, #tpu.memory_space<hbm>>
      %dma_start3A_58 = arith.constant 0 : i32
      %dma_start3A_59 = tpu.memref_slice %arg3[%arg0, %add3A_51, %dma_start3A_58] : memref<2x10240x128xf32, #tpu.memory_space<hbm>> -> memref<1x128x128xf32, #tpu.memory_space<hbm>>
      %dma_start3A_60 = tpu.memref_squeeze %dma_start3A_59 : memref<1x128x128xf32, #tpu.memory_space<hbm>> -> memref<128x128xf32, #tpu.memory_space<hbm>>
      tpu.enqueue_dma source(%arg5 : memref<128x128xf32, #tpu.memory_space<vmem>>) target(%dma_start3A_60 : memref<128x128xf32, #tpu.memory_space<hbm>>) target_semaphore(%run_scoped3A : memref<!tpu.dma_semaphore, #tpu.memory_space<semaphore_mem>>)
      %dma_wait3A = arith.constant 0 : i32
      %dma_wait3A_61 = tpu.memref_slice %arg3[%arg0, %add3A_51, %dma_wait3A] : memref<2x10240x128xf32, #tpu.memory_space<hbm>> -> memref<1x128x128xf32, #tpu.memory_space<hbm>>
      %dma_wait3A_62 = tpu.memref_squeeze %dma_wait3A_61 : memref<1x128x128xf32, #tpu.memory_space<hbm>> -> memref<128x128xf32, #tpu.memory_space<hbm>>
      %dma_wait3A_63 = arith.constant 0 : i32
      %dma_wait3A_64 = tpu.memref_slice %arg3[%arg0, %add3A_51, %dma_wait3A_63] : memref<2x10240x128xf32, #tpu.memory_space<hbm>> -> memref<1x128x128xf32, #tpu.memory_space<hbm>>
      %dma_wait3A_65 = tpu.memref_squeeze %dma_wait3A_64 : memref<1x128x128xf32, #tpu.memory_space<hbm>> -> memref<128x128xf32, #tpu.memory_space<hbm>>
      tpu.wait_dma2 semaphore(%run_scoped3A : memref<!tpu.dma_semaphore, #tpu.memory_space<semaphore_mem>>) src(%arg5 : memref<128x128xf32, #tpu.memory_space<vmem>>) dst(%dma_wait3A_65 : memref<128x128xf32, #tpu.memory_space<hbm>>)
      tpu.yield
    }) : () -> ()
    %mul3A_52 = arith.constant 640 : i32
    %mul3A_53 = arith.muli %arg1, %mul3A_52 : i32
    %add3A_54 = arith.constant 512 : i32
    %add3A_55 = arith.addi %mul3A_53, %add3A_54 : i32
    "tpu.region"() ({
      %run_scoped3A = tpu.sem_alloc : memref<!tpu.dma_semaphore, #tpu.memory_space<semaphore_mem>>
      %dma_start3A = arith.constant 0 : i32
      %dma_start3A_56 = tpu.memref_slice %arg6[%add3A_55, %dma_start3A] : memref<10240x128xf32, #tpu.memory_space<vmem_shared>> -> memref<128x128xf32, #tpu.memory_space<vmem_shared>>
      %dma_start3A_57 = arith.constant 0 : i32
      %dma_start3A_58 = tpu.memref_slice %arg6[%add3A_55, %dma_start3A_57] : memref<10240x128xf32, #tpu.memory_space<vmem_shared>> -> memref<128x128xf32, #tpu.memory_space<vmem_shared>>
      tpu.enqueue_dma source(%dma_start3A_58 : memref<128x128xf32, #tpu.memory_space<vmem_shared>>) target(%arg5 : memref<128x128xf32, #tpu.memory_space<vmem>>) target_semaphore(%run_scoped3A : memref<!tpu.dma_semaphore, #tpu.memory_space<semaphore_mem>>)
      %dma_wait3A = arith.constant 0 : i32
      %dma_wait3A_59 = tpu.memref_slice %arg6[%add3A_55, %dma_wait3A] : memref<10240x128xf32, #tpu.memory_space<vmem_shared>> -> memref<128x128xf32, #tpu.memory_space<vmem_shared>>
      %dma_wait3A_60 = arith.constant 0 : i32
      %dma_wait3A_61 = tpu.memref_slice %arg6[%add3A_55, %dma_wait3A_60] : memref<10240x128xf32, #tpu.memory_space<vmem_shared>> -> memref<128x128xf32, #tpu.memory_space<vmem_shared>>
      tpu.wait_dma2 semaphore(%run_scoped3A : memref<!tpu.dma_semaphore, #tpu.memory_space<semaphore_mem>>) src(%dma_wait3A_61 : memref<128x128xf32, #tpu.memory_space<vmem_shared>>) dst(%arg5 : memref<128x128xf32, #tpu.memory_space<vmem>>)
      tpu.yield
    }) : () -> ()
    "tpu.region"() ({
      %run_scoped3A = tpu.sem_alloc : memref<!tpu.dma_semaphore, #tpu.memory_space<semaphore_mem>>
      %dma_start3A = arith.constant 0 : i32
      %dma_start3A_56 = tpu.memref_slice %arg3[%arg0, %add3A_55, %dma_start3A] : memref<2x10240x128xf32, #tpu.memory_space<hbm>> -> memref<1x128x128xf32, #tpu.memory_space<hbm>>
      %dma_start3A_57 = tpu.memref_squeeze %dma_start3A_56 : memref<1x128x128xf32, #tpu.memory_space<hbm>> -> memref<128x128xf32, #tpu.memory_space<hbm>>
      %dma_start3A_58 = arith.constant 0 : i32
      %dma_start3A_59 = tpu.memref_slice %arg3[%arg0, %add3A_55, %dma_start3A_58] : memref<2x10240x128xf32, #tpu.memory_space<hbm>> -> memref<1x128x128xf32, #tpu.memory_space<hbm>>
      %dma_start3A_60 = tpu.memref_squeeze %dma_start3A_59 : memref<1x128x128xf32, #tpu.memory_space<hbm>> -> memref<128x128xf32, #tpu.memory_space<hbm>>
      tpu.enqueue_dma source(%arg5 : memref<128x128xf32, #tpu.memory_space<vmem>>) target(%dma_start3A_60 : memref<128x128xf32, #tpu.memory_space<hbm>>) target_semaphore(%run_scoped3A : memref<!tpu.dma_semaphore, #tpu.memory_space<semaphore_mem>>)
      %dma_wait3A = arith.constant 0 : i32
      %dma_wait3A_61 = tpu.memref_slice %arg3[%arg0, %add3A_55, %dma_wait3A] : memref<2x10240x128xf32, #tpu.memory_space<hbm>> -> memref<1x128x128xf32, #tpu.memory_space<hbm>>
      %dma_wait3A_62 = tpu.memref_squeeze %dma_wait3A_61 : memref<1x128x128xf32, #tpu.memory_space<hbm>> -> memref<128x128xf32, #tpu.memory_space<hbm>>
      %dma_wait3A_63 = arith.constant 0 : i32
      %dma_wait3A_64 = tpu.memref_slice %arg3[%arg0, %add3A_55, %dma_wait3A_63] : memref<2x10240x128xf32, #tpu.memory_space<hbm>> -> memref<1x128x128xf32, #tpu.memory_space<hbm>>
      %dma_wait3A_65 = tpu.memref_squeeze %dma_wait3A_64 : memref<1x128x128xf32, #tpu.memory_space<hbm>> -> memref<128x128xf32, #tpu.memory_space<hbm>>
      tpu.wait_dma2 semaphore(%run_scoped3A : memref<!tpu.dma_semaphore, #tpu.memory_space<semaphore_mem>>) src(%arg5 : memref<128x128xf32, #tpu.memory_space<vmem>>) dst(%dma_wait3A_65 : memref<128x128xf32, #tpu.memory_space<hbm>>)
      tpu.yield
    }) : () -> ()
    return
  }
}

#map = affine_map<(d0, d1) -> (0, 0)>
#map1 = affine_map<(d0, d1) -> (0, 0, 0)>
module attributes {stable_mosaic.version = 14 : i64} {
  func.func @_agg_body(%arg0: i32, %arg1: i32, %arg2: memref<10000x128xf32, #tpu.memory_space<hbm>>, %arg3: memref<32x79x128xi32, #tpu.memory_space<hbm>>, %arg4: memref<32x79x128xi32, #tpu.memory_space<hbm>>, %arg5: memref<2x10240x128xf32, #tpu.memory_space<hbm>>, %arg6: memref<79x128xi32, #tpu.memory_space<vmem>>, %arg7: memref<79x128xi32, #tpu.memory_space<vmem>>, %arg8: memref<128x128xf32, #tpu.memory_space<vmem>>, %arg9: memref<10240x128xf32, #tpu.memory_space<vmem_shared>>, %arg10: memref<!tpu.dma_semaphore, #tpu.memory_space<semaphore_mem>>) attributes {dimension_semantics = [#tpu.dimension_semantics<core_parallel>, #tpu.dimension_semantics<subcore_parallel>], iteration_bounds = array<i64: 2, 16>, scalar_prefetch = 0 : i64, scratch_operands = 5 : i64, tpu.core_type = #tpu.core_type<sc_vector_subcore>, window_params = [{transform_indices = #map}, {transform_indices = #map1}, {transform_indices = #map1}, {transform_indices = #map1}]} {
    %mul3A = arith.constant 2 : i32
    %mul3A_0 = arith.muli %arg1, %mul3A : i32
    %add3A = arith.addi %mul3A_0, %arg0 : i32
    %scan3A = arith.constant 0 : i32
    %scan3A_1 = arith.constant 128 : i32
    %scan3A_2 = arith.addi %scan3A, %scan3A_1 : i32
    %scan3A_3 = arith.constant 1 : i32
    scf.for %scan3A_51 = %scan3A to %scan3A_2 step %scan3A_3  : i32 {
      %broadcast_in_dim3A = arith.constant 0.000000e+00 : f32
      %broadcast_in_dim3A_52 = vector.broadcast %broadcast_in_dim3A : f32 to vector<16xf32>
      %swap3A = arith.index_cast %scan3A_51 : i32 to index
      %swap3A_53 = arith.constant 0 : index
      %swap3A_54 = tpu.vector_load %arg8[%swap3A, %swap3A_53] {strides = array<i32>} : memref<128x128xf32, #tpu.memory_space<vmem>>, vector<1x16xf32>,
      %swap3A_55 = vector.shape_cast %swap3A_54 : vector<1x16xf32> to vector<16xf32>
      %swap3A_56 = vector.shape_cast %broadcast_in_dim3A_52 : vector<16xf32> to vector<1x16xf32>
      tpu.vector_store %arg8[%swap3A, %swap3A_53], %swap3A_56 {strides = array<i32>} : memref<128x128xf32, #tpu.memory_space<vmem>>, vector<1x16xf32>,
      %broadcast_in_dim3A_57 = arith.constant 0.000000e+00 : f32
      %broadcast_in_dim3A_58 = vector.broadcast %broadcast_in_dim3A_57 : f32 to vector<16xf32>
      %swap3A_59 = arith.index_cast %scan3A_51 : i32 to index
      %swap3A_60 = arith.constant 16 : index
      %swap3A_61 = tpu.vector_load %arg8[%swap3A_59, %swap3A_60] {strides = array<i32>} : memref<128x128xf32, #tpu.memory_space<vmem>>, vector<1x16xf32>,
      %swap3A_62 = vector.shape_cast %swap3A_61 : vector<1x16xf32> to vector<16xf32>
      %swap3A_63 = vector.shape_cast %broadcast_in_dim3A_58 : vector<16xf32> to vector<1x16xf32>
      tpu.vector_store %arg8[%swap3A_59, %swap3A_60], %swap3A_63 {strides = array<i32>} : memref<128x128xf32, #tpu.memory_space<vmem>>, vector<1x16xf32>,
      %broadcast_in_dim3A_64 = arith.constant 0.000000e+00 : f32
      %broadcast_in_dim3A_65 = vector.broadcast %broadcast_in_dim3A_64 : f32 to vector<16xf32>
      %swap3A_66 = arith.index_cast %scan3A_51 : i32 to index
      %swap3A_67 = arith.constant 32 : index
      %swap3A_68 = tpu.vector_load %arg8[%swap3A_66, %swap3A_67] {strides = array<i32>} : memref<128x128xf32, #tpu.memory_space<vmem>>, vector<1x16xf32>,
      %swap3A_69 = vector.shape_cast %swap3A_68 : vector<1x16xf32> to vector<16xf32>
      %swap3A_70 = vector.shape_cast %broadcast_in_dim3A_65 : vector<16xf32> to vector<1x16xf32>
      tpu.vector_store %arg8[%swap3A_66, %swap3A_67], %swap3A_70 {strides = array<i32>} : memref<128x128xf32, #tpu.memory_space<vmem>>, vector<1x16xf32>,
      %broadcast_in_dim3A_71 = arith.constant 0.000000e+00 : f32
      %broadcast_in_dim3A_72 = vector.broadcast %broadcast_in_dim3A_71 : f32 to vector<16xf32>
      %swap3A_73 = arith.index_cast %scan3A_51 : i32 to index
      %swap3A_74 = arith.constant 48 : index
      %swap3A_75 = tpu.vector_load %arg8[%swap3A_73, %swap3A_74] {strides = array<i32>} : memref<128x128xf32, #tpu.memory_space<vmem>>, vector<1x16xf32>,
      %swap3A_76 = vector.shape_cast %swap3A_75 : vector<1x16xf32> to vector<16xf32>
      %swap3A_77 = vector.shape_cast %broadcast_in_dim3A_72 : vector<16xf32> to vector<1x16xf32>
      tpu.vector_store %arg8[%swap3A_73, %swap3A_74], %swap3A_77 {strides = array<i32>} : memref<128x128xf32, #tpu.memory_space<vmem>>, vector<1x16xf32>,
      %broadcast_in_dim3A_78 = arith.constant 0.000000e+00 : f32
      %broadcast_in_dim3A_79 = vector.broadcast %broadcast_in_dim3A_78 : f32 to vector<16xf32>
      %swap3A_80 = arith.index_cast %scan3A_51 : i32 to index
      %swap3A_81 = arith.constant 64 : index
      %swap3A_82 = tpu.vector_load %arg8[%swap3A_80, %swap3A_81] {strides = array<i32>} : memref<128x128xf32, #tpu.memory_space<vmem>>, vector<1x16xf32>,
      %swap3A_83 = vector.shape_cast %swap3A_82 : vector<1x16xf32> to vector<16xf32>
      %swap3A_84 = vector.shape_cast %broadcast_in_dim3A_79 : vector<16xf32> to vector<1x16xf32>
      tpu.vector_store %arg8[%swap3A_80, %swap3A_81], %swap3A_84 {strides = array<i32>} : memref<128x128xf32, #tpu.memory_space<vmem>>, vector<1x16xf32>,
      %broadcast_in_dim3A_85 = arith.constant 0.000000e+00 : f32
      %broadcast_in_dim3A_86 = vector.broadcast %broadcast_in_dim3A_85 : f32 to vector<16xf32>
      %swap3A_87 = arith.index_cast %scan3A_51 : i32 to index
      %swap3A_88 = arith.constant 80 : index
      %swap3A_89 = tpu.vector_load %arg8[%swap3A_87, %swap3A_88] {strides = array<i32>} : memref<128x128xf32, #tpu.memory_space<vmem>>, vector<1x16xf32>,
      %swap3A_90 = vector.shape_cast %swap3A_89 : vector<1x16xf32> to vector<16xf32>
      %swap3A_91 = vector.shape_cast %broadcast_in_dim3A_86 : vector<16xf32> to vector<1x16xf32>
      tpu.vector_store %arg8[%swap3A_87, %swap3A_88], %swap3A_91 {strides = array<i32>} : memref<128x128xf32, #tpu.memory_space<vmem>>, vector<1x16xf32>,
      %broadcast_in_dim3A_92 = arith.constant 0.000000e+00 : f32
      %broadcast_in_dim3A_93 = vector.broadcast %broadcast_in_dim3A_92 : f32 to vector<16xf32>
      %swap3A_94 = arith.index_cast %scan3A_51 : i32 to index
      %swap3A_95 = arith.constant 96 : index
      %swap3A_96 = tpu.vector_load %arg8[%swap3A_94, %swap3A_95] {strides = array<i32>} : memref<128x128xf32, #tpu.memory_space<vmem>>, vector<1x16xf32>,
      %swap3A_97 = vector.shape_cast %swap3A_96 : vector<1x16xf32> to vector<16xf32>
      %swap3A_98 = vector.shape_cast %broadcast_in_dim3A_93 : vector<16xf32> to vector<1x16xf32>
      tpu.vector_store %arg8[%swap3A_94, %swap3A_95], %swap3A_98 {strides = array<i32>} : memref<128x128xf32, #tpu.memory_space<vmem>>, vector<1x16xf32>,
      %broadcast_in_dim3A_99 = arith.constant 0.000000e+00 : f32
      %broadcast_in_dim3A_100 = vector.broadcast %broadcast_in_dim3A_99 : f32 to vector<16xf32>
      %swap3A_101 = arith.index_cast %scan3A_51 : i32 to index
      %swap3A_102 = arith.constant 112 : index
      %swap3A_103 = tpu.vector_load %arg8[%swap3A_101, %swap3A_102] {strides = array<i32>} : memref<128x128xf32, #tpu.memory_space<vmem>>, vector<1x16xf32>,
      %swap3A_104 = vector.shape_cast %swap3A_103 : vector<1x16xf32> to vector<16xf32>
      %swap3A_105 = vector.shape_cast %broadcast_in_dim3A_100 : vector<16xf32> to vector<1x16xf32>
      tpu.vector_store %arg8[%swap3A_101, %swap3A_102], %swap3A_105 {strides = array<i32>} : memref<128x128xf32, #tpu.memory_space<vmem>>, vector<1x16xf32>,
    }
    %scan3A_4 = arith.constant 128 : i32
    %mul3A_5 = arith.constant 640 : i32
    %mul3A_6 = arith.muli %arg1, %mul3A_5 : i32
    %add3A_7 = arith.constant 0 : i32
    %add3A_8 = arith.addi %mul3A_6, %add3A_7 : i32
    "tpu.region"() ({
      %run_scoped3A = tpu.sem_alloc : memref<!tpu.dma_semaphore, #tpu.memory_space<semaphore_mem>>
      %dma_start3A = arith.constant 0 : i32
      %dma_start3A_51 = tpu.memref_slice %arg9[%add3A_8, %dma_start3A] : memref<10240x128xf32, #tpu.memory_space<vmem_shared>> -> memref<128x128xf32, #tpu.memory_space<vmem_shared>>
      %dma_start3A_52 = arith.constant 0 : i32
      %dma_start3A_53 = tpu.memref_slice %arg9[%add3A_8, %dma_start3A_52] : memref<10240x128xf32, #tpu.memory_space<vmem_shared>> -> memref<128x128xf32, #tpu.memory_space<vmem_shared>>
      tpu.enqueue_dma source(%arg8 : memref<128x128xf32, #tpu.memory_space<vmem>>) target(%dma_start3A_53 : memref<128x128xf32, #tpu.memory_space<vmem_shared>>) target_semaphore(%run_scoped3A : memref<!tpu.dma_semaphore, #tpu.memory_space<semaphore_mem>>)
      %dma_wait3A = arith.constant 0 : i32
      %dma_wait3A_54 = tpu.memref_slice %arg9[%add3A_8, %dma_wait3A] : memref<10240x128xf32, #tpu.memory_space<vmem_shared>> -> memref<128x128xf32, #tpu.memory_space<vmem_shared>>
      %dma_wait3A_55 = arith.constant 0 : i32
      %dma_wait3A_56 = tpu.memref_slice %arg9[%add3A_8, %dma_wait3A_55] : memref<10240x128xf32, #tpu.memory_space<vmem_shared>> -> memref<128x128xf32, #tpu.memory_space<vmem_shared>>
      tpu.wait_dma2 semaphore(%run_scoped3A : memref<!tpu.dma_semaphore, #tpu.memory_space<semaphore_mem>>) src(%arg8 : memref<128x128xf32, #tpu.memory_space<vmem>>) dst(%dma_wait3A_56 : memref<128x128xf32, #tpu.memory_space<vmem_shared>>)
      tpu.yield
    }) : () -> ()
    %mul3A_9 = arith.constant 640 : i32
    %mul3A_10 = arith.muli %arg1, %mul3A_9 : i32
    %add3A_11 = arith.constant 128 : i32
    %add3A_12 = arith.addi %mul3A_10, %add3A_11 : i32
    "tpu.region"() ({
      %run_scoped3A = tpu.sem_alloc : memref<!tpu.dma_semaphore, #tpu.memory_space<semaphore_mem>>
      %dma_start3A = arith.constant 0 : i32
      %dma_start3A_51 = tpu.memref_slice %arg9[%add3A_12, %dma_start3A] : memref<10240x128xf32, #tpu.memory_space<vmem_shared>> -> memref<128x128xf32, #tpu.memory_space<vmem_shared>>
      %dma_start3A_52 = arith.constant 0 : i32
      %dma_start3A_53 = tpu.memref_slice %arg9[%add3A_12, %dma_start3A_52] : memref<10240x128xf32, #tpu.memory_space<vmem_shared>> -> memref<128x128xf32, #tpu.memory_space<vmem_shared>>
      tpu.enqueue_dma source(%arg8 : memref<128x128xf32, #tpu.memory_space<vmem>>) target(%dma_start3A_53 : memref<128x128xf32, #tpu.memory_space<vmem_shared>>) target_semaphore(%run_scoped3A : memref<!tpu.dma_semaphore, #tpu.memory_space<semaphore_mem>>)
      %dma_wait3A = arith.constant 0 : i32
      %dma_wait3A_54 = tpu.memref_slice %arg9[%add3A_12, %dma_wait3A] : memref<10240x128xf32, #tpu.memory_space<vmem_shared>> -> memref<128x128xf32, #tpu.memory_space<vmem_shared>>
      %dma_wait3A_55 = arith.constant 0 : i32
      %dma_wait3A_56 = tpu.memref_slice %arg9[%add3A_12, %dma_wait3A_55] : memref<10240x128xf32, #tpu.memory_space<vmem_shared>> -> memref<128x128xf32, #tpu.memory_space<vmem_shared>>
      tpu.wait_dma2 semaphore(%run_scoped3A : memref<!tpu.dma_semaphore, #tpu.memory_space<semaphore_mem>>) src(%arg8 : memref<128x128xf32, #tpu.memory_space<vmem>>) dst(%dma_wait3A_56 : memref<128x128xf32, #tpu.memory_space<vmem_shared>>)
      tpu.yield
    }) : () -> ()
    %mul3A_13 = arith.constant 640 : i32
    %mul3A_14 = arith.muli %arg1, %mul3A_13 : i32
    %add3A_15 = arith.constant 256 : i32
    %add3A_16 = arith.addi %mul3A_14, %add3A_15 : i32
    "tpu.region"() ({
      %run_scoped3A = tpu.sem_alloc : memref<!tpu.dma_semaphore, #tpu.memory_space<semaphore_mem>>
      %dma_start3A = arith.constant 0 : i32
      %dma_start3A_51 = tpu.memref_slice %arg9[%add3A_16, %dma_start3A] : memref<10240x128xf32, #tpu.memory_space<vmem_shared>> -> memref<128x128xf32, #tpu.memory_space<vmem_shared>>
      %dma_start3A_52 = arith.constant 0 : i32
      %dma_start3A_53 = tpu.memref_slice %arg9[%add3A_16, %dma_start3A_52] : memref<10240x128xf32, #tpu.memory_space<vmem_shared>> -> memref<128x128xf32, #tpu.memory_space<vmem_shared>>
      tpu.enqueue_dma source(%arg8 : memref<128x128xf32, #tpu.memory_space<vmem>>) target(%dma_start3A_53 : memref<128x128xf32, #tpu.memory_space<vmem_shared>>) target_semaphore(%run_scoped3A : memref<!tpu.dma_semaphore, #tpu.memory_space<semaphore_mem>>)
      %dma_wait3A = arith.constant 0 : i32
      %dma_wait3A_54 = tpu.memref_slice %arg9[%add3A_16, %dma_wait3A] : memref<10240x128xf32, #tpu.memory_space<vmem_shared>> -> memref<128x128xf32, #tpu.memory_space<vmem_shared>>
      %dma_wait3A_55 = arith.constant 0 : i32
      %dma_wait3A_56 = tpu.memref_slice %arg9[%add3A_16, %dma_wait3A_55] : memref<10240x128xf32, #tpu.memory_space<vmem_shared>> -> memref<128x128xf32, #tpu.memory_space<vmem_shared>>
      tpu.wait_dma2 semaphore(%run_scoped3A : memref<!tpu.dma_semaphore, #tpu.memory_space<semaphore_mem>>) src(%arg8 : memref<128x128xf32, #tpu.memory_space<vmem>>) dst(%dma_wait3A_56 : memref<128x128xf32, #tpu.memory_space<vmem_shared>>)
      tpu.yield
    }) : () -> ()
    %mul3A_17 = arith.constant 640 : i32
    %mul3A_18 = arith.muli %arg1, %mul3A_17 : i32
    %add3A_19 = arith.constant 384 : i32
    %add3A_20 = arith.addi %mul3A_18, %add3A_19 : i32
    "tpu.region"() ({
      %run_scoped3A = tpu.sem_alloc : memref<!tpu.dma_semaphore, #tpu.memory_space<semaphore_mem>>
      %dma_start3A = arith.constant 0 : i32
      %dma_start3A_51 = tpu.memref_slice %arg9[%add3A_20, %dma_start3A] : memref<10240x128xf32, #tpu.memory_space<vmem_shared>> -> memref<128x128xf32, #tpu.memory_space<vmem_shared>>
      %dma_start3A_52 = arith.constant 0 : i32
      %dma_start3A_53 = tpu.memref_slice %arg9[%add3A_20, %dma_start3A_52] : memref<10240x128xf32, #tpu.memory_space<vmem_shared>> -> memref<128x128xf32, #tpu.memory_space<vmem_shared>>
      tpu.enqueue_dma source(%arg8 : memref<128x128xf32, #tpu.memory_space<vmem>>) target(%dma_start3A_53 : memref<128x128xf32, #tpu.memory_space<vmem_shared>>) target_semaphore(%run_scoped3A : memref<!tpu.dma_semaphore, #tpu.memory_space<semaphore_mem>>)
      %dma_wait3A = arith.constant 0 : i32
      %dma_wait3A_54 = tpu.memref_slice %arg9[%add3A_20, %dma_wait3A] : memref<10240x128xf32, #tpu.memory_space<vmem_shared>> -> memref<128x128xf32, #tpu.memory_space<vmem_shared>>
      %dma_wait3A_55 = arith.constant 0 : i32
      %dma_wait3A_56 = tpu.memref_slice %arg9[%add3A_20, %dma_wait3A_55] : memref<10240x128xf32, #tpu.memory_space<vmem_shared>> -> memref<128x128xf32, #tpu.memory_space<vmem_shared>>
      tpu.wait_dma2 semaphore(%run_scoped3A : memref<!tpu.dma_semaphore, #tpu.memory_space<semaphore_mem>>) src(%arg8 : memref<128x128xf32, #tpu.memory_space<vmem>>) dst(%dma_wait3A_56 : memref<128x128xf32, #tpu.memory_space<vmem_shared>>)
      tpu.yield
    }) : () -> ()
    %mul3A_21 = arith.constant 640 : i32
    %mul3A_22 = arith.muli %arg1, %mul3A_21 : i32
    %add3A_23 = arith.constant 512 : i32
    %add3A_24 = arith.addi %mul3A_22, %add3A_23 : i32
    "tpu.region"() ({
      %run_scoped3A = tpu.sem_alloc : memref<!tpu.dma_semaphore, #tpu.memory_space<semaphore_mem>>
      %dma_start3A = arith.constant 0 : i32
      %dma_start3A_51 = tpu.memref_slice %arg9[%add3A_24, %dma_start3A] : memref<10240x128xf32, #tpu.memory_space<vmem_shared>> -> memref<128x128xf32, #tpu.memory_space<vmem_shared>>
      %dma_start3A_52 = arith.constant 0 : i32
      %dma_start3A_53 = tpu.memref_slice %arg9[%add3A_24, %dma_start3A_52] : memref<10240x128xf32, #tpu.memory_space<vmem_shared>> -> memref<128x128xf32, #tpu.memory_space<vmem_shared>>
      tpu.enqueue_dma source(%arg8 : memref<128x128xf32, #tpu.memory_space<vmem>>) target(%dma_start3A_53 : memref<128x128xf32, #tpu.memory_space<vmem_shared>>) target_semaphore(%run_scoped3A : memref<!tpu.dma_semaphore, #tpu.memory_space<semaphore_mem>>)
      %dma_wait3A = arith.constant 0 : i32
      %dma_wait3A_54 = tpu.memref_slice %arg9[%add3A_24, %dma_wait3A] : memref<10240x128xf32, #tpu.memory_space<vmem_shared>> -> memref<128x128xf32, #tpu.memory_space<vmem_shared>>
      %dma_wait3A_55 = arith.constant 0 : i32
      %dma_wait3A_56 = tpu.memref_slice %arg9[%add3A_24, %dma_wait3A_55] : memref<10240x128xf32, #tpu.memory_space<vmem_shared>> -> memref<128x128xf32, #tpu.memory_space<vmem_shared>>
      tpu.wait_dma2 semaphore(%run_scoped3A : memref<!tpu.dma_semaphore, #tpu.memory_space<semaphore_mem>>) src(%arg8 : memref<128x128xf32, #tpu.memory_space<vmem>>) dst(%dma_wait3A_56 : memref<128x128xf32, #tpu.memory_space<vmem_shared>>)
      tpu.yield
    }) : () -> ()
    %barrier3A = arith.constant 0 : index
    tpu.barrier barrier_id(%barrier3A)
    "tpu.region"() ({
      %run_scoped3A = tpu.sem_alloc : memref<!tpu.dma_semaphore, #tpu.memory_space<semaphore_mem>>
      %dma_start3A = arith.constant 0 : i32
      %dma_start3A_51 = arith.constant 0 : i32
      %dma_start3A_52 = tpu.memref_slice %arg3[%add3A, %dma_start3A, %dma_start3A_51] : memref<32x79x128xi32, #tpu.memory_space<hbm>> -> memref<1x79x128xi32, #tpu.memory_space<hbm>>
      %dma_start3A_53 = tpu.memref_squeeze %dma_start3A_52 : memref<1x79x128xi32, #tpu.memory_space<hbm>> -> memref<79x128xi32, #tpu.memory_space<hbm>>
      %dma_start3A_54 = arith.constant 0 : i32
      %dma_start3A_55 = arith.constant 0 : i32
      %dma_start3A_56 = tpu.memref_slice %arg3[%add3A, %dma_start3A_54, %dma_start3A_55] : memref<32x79x128xi32, #tpu.memory_space<hbm>> -> memref<1x79x128xi32, #tpu.memory_space<hbm>>
      %dma_start3A_57 = tpu.memref_squeeze %dma_start3A_56 : memref<1x79x128xi32, #tpu.memory_space<hbm>> -> memref<79x128xi32, #tpu.memory_space<hbm>>
      tpu.enqueue_dma source(%dma_start3A_57 : memref<79x128xi32, #tpu.memory_space<hbm>>) target(%arg6 : memref<79x128xi32, #tpu.memory_space<vmem>>) target_semaphore(%run_scoped3A : memref<!tpu.dma_semaphore, #tpu.memory_space<semaphore_mem>>)
      %dma_wait3A = arith.constant 0 : i32
      %dma_wait3A_58 = arith.constant 0 : i32
      %dma_wait3A_59 = tpu.memref_slice %arg3[%add3A, %dma_wait3A, %dma_wait3A_58] : memref<32x79x128xi32, #tpu.memory_space<hbm>> -> memref<1x79x128xi32, #tpu.memory_space<hbm>>
      %dma_wait3A_60 = tpu.memref_squeeze %dma_wait3A_59 : memref<1x79x128xi32, #tpu.memory_space<hbm>> -> memref<79x128xi32, #tpu.memory_space<hbm>>
      %dma_wait3A_61 = arith.constant 0 : i32
      %dma_wait3A_62 = arith.constant 0 : i32
      %dma_wait3A_63 = tpu.memref_slice %arg3[%add3A, %dma_wait3A_61, %dma_wait3A_62] : memref<32x79x128xi32, #tpu.memory_space<hbm>> -> memref<1x79x128xi32, #tpu.memory_space<hbm>>
      %dma_wait3A_64 = tpu.memref_squeeze %dma_wait3A_63 : memref<1x79x128xi32, #tpu.memory_space<hbm>> -> memref<79x128xi32, #tpu.memory_space<hbm>>
      tpu.wait_dma2 semaphore(%run_scoped3A : memref<!tpu.dma_semaphore, #tpu.memory_space<semaphore_mem>>) src(%dma_wait3A_64 : memref<79x128xi32, #tpu.memory_space<hbm>>) dst(%arg6 : memref<79x128xi32, #tpu.memory_space<vmem>>)
      tpu.yield
    }) : () -> ()
    "tpu.region"() ({
      %run_scoped3A = tpu.sem_alloc : memref<!tpu.dma_semaphore, #tpu.memory_space<semaphore_mem>>
      %dma_start3A = arith.constant 0 : i32
      %dma_start3A_51 = arith.constant 0 : i32
      %dma_start3A_52 = tpu.memref_slice %arg4[%add3A, %dma_start3A, %dma_start3A_51] : memref<32x79x128xi32, #tpu.memory_space<hbm>> -> memref<1x79x128xi32, #tpu.memory_space<hbm>>
      %dma_start3A_53 = tpu.memref_squeeze %dma_start3A_52 : memref<1x79x128xi32, #tpu.memory_space<hbm>> -> memref<79x128xi32, #tpu.memory_space<hbm>>
      %dma_start3A_54 = arith.constant 0 : i32
      %dma_start3A_55 = arith.constant 0 : i32
      %dma_start3A_56 = tpu.memref_slice %arg4[%add3A, %dma_start3A_54, %dma_start3A_55] : memref<32x79x128xi32, #tpu.memory_space<hbm>> -> memref<1x79x128xi32, #tpu.memory_space<hbm>>
      %dma_start3A_57 = tpu.memref_squeeze %dma_start3A_56 : memref<1x79x128xi32, #tpu.memory_space<hbm>> -> memref<79x128xi32, #tpu.memory_space<hbm>>
      tpu.enqueue_dma source(%dma_start3A_57 : memref<79x128xi32, #tpu.memory_space<hbm>>) target(%arg7 : memref<79x128xi32, #tpu.memory_space<vmem>>) target_semaphore(%run_scoped3A : memref<!tpu.dma_semaphore, #tpu.memory_space<semaphore_mem>>)
      %dma_wait3A = arith.constant 0 : i32
      %dma_wait3A_58 = arith.constant 0 : i32
      %dma_wait3A_59 = tpu.memref_slice %arg4[%add3A, %dma_wait3A, %dma_wait3A_58] : memref<32x79x128xi32, #tpu.memory_space<hbm>> -> memref<1x79x128xi32, #tpu.memory_space<hbm>>
      %dma_wait3A_60 = tpu.memref_squeeze %dma_wait3A_59 : memref<1x79x128xi32, #tpu.memory_space<hbm>> -> memref<79x128xi32, #tpu.memory_space<hbm>>
      %dma_wait3A_61 = arith.constant 0 : i32
      %dma_wait3A_62 = arith.constant 0 : i32
      %dma_wait3A_63 = tpu.memref_slice %arg4[%add3A, %dma_wait3A_61, %dma_wait3A_62] : memref<32x79x128xi32, #tpu.memory_space<hbm>> -> memref<1x79x128xi32, #tpu.memory_space<hbm>>
      %dma_wait3A_64 = tpu.memref_squeeze %dma_wait3A_63 : memref<1x79x128xi32, #tpu.memory_space<hbm>> -> memref<79x128xi32, #tpu.memory_space<hbm>>
      tpu.wait_dma2 semaphore(%run_scoped3A : memref<!tpu.dma_semaphore, #tpu.memory_space<semaphore_mem>>) src(%dma_wait3A_64 : memref<79x128xi32, #tpu.memory_space<hbm>>) dst(%arg7 : memref<79x128xi32, #tpu.memory_space<vmem>>)
      tpu.yield
    }) : () -> ()
    %scan3A_25 = arith.constant 0 : i32
    %scan3A_26 = arith.constant 79 : i32
    %scan3A_27 = arith.addi %scan3A_25, %scan3A_26 : i32
    %scan3A_28 = arith.constant 1 : i32
    scf.for %scan3A_51 = %scan3A_25 to %scan3A_27 step %scan3A_28  : i32 {
      %dma_start3A = arith.constant 0 : i32
      %dma_start3A_52 = tpu.memref_slice %arg6[%scan3A_51, %dma_start3A] : memref<79x128xi32, #tpu.memory_space<vmem>> -> memref<1x128xi32, #tpu.memory_space<vmem>>
      %dma_start3A_53 = tpu.memref_squeeze %dma_start3A_52 : memref<1x128xi32, #tpu.memory_space<vmem>> -> memref<128xi32, #tpu.memory_space<vmem>>
      %dma_start3A_54 = arith.constant 0 : i32
      %dma_start3A_55 = arith.constant 0 : i32
      %dma_start3A_56 = tpu.memref_slice %arg2[%dma_start3A_54, %dma_start3A_55] : memref<10000x128xf32, #tpu.memory_space<hbm>> -> memref<10000x128xf32, #tpu.memory_space<hbm>>
      tpu.enqueue_indirect_dma source(%dma_start3A_56 : memref<10000x128xf32, #tpu.memory_space<hbm>>) target(%arg8 : memref<128x128xf32, #tpu.memory_space<vmem>>) offsets(%dma_start3A_53 : memref<128xi32, #tpu.memory_space<vmem>>) semaphore(%arg10 : memref<!tpu.dma_semaphore, #tpu.memory_space<semaphore_mem>>)
      %dma_wait3A = arith.constant 0 : i32
      %dma_wait3A_57 = tpu.memref_slice %arg6[%scan3A_51, %dma_wait3A] : memref<79x128xi32, #tpu.memory_space<vmem>> -> memref<1x128xi32, #tpu.memory_space<vmem>>
      %dma_wait3A_58 = tpu.memref_squeeze %dma_wait3A_57 : memref<1x128xi32, #tpu.memory_space<vmem>> -> memref<128xi32, #tpu.memory_space<vmem>>
      %dma_wait3A_59 = arith.constant 0 : i32
      %dma_wait3A_60 = arith.constant 0 : i32
      %dma_wait3A_61 = tpu.memref_slice %arg2[%dma_wait3A_59, %dma_wait3A_60] : memref<10000x128xf32, #tpu.memory_space<hbm>> -> memref<10000x128xf32, #tpu.memory_space<hbm>>
      tpu.wait_indirect_dma semaphore(%arg10 : memref<!tpu.dma_semaphore, #tpu.memory_space<semaphore_mem>>) src(%dma_wait3A_61 : memref<10000x128xf32, #tpu.memory_space<hbm>>) dst(%arg8 : memref<128x128xf32, #tpu.memory_space<vmem>>)
      "tpu.region"() ({
        %run_scoped3A = tpu.sem_alloc : memref<!tpu.dma_semaphore, #tpu.memory_space<semaphore_mem>>
        %dma_start3A_62 = arith.constant 0 : i32
        %dma_start3A_63 = tpu.memref_slice %arg7[%scan3A_51, %dma_start3A_62] : memref<79x128xi32, #tpu.memory_space<vmem>> -> memref<1x128xi32, #tpu.memory_space<vmem>>
        %dma_start3A_64 = tpu.memref_squeeze %dma_start3A_63 : memref<1x128xi32, #tpu.memory_space<vmem>> -> memref<128xi32, #tpu.memory_space<vmem>>
        %dma_start3A_65 = arith.constant 0 : i32
        %dma_start3A_66 = arith.constant 0 : i32
        %dma_start3A_67 = tpu.memref_slice %arg9[%dma_start3A_65, %dma_start3A_66] : memref<10240x128xf32, #tpu.memory_space<vmem_shared>> -> memref<10240x128xf32, #tpu.memory_space<vmem_shared>>
        tpu.enqueue_indirect_dma source(%arg8 : memref<128x128xf32, #tpu.memory_space<vmem>>) target(%dma_start3A_67 : memref<10240x128xf32, #tpu.memory_space<vmem_shared>>) offsets(%dma_start3A_64 : memref<128xi32, #tpu.memory_space<vmem>>) semaphore(%run_scoped3A : memref<!tpu.dma_semaphore, #tpu.memory_space<semaphore_mem>>) {add = true}
        %dma_wait3A_68 = arith.constant 0 : i32
        %dma_wait3A_69 = tpu.memref_slice %arg7[%scan3A_51, %dma_wait3A_68] : memref<79x128xi32, #tpu.memory_space<vmem>> -> memref<1x128xi32, #tpu.memory_space<vmem>>
        %dma_wait3A_70 = tpu.memref_squeeze %dma_wait3A_69 : memref<1x128xi32, #tpu.memory_space<vmem>> -> memref<128xi32, #tpu.memory_space<vmem>>
        %dma_wait3A_71 = arith.constant 0 : i32
        %dma_wait3A_72 = arith.constant 0 : i32
        %dma_wait3A_73 = tpu.memref_slice %arg9[%dma_wait3A_71, %dma_wait3A_72] : memref<10240x128xf32, #tpu.memory_space<vmem_shared>> -> memref<10240x128xf32, #tpu.memory_space<vmem_shared>>
        tpu.wait_indirect_dma semaphore(%run_scoped3A : memref<!tpu.dma_semaphore, #tpu.memory_space<semaphore_mem>>) src(%arg8 : memref<128x128xf32, #tpu.memory_space<vmem>>) dst(%dma_wait3A_73 : memref<10240x128xf32, #tpu.memory_space<vmem_shared>>)
        tpu.yield
      }) : () -> ()
    }
    %scan3A_29 = arith.constant 79 : i32
    %barrier3A_30 = arith.constant 0 : index
    tpu.barrier barrier_id(%barrier3A_30)
    %mul3A_31 = arith.constant 640 : i32
    %mul3A_32 = arith.muli %arg1, %mul3A_31 : i32
    %add3A_33 = arith.constant 0 : i32
    %add3A_34 = arith.addi %mul3A_32, %add3A_33 : i32
    "tpu.region"() ({
      %run_scoped3A = tpu.sem_alloc : memref<!tpu.dma_semaphore, #tpu.memory_space<semaphore_mem>>
      %dma_start3A = arith.constant 0 : i32
      %dma_start3A_51 = tpu.memref_slice %arg9[%add3A_34, %dma_start3A] : memref<10240x128xf32, #tpu.memory_space<vmem_shared>> -> memref<128x128xf32, #tpu.memory_space<vmem_shared>>
      %dma_start3A_52 = arith.constant 0 : i32
      %dma_start3A_53 = tpu.memref_slice %arg9[%add3A_34, %dma_start3A_52] : memref<10240x128xf32, #tpu.memory_space<vmem_shared>> -> memref<128x128xf32, #tpu.memory_space<vmem_shared>>
      tpu.enqueue_dma source(%dma_start3A_53 : memref<128x128xf32, #tpu.memory_space<vmem_shared>>) target(%arg8 : memref<128x128xf32, #tpu.memory_space<vmem>>) target_semaphore(%run_scoped3A : memref<!tpu.dma_semaphore, #tpu.memory_space<semaphore_mem>>)
      %dma_wait3A = arith.constant 0 : i32
      %dma_wait3A_54 = tpu.memref_slice %arg9[%add3A_34, %dma_wait3A] : memref<10240x128xf32, #tpu.memory_space<vmem_shared>> -> memref<128x128xf32, #tpu.memory_space<vmem_shared>>
      %dma_wait3A_55 = arith.constant 0 : i32
      %dma_wait3A_56 = tpu.memref_slice %arg9[%add3A_34, %dma_wait3A_55] : memref<10240x128xf32, #tpu.memory_space<vmem_shared>> -> memref<128x128xf32, #tpu.memory_space<vmem_shared>>
      tpu.wait_dma2 semaphore(%run_scoped3A : memref<!tpu.dma_semaphore, #tpu.memory_space<semaphore_mem>>) src(%dma_wait3A_56 : memref<128x128xf32, #tpu.memory_space<vmem_shared>>) dst(%arg8 : memref<128x128xf32, #tpu.memory_space<vmem>>)
      tpu.yield
    }) : () -> ()
    "tpu.region"() ({
      %run_scoped3A = tpu.sem_alloc : memref<!tpu.dma_semaphore, #tpu.memory_space<semaphore_mem>>
      %dma_start3A = arith.constant 0 : i32
      %dma_start3A_51 = tpu.memref_slice %arg5[%arg0, %add3A_34, %dma_start3A] : memref<2x10240x128xf32, #tpu.memory_space<hbm>> -> memref<1x128x128xf32, #tpu.memory_space<hbm>>
      %dma_start3A_52 = tpu.memref_squeeze %dma_start3A_51 : memref<1x128x128xf32, #tpu.memory_space<hbm>> -> memref<128x128xf32, #tpu.memory_space<hbm>>
      %dma_start3A_53 = arith.constant 0 : i32
      %dma_start3A_54 = tpu.memref_slice %arg5[%arg0, %add3A_34, %dma_start3A_53] : memref<2x10240x128xf32, #tpu.memory_space<hbm>> -> memref<1x128x128xf32, #tpu.memory_space<hbm>>
      %dma_start3A_55 = tpu.memref_squeeze %dma_start3A_54 : memref<1x128x128xf32, #tpu.memory_space<hbm>> -> memref<128x128xf32, #tpu.memory_space<hbm>>
      tpu.enqueue_dma source(%arg8 : memref<128x128xf32, #tpu.memory_space<vmem>>) target(%dma_start3A_55 : memref<128x128xf32, #tpu.memory_space<hbm>>) target_semaphore(%run_scoped3A : memref<!tpu.dma_semaphore, #tpu.memory_space<semaphore_mem>>)
      %dma_wait3A = arith.constant 0 : i32
      %dma_wait3A_56 = tpu.memref_slice %arg5[%arg0, %add3A_34, %dma_wait3A] : memref<2x10240x128xf32, #tpu.memory_space<hbm>> -> memref<1x128x128xf32, #tpu.memory_space<hbm>>
      %dma_wait3A_57 = tpu.memref_squeeze %dma_wait3A_56 : memref<1x128x128xf32, #tpu.memory_space<hbm>> -> memref<128x128xf32, #tpu.memory_space<hbm>>
      %dma_wait3A_58 = arith.constant 0 : i32
      %dma_wait3A_59 = tpu.memref_slice %arg5[%arg0, %add3A_34, %dma_wait3A_58] : memref<2x10240x128xf32, #tpu.memory_space<hbm>> -> memref<1x128x128xf32, #tpu.memory_space<hbm>>
      %dma_wait3A_60 = tpu.memref_squeeze %dma_wait3A_59 : memref<1x128x128xf32, #tpu.memory_space<hbm>> -> memref<128x128xf32, #tpu.memory_space<hbm>>
      tpu.wait_dma2 semaphore(%run_scoped3A : memref<!tpu.dma_semaphore, #tpu.memory_space<semaphore_mem>>) src(%arg8 : memref<128x128xf32, #tpu.memory_space<vmem>>) dst(%dma_wait3A_60 : memref<128x128xf32, #tpu.memory_space<hbm>>)
      tpu.yield
    }) : () -> ()
    %mul3A_35 = arith.constant 640 : i32
    %mul3A_36 = arith.muli %arg1, %mul3A_35 : i32
    %add3A_37 = arith.constant 128 : i32
    %add3A_38 = arith.addi %mul3A_36, %add3A_37 : i32
    "tpu.region"() ({
      %run_scoped3A = tpu.sem_alloc : memref<!tpu.dma_semaphore, #tpu.memory_space<semaphore_mem>>
      %dma_start3A = arith.constant 0 : i32
      %dma_start3A_51 = tpu.memref_slice %arg9[%add3A_38, %dma_start3A] : memref<10240x128xf32, #tpu.memory_space<vmem_shared>> -> memref<128x128xf32, #tpu.memory_space<vmem_shared>>
      %dma_start3A_52 = arith.constant 0 : i32
      %dma_start3A_53 = tpu.memref_slice %arg9[%add3A_38, %dma_start3A_52] : memref<10240x128xf32, #tpu.memory_space<vmem_shared>> -> memref<128x128xf32, #tpu.memory_space<vmem_shared>>
      tpu.enqueue_dma source(%dma_start3A_53 : memref<128x128xf32, #tpu.memory_space<vmem_shared>>) target(%arg8 : memref<128x128xf32, #tpu.memory_space<vmem>>) target_semaphore(%run_scoped3A : memref<!tpu.dma_semaphore, #tpu.memory_space<semaphore_mem>>)
      %dma_wait3A = arith.constant 0 : i32
      %dma_wait3A_54 = tpu.memref_slice %arg9[%add3A_38, %dma_wait3A] : memref<10240x128xf32, #tpu.memory_space<vmem_shared>> -> memref<128x128xf32, #tpu.memory_space<vmem_shared>>
      %dma_wait3A_55 = arith.constant 0 : i32
      %dma_wait3A_56 = tpu.memref_slice %arg9[%add3A_38, %dma_wait3A_55] : memref<10240x128xf32, #tpu.memory_space<vmem_shared>> -> memref<128x128xf32, #tpu.memory_space<vmem_shared>>
      tpu.wait_dma2 semaphore(%run_scoped3A : memref<!tpu.dma_semaphore, #tpu.memory_space<semaphore_mem>>) src(%dma_wait3A_56 : memref<128x128xf32, #tpu.memory_space<vmem_shared>>) dst(%arg8 : memref<128x128xf32, #tpu.memory_space<vmem>>)
      tpu.yield
    }) : () -> ()
    "tpu.region"() ({
      %run_scoped3A = tpu.sem_alloc : memref<!tpu.dma_semaphore, #tpu.memory_space<semaphore_mem>>
      %dma_start3A = arith.constant 0 : i32
      %dma_start3A_51 = tpu.memref_slice %arg5[%arg0, %add3A_38, %dma_start3A] : memref<2x10240x128xf32, #tpu.memory_space<hbm>> -> memref<1x128x128xf32, #tpu.memory_space<hbm>>
      %dma_start3A_52 = tpu.memref_squeeze %dma_start3A_51 : memref<1x128x128xf32, #tpu.memory_space<hbm>> -> memref<128x128xf32, #tpu.memory_space<hbm>>
      %dma_start3A_53 = arith.constant 0 : i32
      %dma_start3A_54 = tpu.memref_slice %arg5[%arg0, %add3A_38, %dma_start3A_53] : memref<2x10240x128xf32, #tpu.memory_space<hbm>> -> memref<1x128x128xf32, #tpu.memory_space<hbm>>
      %dma_start3A_55 = tpu.memref_squeeze %dma_start3A_54 : memref<1x128x128xf32, #tpu.memory_space<hbm>> -> memref<128x128xf32, #tpu.memory_space<hbm>>
      tpu.enqueue_dma source(%arg8 : memref<128x128xf32, #tpu.memory_space<vmem>>) target(%dma_start3A_55 : memref<128x128xf32, #tpu.memory_space<hbm>>) target_semaphore(%run_scoped3A : memref<!tpu.dma_semaphore, #tpu.memory_space<semaphore_mem>>)
      %dma_wait3A = arith.constant 0 : i32
      %dma_wait3A_56 = tpu.memref_slice %arg5[%arg0, %add3A_38, %dma_wait3A] : memref<2x10240x128xf32, #tpu.memory_space<hbm>> -> memref<1x128x128xf32, #tpu.memory_space<hbm>>
      %dma_wait3A_57 = tpu.memref_squeeze %dma_wait3A_56 : memref<1x128x128xf32, #tpu.memory_space<hbm>> -> memref<128x128xf32, #tpu.memory_space<hbm>>
      %dma_wait3A_58 = arith.constant 0 : i32
      %dma_wait3A_59 = tpu.memref_slice %arg5[%arg0, %add3A_38, %dma_wait3A_58] : memref<2x10240x128xf32, #tpu.memory_space<hbm>> -> memref<1x128x128xf32, #tpu.memory_space<hbm>>
      %dma_wait3A_60 = tpu.memref_squeeze %dma_wait3A_59 : memref<1x128x128xf32, #tpu.memory_space<hbm>> -> memref<128x128xf32, #tpu.memory_space<hbm>>
      tpu.wait_dma2 semaphore(%run_scoped3A : memref<!tpu.dma_semaphore, #tpu.memory_space<semaphore_mem>>) src(%arg8 : memref<128x128xf32, #tpu.memory_space<vmem>>) dst(%dma_wait3A_60 : memref<128x128xf32, #tpu.memory_space<hbm>>)
      tpu.yield
    }) : () -> ()
    %mul3A_39 = arith.constant 640 : i32
    %mul3A_40 = arith.muli %arg1, %mul3A_39 : i32
    %add3A_41 = arith.constant 256 : i32
    %add3A_42 = arith.addi %mul3A_40, %add3A_41 : i32
    "tpu.region"() ({
      %run_scoped3A = tpu.sem_alloc : memref<!tpu.dma_semaphore, #tpu.memory_space<semaphore_mem>>
      %dma_start3A = arith.constant 0 : i32
      %dma_start3A_51 = tpu.memref_slice %arg9[%add3A_42, %dma_start3A] : memref<10240x128xf32, #tpu.memory_space<vmem_shared>> -> memref<128x128xf32, #tpu.memory_space<vmem_shared>>
      %dma_start3A_52 = arith.constant 0 : i32
      %dma_start3A_53 = tpu.memref_slice %arg9[%add3A_42, %dma_start3A_52] : memref<10240x128xf32, #tpu.memory_space<vmem_shared>> -> memref<128x128xf32, #tpu.memory_space<vmem_shared>>
      tpu.enqueue_dma source(%dma_start3A_53 : memref<128x128xf32, #tpu.memory_space<vmem_shared>>) target(%arg8 : memref<128x128xf32, #tpu.memory_space<vmem>>) target_semaphore(%run_scoped3A : memref<!tpu.dma_semaphore, #tpu.memory_space<semaphore_mem>>)
      %dma_wait3A = arith.constant 0 : i32
      %dma_wait3A_54 = tpu.memref_slice %arg9[%add3A_42, %dma_wait3A] : memref<10240x128xf32, #tpu.memory_space<vmem_shared>> -> memref<128x128xf32, #tpu.memory_space<vmem_shared>>
      %dma_wait3A_55 = arith.constant 0 : i32
      %dma_wait3A_56 = tpu.memref_slice %arg9[%add3A_42, %dma_wait3A_55] : memref<10240x128xf32, #tpu.memory_space<vmem_shared>> -> memref<128x128xf32, #tpu.memory_space<vmem_shared>>
      tpu.wait_dma2 semaphore(%run_scoped3A : memref<!tpu.dma_semaphore, #tpu.memory_space<semaphore_mem>>) src(%dma_wait3A_56 : memref<128x128xf32, #tpu.memory_space<vmem_shared>>) dst(%arg8 : memref<128x128xf32, #tpu.memory_space<vmem>>)
      tpu.yield
    }) : () -> ()
    "tpu.region"() ({
      %run_scoped3A = tpu.sem_alloc : memref<!tpu.dma_semaphore, #tpu.memory_space<semaphore_mem>>
      %dma_start3A = arith.constant 0 : i32
      %dma_start3A_51 = tpu.memref_slice %arg5[%arg0, %add3A_42, %dma_start3A] : memref<2x10240x128xf32, #tpu.memory_space<hbm>> -> memref<1x128x128xf32, #tpu.memory_space<hbm>>
      %dma_start3A_52 = tpu.memref_squeeze %dma_start3A_51 : memref<1x128x128xf32, #tpu.memory_space<hbm>> -> memref<128x128xf32, #tpu.memory_space<hbm>>
      %dma_start3A_53 = arith.constant 0 : i32
      %dma_start3A_54 = tpu.memref_slice %arg5[%arg0, %add3A_42, %dma_start3A_53] : memref<2x10240x128xf32, #tpu.memory_space<hbm>> -> memref<1x128x128xf32, #tpu.memory_space<hbm>>
      %dma_start3A_55 = tpu.memref_squeeze %dma_start3A_54 : memref<1x128x128xf32, #tpu.memory_space<hbm>> -> memref<128x128xf32, #tpu.memory_space<hbm>>
      tpu.enqueue_dma source(%arg8 : memref<128x128xf32, #tpu.memory_space<vmem>>) target(%dma_start3A_55 : memref<128x128xf32, #tpu.memory_space<hbm>>) target_semaphore(%run_scoped3A : memref<!tpu.dma_semaphore, #tpu.memory_space<semaphore_mem>>)
      %dma_wait3A = arith.constant 0 : i32
      %dma_wait3A_56 = tpu.memref_slice %arg5[%arg0, %add3A_42, %dma_wait3A] : memref<2x10240x128xf32, #tpu.memory_space<hbm>> -> memref<1x128x128xf32, #tpu.memory_space<hbm>>
      %dma_wait3A_57 = tpu.memref_squeeze %dma_wait3A_56 : memref<1x128x128xf32, #tpu.memory_space<hbm>> -> memref<128x128xf32, #tpu.memory_space<hbm>>
      %dma_wait3A_58 = arith.constant 0 : i32
      %dma_wait3A_59 = tpu.memref_slice %arg5[%arg0, %add3A_42, %dma_wait3A_58] : memref<2x10240x128xf32, #tpu.memory_space<hbm>> -> memref<1x128x128xf32, #tpu.memory_space<hbm>>
      %dma_wait3A_60 = tpu.memref_squeeze %dma_wait3A_59 : memref<1x128x128xf32, #tpu.memory_space<hbm>> -> memref<128x128xf32, #tpu.memory_space<hbm>>
      tpu.wait_dma2 semaphore(%run_scoped3A : memref<!tpu.dma_semaphore, #tpu.memory_space<semaphore_mem>>) src(%arg8 : memref<128x128xf32, #tpu.memory_space<vmem>>) dst(%dma_wait3A_60 : memref<128x128xf32, #tpu.memory_space<hbm>>)
      tpu.yield
    }) : () -> ()
    %mul3A_43 = arith.constant 640 : i32
    %mul3A_44 = arith.muli %arg1, %mul3A_43 : i32
    %add3A_45 = arith.constant 384 : i32
    %add3A_46 = arith.addi %mul3A_44, %add3A_45 : i32
    "tpu.region"() ({
      %run_scoped3A = tpu.sem_alloc : memref<!tpu.dma_semaphore, #tpu.memory_space<semaphore_mem>>
      %dma_start3A = arith.constant 0 : i32
      %dma_start3A_51 = tpu.memref_slice %arg9[%add3A_46, %dma_start3A] : memref<10240x128xf32, #tpu.memory_space<vmem_shared>> -> memref<128x128xf32, #tpu.memory_space<vmem_shared>>
      %dma_start3A_52 = arith.constant 0 : i32
      %dma_start3A_53 = tpu.memref_slice %arg9[%add3A_46, %dma_start3A_52] : memref<10240x128xf32, #tpu.memory_space<vmem_shared>> -> memref<128x128xf32, #tpu.memory_space<vmem_shared>>
      tpu.enqueue_dma source(%dma_start3A_53 : memref<128x128xf32, #tpu.memory_space<vmem_shared>>) target(%arg8 : memref<128x128xf32, #tpu.memory_space<vmem>>) target_semaphore(%run_scoped3A : memref<!tpu.dma_semaphore, #tpu.memory_space<semaphore_mem>>)
      %dma_wait3A = arith.constant 0 : i32
      %dma_wait3A_54 = tpu.memref_slice %arg9[%add3A_46, %dma_wait3A] : memref<10240x128xf32, #tpu.memory_space<vmem_shared>> -> memref<128x128xf32, #tpu.memory_space<vmem_shared>>
      %dma_wait3A_55 = arith.constant 0 : i32
      %dma_wait3A_56 = tpu.memref_slice %arg9[%add3A_46, %dma_wait3A_55] : memref<10240x128xf32, #tpu.memory_space<vmem_shared>> -> memref<128x128xf32, #tpu.memory_space<vmem_shared>>
      tpu.wait_dma2 semaphore(%run_scoped3A : memref<!tpu.dma_semaphore, #tpu.memory_space<semaphore_mem>>) src(%dma_wait3A_56 : memref<128x128xf32, #tpu.memory_space<vmem_shared>>) dst(%arg8 : memref<128x128xf32, #tpu.memory_space<vmem>>)
      tpu.yield
    }) : () -> ()
    "tpu.region"() ({
      %run_scoped3A = tpu.sem_alloc : memref<!tpu.dma_semaphore, #tpu.memory_space<semaphore_mem>>
      %dma_start3A = arith.constant 0 : i32
      %dma_start3A_51 = tpu.memref_slice %arg5[%arg0, %add3A_46, %dma_start3A] : memref<2x10240x128xf32, #tpu.memory_space<hbm>> -> memref<1x128x128xf32, #tpu.memory_space<hbm>>
      %dma_start3A_52 = tpu.memref_squeeze %dma_start3A_51 : memref<1x128x128xf32, #tpu.memory_space<hbm>> -> memref<128x128xf32, #tpu.memory_space<hbm>>
      %dma_start3A_53 = arith.constant 0 : i32
      %dma_start3A_54 = tpu.memref_slice %arg5[%arg0, %add3A_46, %dma_start3A_53] : memref<2x10240x128xf32, #tpu.memory_space<hbm>> -> memref<1x128x128xf32, #tpu.memory_space<hbm>>
      %dma_start3A_55 = tpu.memref_squeeze %dma_start3A_54 : memref<1x128x128xf32, #tpu.memory_space<hbm>> -> memref<128x128xf32, #tpu.memory_space<hbm>>
      tpu.enqueue_dma source(%arg8 : memref<128x128xf32, #tpu.memory_space<vmem>>) target(%dma_start3A_55 : memref<128x128xf32, #tpu.memory_space<hbm>>) target_semaphore(%run_scoped3A : memref<!tpu.dma_semaphore, #tpu.memory_space<semaphore_mem>>)
      %dma_wait3A = arith.constant 0 : i32
      %dma_wait3A_56 = tpu.memref_slice %arg5[%arg0, %add3A_46, %dma_wait3A] : memref<2x10240x128xf32, #tpu.memory_space<hbm>> -> memref<1x128x128xf32, #tpu.memory_space<hbm>>
      %dma_wait3A_57 = tpu.memref_squeeze %dma_wait3A_56 : memref<1x128x128xf32, #tpu.memory_space<hbm>> -> memref<128x128xf32, #tpu.memory_space<hbm>>
      %dma_wait3A_58 = arith.constant 0 : i32
      %dma_wait3A_59 = tpu.memref_slice %arg5[%arg0, %add3A_46, %dma_wait3A_58] : memref<2x10240x128xf32, #tpu.memory_space<hbm>> -> memref<1x128x128xf32, #tpu.memory_space<hbm>>
      %dma_wait3A_60 = tpu.memref_squeeze %dma_wait3A_59 : memref<1x128x128xf32, #tpu.memory_space<hbm>> -> memref<128x128xf32, #tpu.memory_space<hbm>>
      tpu.wait_dma2 semaphore(%run_scoped3A : memref<!tpu.dma_semaphore, #tpu.memory_space<semaphore_mem>>) src(%arg8 : memref<128x128xf32, #tpu.memory_space<vmem>>) dst(%dma_wait3A_60 : memref<128x128xf32, #tpu.memory_space<hbm>>)
      tpu.yield
    }) : () -> ()
    %mul3A_47 = arith.constant 640 : i32
    %mul3A_48 = arith.muli %arg1, %mul3A_47 : i32
    %add3A_49 = arith.constant 512 : i32
    %add3A_50 = arith.addi %mul3A_48, %add3A_49 : i32
    "tpu.region"() ({
      %run_scoped3A = tpu.sem_alloc : memref<!tpu.dma_semaphore, #tpu.memory_space<semaphore_mem>>
      %dma_start3A = arith.constant 0 : i32
      %dma_start3A_51 = tpu.memref_slice %arg9[%add3A_50, %dma_start3A] : memref<10240x128xf32, #tpu.memory_space<vmem_shared>> -> memref<128x128xf32, #tpu.memory_space<vmem_shared>>
      %dma_start3A_52 = arith.constant 0 : i32
      %dma_start3A_53 = tpu.memref_slice %arg9[%add3A_50, %dma_start3A_52] : memref<10240x128xf32, #tpu.memory_space<vmem_shared>> -> memref<128x128xf32, #tpu.memory_space<vmem_shared>>
      tpu.enqueue_dma source(%dma_start3A_53 : memref<128x128xf32, #tpu.memory_space<vmem_shared>>) target(%arg8 : memref<128x128xf32, #tpu.memory_space<vmem>>) target_semaphore(%run_scoped3A : memref<!tpu.dma_semaphore, #tpu.memory_space<semaphore_mem>>)
      %dma_wait3A = arith.constant 0 : i32
      %dma_wait3A_54 = tpu.memref_slice %arg9[%add3A_50, %dma_wait3A] : memref<10240x128xf32, #tpu.memory_space<vmem_shared>> -> memref<128x128xf32, #tpu.memory_space<vmem_shared>>
      %dma_wait3A_55 = arith.constant 0 : i32
      %dma_wait3A_56 = tpu.memref_slice %arg9[%add3A_50, %dma_wait3A_55] : memref<10240x128xf32, #tpu.memory_space<vmem_shared>> -> memref<128x128xf32, #tpu.memory_space<vmem_shared>>
      tpu.wait_dma2 semaphore(%run_scoped3A : memref<!tpu.dma_semaphore, #tpu.memory_space<semaphore_mem>>) src(%dma_wait3A_56 : memref<128x128xf32, #tpu.memory_space<vmem_shared>>) dst(%arg8 : memref<128x128xf32, #tpu.memory_space<vmem>>)
      tpu.yield
    }) : () -> ()
    "tpu.region"() ({
      %run_scoped3A = tpu.sem_alloc : memref<!tpu.dma_semaphore, #tpu.memory_space<semaphore_mem>>
      %dma_start3A = arith.constant 0 : i32
      %dma_start3A_51 = tpu.memref_slice %arg5[%arg0, %add3A_50, %dma_start3A] : memref<2x10240x128xf32, #tpu.memory_space<hbm>> -> memref<1x128x128xf32, #tpu.memory_space<hbm>>
      %dma_start3A_52 = tpu.memref_squeeze %dma_start3A_51 : memref<1x128x128xf32, #tpu.memory_space<hbm>> -> memref<128x128xf32, #tpu.memory_space<hbm>>
      %dma_start3A_53 = arith.constant 0 : i32
      %dma_start3A_54 = tpu.memref_slice %arg5[%arg0, %add3A_50, %dma_start3A_53] : memref<2x10240x128xf32, #tpu.memory_space<hbm>> -> memref<1x128x128xf32, #tpu.memory_space<hbm>>
      %dma_start3A_55 = tpu.memref_squeeze %dma_start3A_54 : memref<1x128x128xf32, #tpu.memory_space<hbm>> -> memref<128x128xf32, #tpu.memory_space<hbm>>
      tpu.enqueue_dma source(%arg8 : memref<128x128xf32, #tpu.memory_space<vmem>>) target(%dma_start3A_55 : memref<128x128xf32, #tpu.memory_space<hbm>>) target_semaphore(%run_scoped3A : memref<!tpu.dma_semaphore, #tpu.memory_space<semaphore_mem>>)
      %dma_wait3A = arith.constant 0 : i32
      %dma_wait3A_56 = tpu.memref_slice %arg5[%arg0, %add3A_50, %dma_wait3A] : memref<2x10240x128xf32, #tpu.memory_space<hbm>> -> memref<1x128x128xf32, #tpu.memory_space<hbm>>
      %dma_wait3A_57 = tpu.memref_squeeze %dma_wait3A_56 : memref<1x128x128xf32, #tpu.memory_space<hbm>> -> memref<128x128xf32, #tpu.memory_space<hbm>>
      %dma_wait3A_58 = arith.constant 0 : i32
      %dma_wait3A_59 = tpu.memref_slice %arg5[%arg0, %add3A_50, %dma_wait3A_58] : memref<2x10240x128xf32, #tpu.memory_space<hbm>> -> memref<1x128x128xf32, #tpu.memory_space<hbm>>
      %dma_wait3A_60 = tpu.memref_squeeze %dma_wait3A_59 : memref<1x128x128xf32, #tpu.memory_space<hbm>> -> memref<128x128xf32, #tpu.memory_space<hbm>>
      tpu.wait_dma2 semaphore(%run_scoped3A : memref<!tpu.dma_semaphore, #tpu.memory_space<semaphore_mem>>) src(%arg8 : memref<128x128xf32, #tpu.memory_space<vmem>>) dst(%dma_wait3A_60 : memref<128x128xf32, #tpu.memory_space<hbm>>)
      tpu.yield
    }) : () -> ()
    return
  }
}

module attributes {stable_mosaic.version = 14 : i64} {
  func.func @_prep_body(%arg0: memref<2x10240x128xf32, #tpu.memory_space<vmem>>, %arg1: memref<10000x128xf32, #tpu.memory_space<vmem>>, %arg2: memref<128x128xf32, #tpu.memory_space<vmem>>, %arg3: memref<10000x1xf32, #tpu.memory_space<vmem>>, %arg4: memref<10000x128xf32, #tpu.memory_space<vmem>>) attributes {dimension_semantics = [], scalar_prefetch = 0 : i64, scratch_operands = 0 : i64, tpu.core_type = #tpu.core_type<tc>} {
    %get3A = arith.constant 0 : index
    %get3A_0 = arith.constant 0 : index
    %get3A_1 = arith.constant 0 : index
    %get3A_2 = vector.load %arg0[%get3A, %get3A_0, %get3A_1] : memref<2x10240x128xf32, #tpu.memory_space<vmem>>, vector<1x10000x1xf32>
    %get3A_3 = vector.shape_cast %get3A_2 : vector<1x10000x1xf32> to vector<10000x1xf32>
    %get3A_4 = arith.constant 1 : index
    %get3A_5 = arith.constant 0 : index
    %get3A_6 = arith.constant 0 : index
    %get3A_7 = vector.load %arg0[%get3A_4, %get3A_5, %get3A_6] : memref<2x10240x128xf32, #tpu.memory_space<vmem>>, vector<1x10000x1xf32>
    %get3A_8 = vector.shape_cast %get3A_7 : vector<1x10000x1xf32> to vector<10000x1xf32>
    %add3A = arith.addf %get3A_3, %get3A_8 : vector<10000x1xf32>
    %add3A_9 = arith.constant 1.000000e+00 : f32
    %add3A_10 = vector.broadcast %add3A_9 : f32 to vector<10000x1xf32>
    %add3A_11 = arith.addf %add3A, %add3A_10 : vector<10000x1xf32>
    %rsqrt3A = math.rsqrt %add3A_11 : vector<10000x1xf32>
    %swap3A = arith.constant 0 : index
    %swap3A_12 = arith.constant 0 : index
    %swap3A_13 = vector.load %arg3[%swap3A, %swap3A_12] : memref<10000x1xf32, #tpu.memory_space<vmem>>, vector<10000x1xf32>
    tpu.vector_store %arg3[%swap3A, %swap3A_12], %rsqrt3A {strides = array<i32>} : memref<10000x1xf32, #tpu.memory_space<vmem>>, vector<10000x1xf32>,
    %get3A_14 = arith.constant 0 : index
    %get3A_15 = arith.constant 0 : index
    %get3A_16 = vector.load %arg1[%get3A_14, %get3A_15] : memref<10000x128xf32, #tpu.memory_space<vmem>>, vector<10000x128xf32>
    %get3A_17 = arith.constant 0 : index
    %get3A_18 = arith.constant 0 : index
    %get3A_19 = vector.load %arg2[%get3A_17, %get3A_18] : memref<128x128xf32, #tpu.memory_space<vmem>>, vector<128x128xf32>
    %dot_general3A = arith.constant dense<0.000000e+00> : vector<10000x128xf32>
    %dot_general3A_20 = tpu.matmul %get3A_16, %get3A_19, %dot_general3A {dimension_numbers = #tpu.dot_dimension_numbers<[1], [0], [0], [1], [0, 0, 1, 1], [], []>, transpose_lhs_hint = false} : vector<10000x128xf32>, vector<128x128xf32>, vector<10000x128xf32> -> vector<10000x128xf32>
    %mul3A = vector.broadcast %rsqrt3A : vector<10000x1xf32> to vector<10000x128xf32>
    %mul3A_21 = arith.mulf %mul3A, %dot_general3A_20 : vector<10000x128xf32>
    %swap3A_22 = arith.constant 0 : index
    %swap3A_23 = arith.constant 0 : index
    %swap3A_24 = vector.load %arg4[%swap3A_22, %swap3A_23] : memref<10000x128xf32, #tpu.memory_space<vmem>>, vector<10000x128xf32>
    tpu.vector_store %arg4[%swap3A_22, %swap3A_23], %mul3A_21 {strides = array<i32>} : memref<10000x128xf32, #tpu.memory_space<vmem>>, vector<10000x128xf32>,
    return
  }
}

module attributes {stable_mosaic.version = 14 : i64} {
  func.func @_mid_body(%arg0: memref<2x10240x128xf32, #tpu.memory_space<vmem>>, %arg1: memref<10000x128xf32, #tpu.memory_space<vmem>>, %arg2: memref<10000x1xf32, #tpu.memory_space<vmem>>, %arg3: memref<1x128xf32, #tpu.memory_space<vmem>>, %arg4: memref<128x128xf32, #tpu.memory_space<vmem>>, %arg5: memref<10000x128xf32, #tpu.memory_space<vmem>>) attributes {dimension_semantics = [], scalar_prefetch = 0 : i64, scratch_operands = 0 : i64, tpu.core_type = #tpu.core_type<tc>} {
    %get3A = arith.constant 0 : index
    %get3A_0 = arith.constant 0 : index
    %get3A_1 = arith.constant 0 : index
    %get3A_2 = vector.load %arg0[%get3A, %get3A_0, %get3A_1] : memref<2x10240x128xf32, #tpu.memory_space<vmem>>, vector<1x10000x128xf32>
    %get3A_3 = vector.shape_cast %get3A_2 : vector<1x10000x128xf32> to vector<10000x128xf32>
    %get3A_4 = arith.constant 1 : index
    %get3A_5 = arith.constant 0 : index
    %get3A_6 = arith.constant 0 : index
    %get3A_7 = vector.load %arg0[%get3A_4, %get3A_5, %get3A_6] : memref<2x10240x128xf32, #tpu.memory_space<vmem>>, vector<1x10000x128xf32>
    %get3A_8 = vector.shape_cast %get3A_7 : vector<1x10000x128xf32> to vector<10000x128xf32>
    %add3A = arith.addf %get3A_3, %get3A_8 : vector<10000x128xf32>
    %get3A_9 = arith.constant 0 : index
    %get3A_10 = arith.constant 0 : index
    %get3A_11 = vector.load %arg1[%get3A_9, %get3A_10] : memref<10000x128xf32, #tpu.memory_space<vmem>>, vector<10000x128xf32>
    %add3A_12 = arith.addf %add3A, %get3A_11 : vector<10000x128xf32>
    %get3A_13 = arith.constant 0 : index
    %get3A_14 = arith.constant 0 : index
    %get3A_15 = vector.load %arg2[%get3A_13, %get3A_14] : memref<10000x1xf32, #tpu.memory_space<vmem>>, vector<10000x1xf32>
    %mul3A = vector.broadcast %get3A_15 : vector<10000x1xf32> to vector<10000x128xf32>
    %mul3A_16 = arith.mulf %mul3A, %add3A_12 : vector<10000x128xf32>
    %get3A_17 = arith.constant 0 : index
    %get3A_18 = arith.constant 0 : index
    %get3A_19 = vector.load %arg3[%get3A_17, %get3A_18] : memref<1x128xf32, #tpu.memory_space<vmem>>, vector<1x128xf32>
    %add3A_20 = vector.broadcast %get3A_19 : vector<1x128xf32> to vector<10000x128xf32>
    %add3A_21 = arith.addf %mul3A_16, %add3A_20 : vector<10000x128xf32>
    %max3A = arith.constant 0.000000e+00 : f32
    %max3A_22 = vector.broadcast %max3A : f32 to vector<10000x128xf32>
    %max3A_23 = arith.maximumf %add3A_21, %max3A_22 : vector<10000x128xf32>
    %get3A_24 = arith.constant 0 : index
    %get3A_25 = arith.constant 0 : index
    %get3A_26 = vector.load %arg4[%get3A_24, %get3A_25] : memref<128x128xf32, #tpu.memory_space<vmem>>, vector<128x128xf32>
    %dot_general3A = arith.constant dense<0.000000e+00> : vector<10000x128xf32>
    %dot_general3A_27 = tpu.matmul %max3A_23, %get3A_26, %dot_general3A {dimension_numbers = #tpu.dot_dimension_numbers<[1], [0], [0], [1], [0, 0, 1, 1], [], []>, transpose_lhs_hint = false} : vector<10000x128xf32>, vector<128x128xf32>, vector<10000x128xf32> -> vector<10000x128xf32>
    %get3A_28 = arith.constant 0 : index
    %get3A_29 = arith.constant 0 : index
    %get3A_30 = vector.load %arg2[%get3A_28, %get3A_29] : memref<10000x1xf32, #tpu.memory_space<vmem>>, vector<10000x1xf32>
    %mul3A_31 = vector.broadcast %get3A_30 : vector<10000x1xf32> to vector<10000x128xf32>
    %mul3A_32 = arith.mulf %mul3A_31, %dot_general3A_27 : vector<10000x128xf32>
    %swap3A = arith.constant 0 : index
    %swap3A_33 = arith.constant 0 : index
    %swap3A_34 = vector.load %arg5[%swap3A, %swap3A_33] : memref<10000x128xf32, #tpu.memory_space<vmem>>, vector<10000x128xf32>
    tpu.vector_store %arg5[%swap3A, %swap3A_33], %mul3A_32 {strides = array<i32>} : memref<10000x128xf32, #tpu.memory_space<vmem>>, vector<10000x128xf32>,
    return
  }
}

module attributes {stable_mosaic.version = 14 : i64} {
  func.func @_head_body(%arg0: memref<2x10240x128xf32, #tpu.memory_space<vmem>>, %arg1: memref<10000x128xf32, #tpu.memory_space<vmem>>, %arg2: memref<10000x1xf32, #tpu.memory_space<vmem>>, %arg3: memref<1x128xf32, #tpu.memory_space<vmem>>, %arg4: memref<128x1xf32, #tpu.memory_space<vmem>>, %arg5: memref<1x1xf32, #tpu.memory_space<vmem>>, %arg6: memref<1x1xf32, #tpu.memory_space<vmem>>) attributes {dimension_semantics = [], scalar_prefetch = 0 : i64, scratch_operands = 0 : i64, tpu.core_type = #tpu.core_type<tc>} {
    %get3A = arith.constant 0 : index
    %get3A_0 = arith.constant 0 : index
    %get3A_1 = arith.constant 0 : index
    %get3A_2 = vector.load %arg0[%get3A, %get3A_0, %get3A_1] : memref<2x10240x128xf32, #tpu.memory_space<vmem>>, vector<1x10000x128xf32>
    %get3A_3 = vector.shape_cast %get3A_2 : vector<1x10000x128xf32> to vector<10000x128xf32>
    %get3A_4 = arith.constant 1 : index
    %get3A_5 = arith.constant 0 : index
    %get3A_6 = arith.constant 0 : index
    %get3A_7 = vector.load %arg0[%get3A_4, %get3A_5, %get3A_6] : memref<2x10240x128xf32, #tpu.memory_space<vmem>>, vector<1x10000x128xf32>
    %get3A_8 = vector.shape_cast %get3A_7 : vector<1x10000x128xf32> to vector<10000x128xf32>
    %add3A = arith.addf %get3A_3, %get3A_8 : vector<10000x128xf32>
    %get3A_9 = arith.constant 0 : index
    %get3A_10 = arith.constant 0 : index
    %get3A_11 = vector.load %arg1[%get3A_9, %get3A_10] : memref<10000x128xf32, #tpu.memory_space<vmem>>, vector<10000x128xf32>
    %add3A_12 = arith.addf %add3A, %get3A_11 : vector<10000x128xf32>
    %get3A_13 = arith.constant 0 : index
    %get3A_14 = arith.constant 0 : index
    %get3A_15 = vector.load %arg2[%get3A_13, %get3A_14] : memref<10000x1xf32, #tpu.memory_space<vmem>>, vector<10000x1xf32>
    %mul3A = vector.broadcast %get3A_15 : vector<10000x1xf32> to vector<10000x128xf32>
    %mul3A_16 = arith.mulf %mul3A, %add3A_12 : vector<10000x128xf32>
    %get3A_17 = arith.constant 0 : index
    %get3A_18 = arith.constant 0 : index
    %get3A_19 = vector.load %arg3[%get3A_17, %get3A_18] : memref<1x128xf32, #tpu.memory_space<vmem>>, vector<1x128xf32>
    %add3A_20 = vector.broadcast %get3A_19 : vector<1x128xf32> to vector<10000x128xf32>
    %add3A_21 = arith.addf %mul3A_16, %add3A_20 : vector<10000x128xf32>
    %max3A = arith.constant 0.000000e+00 : f32
    %max3A_22 = vector.broadcast %max3A : f32 to vector<10000x128xf32>
    %max3A_23 = arith.maximumf %add3A_21, %max3A_22 : vector<10000x128xf32>
    %reduce_sum3A = arith.constant dense<0.000000e+00> : vector<128xf32>
    %reduce_sum3A_24 = vector.multi_reduction <add>, %max3A_23, %reduce_sum3A [0] : vector<10000x128xf32> to vector<128xf32>
    %broadcast_in_dim3A = vector.shape_cast %reduce_sum3A_24 : vector<128xf32> to vector<1x128xf32>
    %div3A = arith.constant 1.000000e+04 : f32
    %div3A_25 = vector.broadcast %div3A : f32 to vector<1x128xf32>
    %div3A_26 = arith.divf %broadcast_in_dim3A, %div3A_25 : vector<1x128xf32>
    %get3A_27 = arith.constant 0 : index
    %get3A_28 = arith.constant 0 : index
    %get3A_29 = vector.load %arg4[%get3A_27, %get3A_28] : memref<128x1xf32, #tpu.memory_space<vmem>>, vector<128x1xf32>
    %dot_general3A = arith.constant dense<0.000000e+00> : vector<1x1xf32>
    %dot_general3A_30 = tpu.matmul %div3A_26, %get3A_29, %dot_general3A {dimension_numbers = #tpu.dot_dimension_numbers<[1], [0], [0], [1], [0, 0, 1, 1], [], []>, transpose_lhs_hint = false} : vector<1x128xf32>, vector<128x1xf32>, vector<1x1xf32> -> vector<1x1xf32>
    %get3A_31 = arith.constant 0 : index
    %get3A_32 = arith.constant 0 : index
    %get3A_33 = vector.load %arg5[%get3A_31, %get3A_32] : memref<1x1xf32, #tpu.memory_space<vmem>>, vector<1x1xf32>
    %add3A_34 = arith.addf %dot_general3A_30, %get3A_33 : vector<1x1xf32>
    %logistic3A = arith.negf %add3A_34 : vector<1x1xf32>
    %logistic3A_35 = math.exp %logistic3A : vector<1x1xf32>
    %logistic3A_36 = arith.constant 1.000000e+00 : f32
    %logistic3A_37 = vector.broadcast %logistic3A_36 : f32 to vector<1x1xf32>
    %logistic3A_38 = arith.addf %logistic3A_37, %logistic3A_35 : vector<1x1xf32>
    %logistic3A_39 = arith.divf %logistic3A_37, %logistic3A_38 : vector<1x1xf32>
    %swap3A = arith.constant 0 : index
    %swap3A_40 = arith.constant 0 : index
    %swap3A_41 = vector.load %arg6[%swap3A, %swap3A_40] : memref<1x1xf32, #tpu.memory_space<vmem>>, vector<1x1xf32>
    tpu.vector_store %arg6[%swap3A, %swap3A_40], %logistic3A_39 {strides = array<i32>} : memref<1x1xf32, #tpu.memory_space<vmem>>, vector<1x1xf32>,
    return
  }
}

</mosaic_0001>

<sc_bundles>
// kernel: kernel.11.cloned.1.call-start
scs
__scs_entry_jumppad:
0x0: {  	(pc) =	sbr.rel $0x88, $3  }
0x1: {  	(tag) =	ssettag $0x0;
	lr =	simm.s32 $0x1  }
0x2: {  	[smem:$0x3F99] =	sst lr;
	_ =	strace $0xD0000000  }
0x3: {  	_ = 	snop  }
0x4: {  	_ = 	snop  }
0x5: {  	_ = 	snop  }
0x6: {  	_ = 	snop  }
0x7: {  	_ = 	snop  }
__scs_overlays_trampoline_lowered:
0x8: {  	[smem:$0x3FA8] =	sst s0  }
0x9: {  	[smem:$0x3FA9] =	sst s1  }
0xa: {  	[smem:$0x3FAA] =	sst s2  }
0xb: {  	[smem:$0x3FAB] =	sst s3  }
0xc: {  	[smem:$0x3FAC] =	sst s4  }
0xd: {  	[smem:$0x3FAD] =	sst s5  }
0xe: {  	[smem:$0x3FAE] =	sst s6  }
0xf: {  	[smem:$0x3FAF] =	sst s7  }
0x10: {  	[smem:$0x3FB0] =	sst s8  }
0x11: {  	[smem:$0x3FB1] =	sst s9;
	s0 =	simm.s32 @!p0 $0x0  }
0x12: {  	s1 =	sld [smem:$0x3F97];
	s0 =	simm.s32 @p0 $0x1  }
0x13: {  	[smem:$0x3FB2] =	sst s0;
	s0 =	simm.s32 @!p1 $0x0  }
0x14: {  	s2 =	sld [smem:$0x3F96];
	s0 =	simm.s32 @p1 $0x1  }
0x15: {  	[smem:$0x3FB3] =	sst s0;
	s0 =	simm.s32 @!p2 $0x0  }
0x16: {  	s3 =	sld [smem:$0x3FDB];
	s0 =	simm.s32 @p2 $0x1  }
0x17: {  	s4 =	simm.s32 $0x1BF5;
	[smem:$0x3FB5] =	sst s0  }
0x18: {  	s0 =	sld [smem:$0x3F98];
	_ =	swait.ge [sflag:s4], $0x0  }
0x19: {  	s7 =	sld [smem:$0x3F99]  }
0x1a: {  	s8 =	sadd.s32 $0xFFFFE003, lr  }
0x1b: {  	s9 =	sadd.s32 $0xFFFFFEF7, lr;
	s5 =	simm.s32 $0xFFFFFFFF;
	p2 =	slt.u32 s8, $0xFFFFF086  }
0x1c: {  	p1 =	slt.u32 s9, $0xF7A;
	s5 =	simm.s32 @!p2 $0x0  }
0x1d: {  	s5 =	simm.s32 @p1 $0x1;
	p0 =	seq.s32 s7, s2  }
0x1e: {  	s7 =	smul.u32 @!p0 $0xF7A, s2;
	p2 =	seq.s32 @!p0 s5, $0x0  }
0x1f: {  	s9 =	smul.u32 $0xF7A, s1;
	s8 =	simm.s32 @!p0 $0x1BF5;
	p2 =	por !p2, p0  }
0x20: {  	[sflag:s8] =	ssyncset.s32 @!p0 $0xFFFFF086;
	s6 =	sadd.s32 @!p0 s3, s7;
	s7 =	simm.s32 @!p0 $0x108  }
0x21: {  	s3 =	sadd.s32 s3, s9;
	s6 =	sadd.s32 @!p0 $0x88, s6;
	s7 =	simm.s32 @p2 $0x1082  }
0x22: {  	[simem:s7], [sflag:s8] =	dma.local @!p0 [hbm:s6], $0xF7A  }
0x23: {  	s9 =	sor.u32 $0xD0000000, s2;
	s6 =	simm.s32 $0x108;
	_ =	swait.ge @!p0 [sflag:s8], $0x0  }
0x24: {  	s3 =	sadd.s32 $0x88, s3;
	s6 =	simm.s32 @!p1 $0x1082;
	[sflag:s4] =	ssyncset.s32 $0xFFFFF086  }
0x25: {  	[simem:s6], [sflag:s4] =	dma.local [hbm:s3], $0xF7A  }
0x26: {  	[smem:$0x3F99] =	sst s1;
	(tag) =	ssettag s2;
	_ =	strace s9  }
0x27: {  	s1 =	sld [smem:$0x3FA9]  }
0x28: {  	s2 =	sld [smem:$0x3FAA]  }
0x29: {  	s4 =	sld [smem:$0x3FAC]  }
0x2a: {  	p0 =	seq.s32 s5, $0x0;
	s5 =	sld [smem:$0x3FAD]  }
0x2b: {  	s6 =	sld [smem:$0x3FAE]  }
0x2c: {  	s7 =	sld [smem:$0x3FAF]  }
0x2d: {  	s3 =	simm.s32 $0x108;
	s8 =	sld [smem:$0x3FB0]  }
0x2e: {  	s3 =	simm.s32 @!p0 $0x1082;
	s9 =	sld [smem:$0x3FB1]  }
0x2f: {  	lr =	sadd.s32 s0, s3;
	s0 =	sld [smem:$0x3FA8]  }
0x30: {  	s3 =	sld [smem:$0x3FAB]  }
0x31: {  	[smem:$0x3FB4] =	sst s10  }
0x32: {  	s10 =	sld [smem:$0x3FB2];
	_ =	sdelay $0x3  }
0x33: {  	p0 =	seq.s32 s10, $0x1;
	s10 =	sld [smem:$0x3FB4];
	_ =	sdelay $0x3  }
0x34: {  	[smem:$0x3FB4] =	sst s10  }
0x35: {  	s10 =	sld [smem:$0x3FB3];
	_ =	sdelay $0x3  }
0x36: {  	p1 =	seq.s32 s10, $0x1;
	s10 =	sld [smem:$0x3FB4];
	_ =	sdelay $0x3  }
0x37: {  	[smem:$0x3FB4] =	sst s10  }
0x38: {  	s10 =	sld [smem:$0x3FB5]  }
0x39: {  	_ = 	snop;
	(pc) =	sbr.ind lr, $3  }
0x3a: {  	_ = 	snop  }
0x3b: {  	_ = 	snop  }
0x3c: {  	p2 =	seq.s32 s10, $0x1;
	s10 =	sld [smem:$0x3FB4]  }
0x3d: {  	_ =	shalt  }
0x3e: {  	_ =	shalt  }
0x3f: {  	_ =	shalt  }
0x40: {  	_ =	shalt  }
0x41: {  	_ =	shalt  }
0x42: {  	_ =	shalt  }
0x43: {  	_ =	shalt  }
0x44: {  	_ =	shalt  }
0x45: {  	_ =	shalt  }
0x46: {  	_ =	shalt  }
0x47: {  	_ =	shalt  }
0x48: {  	_ =	shalt  }
0x49: {  	_ =	shalt  }
0x4a: {  	_ =	shalt  }
0x4b: {  	_ =	shalt  }
0x4c: {  	_ =	shalt  }
0x4d: {  	_ =	shalt  }
0x4e: {  	_ =	shalt  }
0x4f: {  	_ =	shalt  }
0x50: {  	_ =	shalt  }
0x51: {  	_ =	shalt  }
0x52: {  	_ =	shalt  }
0x53: {  	_ =	shalt  }
0x54: {  	_ =	shalt  }
0x55: {  	_ =	shalt  }
0x56: {  	_ =	shalt  }
0x57: {  	_ =	shalt  }
0x58: {  	_ =	shalt  }
0x59: {  	_ =	shalt  }
0x5a: {  	_ =	shalt  }
0x5b: {  	_ =	shalt  }
0x5c: {  	_ =	shalt  }
0x5d: {  	_ =	shalt  }
0x5e: {  	_ =	shalt  }
0x5f: {  	_ =	shalt  }
0x60: {  	_ =	shalt  }
0x61: {  	_ =	shalt  }
0x62: {  	_ =	shalt  }
0x63: {  	_ =	shalt  }
0x64: {  	_ =	shalt  }
0x65: {  	_ =	shalt  }
0x66: {  	_ =	shalt  }
0x67: {  	_ =	shalt  }
0x68: {  	_ =	shalt  }
0x69: {  	_ =	shalt  }
0x6a: {  	_ =	shalt  }
0x6b: {  	_ =	shalt  }
0x6c: {  	_ =	shalt  }
0x6d: {  	_ =	shalt  }
0x6e: {  	_ =	shalt  }
0x6f: {  	_ =	shalt  }
0x70: {  	_ =	shalt  }
0x71: {  	_ =	shalt  }
0x72: {  	_ =	shalt  }
0x73: {  	_ =	shalt  }
0x74: {  	_ =	shalt  }
0x75: {  	_ =	shalt  }
0x76: {  	_ =	shalt  }
0x77: {  	_ =	shalt  }
0x78: {  	_ =	shalt  }
0x79: {  	_ =	shalt  }
0x7a: {  	_ =	shalt  }
0x7b: {  	_ =	shalt  }
0x7c: {  	_ =	shalt  }
0x7d: {  	_ =	shalt  }
0x7e: {  	_ =	shalt  }
0x7f: {  	_ =	shalt  }
0x80: {  	_ =	shalt  }
0x81: {  	_ =	shalt  }
0x82: {  	_ =	shalt  }
0x83: {  	_ =	shalt  }
0x84: {  	_ =	shalt  }
0x85: {  	_ =	shalt  }
0x86: {  	_ =	shalt  }
0x87: {  	_ =	shalt  }
.Lfunc_end0:
.L_simem_size_0:
called_computation.1_lowered:
.L_overlay_start_0:
0x88: {  	s2 =	sld [smem:$0x3FD9]  }
0x89: {  	s3 =	sld [smem:$0x3FFE];
	_ =	sdelay $0x1  }
0x8a: {  	s1 =	srdreg.scid  }
0x8b: {  	s0 =	sand.u32 $0x1, s1  }
0x8c: {  	s16 =	sshll.u32 s0, $0xA;
	s2 =	sadd.s32 s3, s2  }
0x8d: {  	s2 =	sadd.s32 s2, s16  }
0x8e: {  	[smem:$0x3FC0] =	sst s2  }
0x8f: {  	_ = 	snop  }
0x90: {  	(tm) =	ssettm $0x1  }
0x91: {  	s17 =	sld [smem:$0x3FFB];
	_ =	sdelay $0x3  }
0x92: {  	_ =	strace s17  }
0x93: {  	s2 =	sld [smem:$0x3FFC];
	_ =	sdelay $0x3  }
0x94: {  	_ =	strace s2  }
0x95: {  	s2 =	sld [smem:$0x3FFD];
	_ =	sdelay $0x3  }
0x96: {  	_ =	strace s2  }
0x97: {  	_ =	strace $0x8FFFFFFF  }
0x98: {  	s18 =	sld [smem:$0x3FDB];
	_ =	sdelay $0x1  }
0x99: {  	s19 =	simm.s32 $_scs_section_size  }
0x9a: {  	s4 =	simm.s32 $_size__tile_overlayer_lowered;
	s5 =	simm.s32 $_tile_overlayer_lowered  }
0x9b: {  	s22 =	simm.s32 $0x1BFF;
	s21 =	sshll.u32 s5, $0x1;
	s2 =	sadd.s32 s19, s18  }
0x9c: {  	s6 =	simm.s32 $0x0;
	s20 =	sshll.u32 s4, $0x1;
	s4 =	sadd.s32 s21, s2  }
0x9d: {  	[timem:s6], [sflag:s22] =	dma.local [hbm:s4], s20  }
0x9e: {  	_ =	swait.ge [sflag:s22], s20  }
0x9f: {  	s3 =	ssub.s32 $0x0, s20;
	[sflag:s22] =	ssyncset.done $0x0  }
0xa0: {  	[sflag:s22] =	ssyncadd.s32 s3;
	_ =	sdelay $0x1  }
0xa1: {  	s23 =	simm.s32 $0x1B8B  }
0xa2: {  	_ =	swait.ge [sflag:s23], $0x1  }
0xa3: {  	[sflag:s23] =	ssyncset.done $0x0  }
0xa4: {  	s25 =	simm.s32 $0x1B8E;
	s24 =	sld [smem:$0x3FFE];
	[sflag:s23] =	ssyncadd.s32 $0xFFFFFFFF  }
0xa5: {  	s26 =	simm.s32 $execute0_lowered;
	[smem:$0x3FD2] =	sst s25  }
0xa6: {  	s4 =	sshll.u32 s26, $0x1;
	_ =	strace $0x80000049;
	[dreg:$0x1] =	wrdreg $0xFFFFFFFF  }
0xa7: {  	s28 =	simm.s32 $_size_execute0_lowered;
	s2 =	sadd.s32 s2, s4;
	[dreg:$0x0] =	wrdreg $0x0  }
0xa8: {  	s4 =	sshll.u32 s28, $0x1;
	[dreg:$0x2] =	wrdreg s2  }
0xa9: {  	[dreg:$0x3] =	wrdreg s4  }
0xaa: {  	[dreg:$0x4] =	wrdreg $0xC0  }
0xab: {  	_ =	task [dreg:s6], $0x5FFFF  }
0xac: {  	[dreg:$0x1] =	wrdreg $0xFFFFFFFF  }
0xad: {  	[dreg:$0x0] =	wrdreg $0x60  }
0xae: {  	[dreg:$0x2] =	wrdreg s24  }
0xaf: {  	[dreg:$0x3] =	wrdreg $0x90000  }
0xb0: {  	[dreg:$0x4] =	wrdreg $0x9  }
0xb1: {  	_ =	task.clear_ibuf [dreg:s6], $0x5FFFF;
	_ =	strace $0x90000049  }
0xb2: {  	s29 =	simm.s32 $0x9;
	_ =	strace $0x8000004B  }
0xb3: {  	_ =	swait.ge [sflag:s29], $0x1  }
0xb4: {  	[sflag:s29] =	ssyncadd.s32 $0xFFFFFFFF  }
0xb5: {  	_ =	strace $0x9000004B  }
0xb6: {  	_ =	sfence  }
0xb7: {  	s30 =	sld [smem:$0x0];
	_ =	sdelay $0x2  }
0xb8: {  	s31 =	sshll.u32 s1, $0xD;
	s1 =	sshrl.u32 s1, $0x2  }
0xb9: {  	s3 =	sand.u32 $0x4000, s31;
	s1 =	sadd.s32 s1, s30  }
0xba: {  	s0 =	sor.u32 s3, s0;
	s1 =	sshll.u32 s1, $0x11  }
0xbb: {  	s0 =	sor.u32 s1, s0  }
0xbc: {  	s0 =	sadd.s32 $0x8F2B, s0  }
0xbd: {  	[sflag:s0] =	ssyncadd.remote.s32 $0x1  }
0xbe: {  	_ =	sfence.sel $0xFFFF  }
0xbf: {  	[dreg:$0x0] =	wrdreg $0xFFFFFFFF;
	(pc) =	sbr.abs _section_cstart, $3  }
0xc0: {  	[dreg:$0x1] =	wrdreg $0xFFFFFFFF  }
0xc1: {  	_ =	task.clear_ibuf [dreg:s6], $0x2FFFF;
	_ =	strace $0x9FFFFFFF  }
0xc2: {  	(tm) =	ssettm $0x7FFFFFFF  }
0xc3: {  	_ =	shalt  }
tec
execute0_lowered:
.L_overlay_start_1:
0x0: {  	(tag) =	ssettag $0x1  }
0x1: {  	s5 =	rddreg [dreg:$0x0];
	s1 =	srdreg.scid  }
0x2: {  	s0 =	stileid.u32;
	s2 =	rddreg [dreg:$0x1]  }
0x3: {  	s3 =	simm.s32 $0x0;
	s21 =	simm.s32 $0x80;
	s22 =	simm.s32 $0x1  }
0x4: {  	s23 =	simm.s32 $0x0;
	s7 =	sand.u32 $0x1, s1;
	s1 =	rddreg [dreg:$0x2]  }
0x5: {  	s4 =	sshll.u32 s0, $0x1;
	[smem:$0x7FF] =	sst s3;
	s8 =	smul.u32 $0x50000, s0  }
0x6: {  	s11 =	smul.u32 $0x14000, s0;
	s16 =	sadd.s32 $0x66800, s5;
	s4 =	sor.u32 s7, s4  }
0x7: {  	_ =	strace $0x8000004A;
	s9 =	ssub.s32 $0x2, s7;
	s19 =	smul.u32 $0x140000, s7  }
0x8: {  	s6 =	smul.u32 $0x500, s4;
	s4 =	sadd.s32 $0xC800, s5;
	s29 =	sshrl.u32 s9, $0x1  }
0x9: {  	s30 =	sshrl.u32 s8, $0x2;
	s13 =	sadd.s32 $0x4000, s11;
	s14 =	sadd.s32 $0x8000, s11  }
0xa: {  	s15 =	sadd.s32 $0xC000, s11;
	s18 =	sadd.s32 $0x10000, s11;
	s17 =	ssub.s32 s9, s29  }
0xb: {  	s7 =	sadd.s32 s14, s2;
	s8 =	sadd.s32 s15, s2;
	s9 =	sadd.s32 s18, s2  }
0xc: {  	s20 =	sadd.s32 s11, s19;
	s14 =	sadd.s32 s19, s14;
	s15 =	sadd.s32 s19, s15  }
0xd: {  	s18 =	sadd.s32 s19, s18;
	s12 =	sadd.s32 s6, s5;
	s5 =	sadd.s32 s30, s2  }
0xe: {  	s6 =	sadd.s32 s13, s2;
	s13 =	sadd.s32 s19, s13;
	s31 =	sshrl.u32 s20, $0x3  }
0xf: {  	s14 =	sshrl.u32 s14, $0x3;
	s15 =	sshrl.u32 s15, $0x3;
	s18 =	sshrl.u32 s18, $0x3  }
0x10: {  	s17 =	smax.u32 s17, $0x1;
	s19 =	simm.s32 $0x2;
	s20 =	simm.s32 $0x2800  }
0x11: {  	s10 =	sadd.s32 $0x5C800, s12;
	s11 =	sadd.s32 $0x2800, s12;
	s13 =	sshrl.u32 s13, $0x3  }
0x12: {  	s12 =	sadd.s32 s16, s31;
	s14 =	sadd.s32 s16, s14;
	s15 =	sadd.s32 s16, s15  }
0x13: {  	v0 =	vimm.f32 $0.0e+00;
	s13 =	sadd.s32 s16, s13;
	s16 =	sadd.s32 s16, s18;
	s18 =	simm.s32 $0x5000  }
.LBB2_1:
0x14: {  	s24 =	simm.s32 $0x0;
	s25 =	simm.s32 $0x200  }
.LBB2_2:
0x15: {  	p0 =	sne.s32 s25, $0xFE00;
	[tilespmem:s24+$0x5070] =	vst v0  }
0x16: {  	[tilespmem:s24+$0x5000] =	vst v0  }
0x17: {  	[tilespmem:s24+$0x5010] =	vst v0  }
.Ltmp0:
0x18: {  	[tilespmem:s24+$0x5020] =	vst v0;
	(pc) =	sbr.rel @p0 .LBB2_2-.Ltmp0, $4  }
0x19: {  	[tilespmem:s24+$0x5030] =	vst v0  }
0x1a: {  	[tilespmem:s24+$0x5040] =	vst v0  }
0x1b: {  	[tilespmem:s24+$0x5050] =	vst v0  }
0x1c: {  	[tilespmem:s24+$0x5060] =	vst v0;
	s24 =	sshra.s32 s25, $0x2;
	s25 =	sadd.s32 $0x200, s25  }
0x1d: {  	[tilespmem:s24+$0x5070] =	vst v0  }
0x1e: {  	[tilespmem:s24+$0x5000] =	vst v0  }
0x1f: {  	[tilespmem:s24+$0x5010] =	vst v0  }
0x20: {  	[tilespmem:s24+$0x5020] =	vst v0  }
0x21: {  	[tilespmem:s24+$0x5030] =	vst v0  }
0x22: {  	[tilespmem:s24+$0x5040] =	vst v0  }
0x23: {  	[tilespmem:s24+$0x5050] =	vst v0  }
0x24: {  	[tilespmem:s24+$0x5060] =	vst v0  }
0x25: {  	[spmem:s5] =	stream.linear.scatter [tilespmem:s18], [sflag:$0x2], $0x4000, $0x38;
	[tilespmem:$0x1D000] =	vst v63  }
0x26: {  	_ =	swait.ge [sflag:s19], $0x4000  }
0x27: {  	[sflag:s19] =	ssyncset.done $0x0  }
0x28: {  	[sflag:s19] =	ssyncadd.s32 $0xFFFFC000  }
0x29: {  	[spmem:s6] =	stream.linear.scatter [tilespmem:s18], [sflag:$0x2], $0x4000, $0x38;
	[tilespmem:$0x1D000] =	vst v63  }
0x2a: {  	_ =	swait.ge [sflag:s19], $0x4000  }
0x2b: {  	[sflag:s19] =	ssyncset.done $0x0  }
0x2c: {  	[sflag:s19] =	ssyncadd.s32 $0xFFFFC000  }
0x2d: {  	[spmem:s7] =	stream.linear.scatter [tilespmem:s18], [sflag:$0x2], $0x4000, $0x38;
	[tilespmem:$0x1D000] =	vst v63  }
0x2e: {  	_ =	swait.ge [sflag:s19], $0x4000  }
0x2f: {  	[sflag:s19] =	ssyncset.done $0x0  }
0x30: {  	[sflag:s19] =	ssyncadd.s32 $0xFFFFC000  }
0x31: {  	[spmem:s8] =	stream.linear.scatter [tilespmem:s18], [sflag:$0x2], $0x4000, $0x38;
	[tilespmem:$0x1D000] =	vst v63  }
0x32: {  	_ =	swait.ge [sflag:s19], $0x4000  }
0x33: {  	[sflag:s19] =	ssyncset.done $0x0  }
0x34: {  	[sflag:s19] =	ssyncadd.s32 $0xFFFFC000  }
0x35: {  	[spmem:s9] =	stream.linear.scatter [tilespmem:s18], [sflag:$0x2], $0x4000, $0x38;
	[tilespmem:$0x1D000] =	vst v63  }
0x36: {  	_ =	swait.ge [sflag:s19], $0x4000  }
0x37: {  	[sflag:s19] =	ssyncset.done $0x0  }
0x38: {  	[sflag:s19] =	ssyncadd.s32 $0xFFFFC000  }
0x39: {  	s29 =	simm.s32 $0x0;
	[bflag:$0x0] =	sbarrier.arrive $0xFFFF  }
0x3a: {  	[tilespmem:s29], [sflag:$0x2] =	stream.linear.gather [hbm4b:s10+s29], $0x2780, $0x38;
	[tilespmem:$0x1D000] =	vst v63  }
0x3b: {  	_ =	swait.ge [sflag:s19], $0x2780  }
0x3c: {  	[sflag:s19] =	ssyncset.done $0x0  }
0x3d: {  	[sflag:s19] =	ssyncadd.s32 $0xFFFFD880  }
0x3e: {  	[tilespmem:s20], [sflag:$0x2] =	stream.linear.gather [hbm4b:s11+s29], $0x2780, $0x38;
	[tilespmem:$0x1D000] =	vst v63  }
0x3f: {  	_ =	swait.ge [sflag:s19], $0x2780  }
0x40: {  	[sflag:s19] =	ssyncset.done $0x0  }
0x41: {  	s30 =	simm.s32 $0x0;
	[sflag:s19] =	ssyncadd.s32 $0xFFFFD880  }
0x42: {  	[tilespmem:s18], [sflag:$0x1] =	stream.indirect.gather [hbm4b:s4+s21], $0x80, s30, s21, $0xb8;
	[tilespmem:$0x1D000] =	vst v63  }
0x43: {  	_ =	swait.ge [sflag:s22], $0x4000  }
0x44: {  	[sflag:s22] =	ssyncset.done $0x0  }
0x45: {  	s31 =	simm.s32 $0x2800;
	[sflag:s22] =	ssyncadd.s32 $0xFFFFC000  }
0x46: {  	[spmem:s2] =	stream.indirect.scatter.add.f32 [tilespmem:s18], [sflag:$0x2], $0x80, s31, s21, $0xb8;
	[tilespmem:$0x1D000] =	vst v63  }
0x47: {  	_ =	swait.ge [sflag:s19], $0x4000  }
0x48: {  	s24 =	simm.s32 $0x200;
	s25 =	simm.s32 $0x400;
	[sflag:s19] =	ssyncset.done $0x0  }
.LBB2_4:
0x49: {  	s26 =	sshra.s32 s24, $0x2  }
0x4a: {  	[sflag:s19] =	ssyncadd.s32 $0xFFFFC000;
	s24 =	smov.u32 s25;
	s28 =	sadd.s32 $0x200, s25  }
0x4b: {  	[tilespmem:s18], [sflag:$0x1] =	stream.indirect.gather [hbm4b:s4+s21], $0x80, s26, s21, $0xb8;
	[tilespmem:$0x1D000] =	vst v63  }
0x4c: {  	p0 =	sne.s32 s25, $0x9C00;
	_ =	swait.ge [sflag:s22], $0x4000  }
.Ltmp1:
0x4d: {  	[sflag:s22] =	ssyncset.done $0x0;
	(pc) =	sbr.rel @p0 .LBB2_4-.Ltmp1, $4  }
0x4e: {  	s25 =	sadd.s32 $0x2800, s26;
	[sflag:s22] =	ssyncadd.s32 $0xFFFFC000  }
0x4f: {  	[spmem:s2] =	stream.indirect.scatter.add.f32 [tilespmem:s18], [sflag:$0x2], $0x80, s25, s21, $0xb8;
	[tilespmem:$0x1D000] =	vst v63  }
0x50: {  	_ =	swait.ge [sflag:s19], $0x4000  }
0x51: {  	s25 =	smov.u32 s28;
	[sflag:s19] =	ssyncset.done $0x0  }
0x52: {  	s24 =	sshra.s32 s24, $0x2;
	[sflag:s19] =	ssyncadd.s32 $0xFFFFC000  }
0x53: {  	[tilespmem:s18], [sflag:$0x1] =	stream.indirect.gather [hbm4b:s4+s21], $0x80, s24, s21, $0xb8;
	[tilespmem:$0x1D000] =	vst v63  }
0x54: {  	_ =	swait.ge [sflag:s22], $0x4000  }
0x55: {  	[sflag:s22] =	ssyncset.done $0x0  }
0x56: {  	s24 =	sadd.s32 $0x2800, s24;
	[sflag:s22] =	ssyncadd.s32 $0xFFFFC000  }
0x57: {  	[spmem:s2] =	stream.indirect.scatter.add.f32 [tilespmem:s18], [sflag:$0x2], $0x80, s24, s21, $0xb8;
	[tilespmem:$0x1D000] =	vst v63  }
0x58: {  	_ =	swait.ge [sflag:s19], $0x4000  }
0x59: {  	[sflag:s19] =	ssyncset.done $0x0  }
0x5a: {  	[sflag:s19] =	ssyncadd.s32 $0xFFFFC000  }
0x5b: {  	[bflag:$0x0] =	sbarrier.arrive $0xFFFF  }
0x5c: {  	[tilespmem:s18], [sflag:$0x2] =	stream.linear.gather [spmem:s5], $0x4000, $0x38;
	[tilespmem:$0x1D000] =	vst v63  }
0x5d: {  	_ =	swait.ge [sflag:s19], $0x4000  }
0x5e: {  	[sflag:s19] =	ssyncset.done $0x0  }
0x5f: {  	[sflag:s19] =	ssyncadd.s32 $0xFFFFC000  }
0x60: {  	[hbm4b:s12+s3] =	stream.linear.scatter [tilespmem:s18], [sflag:$0x2], $0x4000, $0x38;
	[tilespmem:$0x1D000] =	vst v63  }
0x61: {  	_ =	swait.ge [sflag:s19], $0x4000  }
0x62: {  	[sflag:s19] =	ssyncset.done $0x0  }
0x63: {  	[sflag:s19] =	ssyncadd.s32 $0xFFFFC000  }
0x64: {  	[tilespmem:s18], [sflag:$0x2] =	stream.linear.gather [spmem:s6], $0x4000, $0x38;
	[tilespmem:$0x1D000] =	vst v63  }
0x65: {  	_ =	swait.ge [sflag:s19], $0x4000  }
0x66: {  	[sflag:s19] =	ssyncset.done $0x0  }
0x67: {  	[sflag:s19] =	ssyncadd.s32 $0xFFFFC000  }
0x68: {  	[hbm4b:s13+s3] =	stream.linear.scatter [tilespmem:s18], [sflag:$0x2], $0x4000, $0x38;
	[tilespmem:$0x1D000] =	vst v63  }
0x69: {  	_ =	swait.ge [sflag:s19], $0x4000  }
0x6a: {  	[sflag:s19] =	ssyncset.done $0x0  }
0x6b: {  	[sflag:s19] =	ssyncadd.s32 $0xFFFFC000  }
0x6c: {  	[tilespmem:s18], [sflag:$0x2] =	stream.linear.gather [spmem:s7], $0x4000, $0x38;
	[tilespmem:$0x1D000] =	vst v63  }
0x6d: {  	_ =	swait.ge [sflag:s19], $0x4000  }
0x6e: {  	[sflag:s19] =	ssyncset.done $0x0  }
0x6f: {  	[sflag:s19] =	ssyncadd.s32 $0xFFFFC000  }
0x70: {  	[hbm4b:s14+s3] =	stream.linear.scatter [tilespmem:s18], [sflag:$0x2], $0x4000, $0x38;
	[tilespmem:$0x1D000] =	vst v63  }
0x71: {  	_ =	swait.ge [sflag:s19], $0x4000  }
0x72: {  	[sflag:s19] =	ssyncset.done $0x0  }
0x73: {  	[sflag:s19] =	ssyncadd.s32 $0xFFFFC000  }
0x74: {  	[tilespmem:s18], [sflag:$0x2] =	stream.linear.gather [spmem:s8], $0x4000, $0x38;
	[tilespmem:$0x1D000] =	vst v63  }
0x75: {  	_ =	swait.ge [sflag:s19], $0x4000  }
0x76: {  	[sflag:s19] =	ssyncset.done $0x0  }
0x77: {  	[sflag:s19] =	ssyncadd.s32 $0xFFFFC000  }
0x78: {  	[hbm4b:s15+s3] =	stream.linear.scatter [tilespmem:s18], [sflag:$0x2], $0x4000, $0x38;
	[tilespmem:$0x1D000] =	vst v63  }
0x79: {  	_ =	swait.ge [sflag:s19], $0x4000  }
0x7a: {  	[sflag:s19] =	ssyncset.done $0x0  }
0x7b: {  	[sflag:s19] =	ssyncadd.s32 $0xFFFFC000  }
0x7c: {  	[tilespmem:s18], [sflag:$0x2] =	stream.linear.gather [spmem:s9], $0x4000, $0x38;
	[tilespmem:$0x1D000] =	vst v63  }
0x7d: {  	s23 =	sadd.s32 $0x1, s23;
	_ =	swait.ge [sflag:s19], $0x4000  }
0x7e: {  	p0 =	sne.s32 s23, s17;
	[sflag:s19] =	ssyncset.done $0x0  }
.Ltmp2:
0x7f: {  	[sflag:s19] =	ssyncadd.s32 $0xFFFFC000;
	(pc) =	sbr.rel @p0 .LBB2_1-.Ltmp2, $4  }
0x80: {  	[hbm4b:s16+s3] =	stream.linear.scatter [tilespmem:s18], [sflag:$0x2], $0x4000, $0x38;
	[tilespmem:$0x1D000] =	vst v63  }
0x81: {  	_ =	swait.ge [sflag:s19], $0x4000  }
0x82: {  	[sflag:s19] =	ssyncset.done $0x0  }
0x83: {  	[sflag:s19] =	ssyncadd.s32 $0xFFFFC000  }
0x84: {  	_ =	sfence.sel $0x180000  }
0x85: {  	[bflag:$0x0] =	sbarrier.arrive $0xFFFF  }
0x86: {  	p0 =	sne.s32 s0, $0x0;
	_ =	strace $0x9000004A  }
0x87: {  	s0 =	sadd.s32 @!p0 $0x100000, s1;
	[bflag:$0x2] =	sbarrier.arrive $0xFFFF  }
0x88: {  	[sflag:s0] =	ssyncadd.tile.s32 @!p0 $0x1;
	_ =	shalt  }
.Lfunc_end2:
_tile_overlayer_lowered:
.L_overlay_start_2:
0x89: {  	(tag) =	ssettag $0x2  }
0x8a: {  	s0 =	rddreg [dreg:$0x0];
	s2 =	stileid.u32  }
0x8b: {  	s1 =	rddreg [dreg:$0x1];
	p0 =	sne.s32 s2, $0x0  }
0x8c: {  	s3 =	rddreg [dreg:$0x2];
	[bflag:$0x3] =	sbarrier.arrive $0xFFFF;
	s2 =	simm.s32 @!p0 $0x1C02  }
0x8d: {  	[timem:s3], [sflag:s2] =	dma.local @!p0 [hbm:s0], s1  }
0x8e: {  	s0 =	simm.s32 @!p0 $0x2  }
0x8f: {  	_ =	swait.ge @!p0 [sflag:s0], s1  }
0x90: {  	s1 =	ssub.s32 @!p0 $0x0, s1;
	[sflag:s0] =	ssyncset.done @!p0 $0x0  }
0x91: {  	[sflag:s0] =	ssyncadd.s32 @!p0 s1  }
0x92: {  	[bflag:$0x3] =	sbarrier.arrive $0xFFFF  }
0x93: {  	_ =	shalt  }

// kernel: kernel.14.cloned.1.call-start
scs
__scs_entry_jumppad:
0x0: {  	(pc) =	sbr.rel $0x88, $3  }
0x1: {  	(tag) =	ssettag $0x0;
	lr =	simm.s32 $0x1  }
0x2: {  	[smem:$0x3F99] =	sst lr;
	_ =	strace $0xD0000000  }
0x3: {  	_ = 	snop  }
0x4: {  	_ = 	snop  }
0x5: {  	_ = 	snop  }
0x6: {  	_ = 	snop  }
0x7: {  	_ = 	snop  }
__scs_overlays_trampoline_lowered:
0x8: {  	[smem:$0x3FA8] =	sst s0  }
0x9: {  	[smem:$0x3FA9] =	sst s1  }
0xa: {  	[smem:$0x3FAA] =	sst s2  }
0xb: {  	[smem:$0x3FAB] =	sst s3  }
0xc: {  	[smem:$0x3FAC] =	sst s4  }
0xd: {  	[smem:$0x3FAD] =	sst s5  }
0xe: {  	[smem:$0x3FAE] =	sst s6  }
0xf: {  	[smem:$0x3FAF] =	sst s7  }
0x10: {  	[smem:$0x3FB0] =	sst s8  }
0x11: {  	[smem:$0x3FB1] =	sst s9;
	s0 =	simm.s32 @!p0 $0x0  }
0x12: {  	s1 =	sld [smem:$0x3F97];
	s0 =	simm.s32 @p0 $0x1  }
0x13: {  	[smem:$0x3FB2] =	sst s0;
	s0 =	simm.s32 @!p1 $0x0  }
0x14: {  	s2 =	sld [smem:$0x3F96];
	s0 =	simm.s32 @p1 $0x1  }
0x15: {  	[smem:$0x3FB3] =	sst s0;
	s0 =	simm.s32 @!p2 $0x0  }
0x16: {  	s3 =	sld [smem:$0x3FDB];
	s0 =	simm.s32 @p2 $0x1  }
0x17: {  	s4 =	simm.s32 $0x1BF5;
	[smem:$0x3FB5] =	sst s0  }
0x18: {  	s0 =	sld [smem:$0x3F98];
	_ =	swait.ge [sflag:s4], $0x0  }
0x19: {  	s7 =	sld [smem:$0x3F99]  }
0x1a: {  	s8 =	sadd.s32 $0xFFFFE003, lr  }
0x1b: {  	s9 =	sadd.s32 $0xFFFFFEF7, lr;
	s5 =	simm.s32 $0xFFFFFFFF;
	p2 =	slt.u32 s8, $0xFFFFF086  }
0x1c: {  	p1 =	slt.u32 s9, $0xF7A;
	s5 =	simm.s32 @!p2 $0x0  }
0x1d: {  	s5 =	simm.s32 @p1 $0x1;
	p0 =	seq.s32 s7, s2  }
0x1e: {  	s7 =	smul.u32 @!p0 $0xF7A, s2;
	p2 =	seq.s32 @!p0 s5, $0x0  }
0x1f: {  	s9 =	smul.u32 $0xF7A, s1;
	s8 =	simm.s32 @!p0 $0x1BF5;
	p2 =	por !p2, p0  }
0x20: {  	[sflag:s8] =	ssyncset.s32 @!p0 $0xFFFFF086;
	s6 =	sadd.s32 @!p0 s3, s7;
	s7 =	simm.s32 @!p0 $0x108  }
0x21: {  	s3 =	sadd.s32 s3, s9;
	s6 =	sadd.s32 @!p0 $0x88, s6;
	s7 =	simm.s32 @p2 $0x1082  }
0x22: {  	[simem:s7], [sflag:s8] =	dma.local @!p0 [hbm:s6], $0xF7A  }
0x23: {  	s9 =	sor.u32 $0xD0000000, s2;
	s6 =	simm.s32 $0x108;
	_ =	swait.ge @!p0 [sflag:s8], $0x0  }
0x24: {  	s3 =	sadd.s32 $0x88, s3;
	s6 =	simm.s32 @!p1 $0x1082;
	[sflag:s4] =	ssyncset.s32 $0xFFFFF086  }
0x25: {  	[simem:s6], [sflag:s4] =	dma.local [hbm:s3], $0xF7A  }
0x26: {  	[smem:$0x3F99] =	sst s1;
	(tag) =	ssettag s2;
	_ =	strace s9  }
0x27: {  	s1 =	sld [smem:$0x3FA9]  }
0x28: {  	s2 =	sld [smem:$0x3FAA]  }
0x29: {  	s4 =	sld [smem:$0x3FAC]  }
0x2a: {  	p0 =	seq.s32 s5, $0x0;
	s5 =	sld [smem:$0x3FAD]  }
0x2b: {  	s6 =	sld [smem:$0x3FAE]  }
0x2c: {  	s7 =	sld [smem:$0x3FAF]  }
0x2d: {  	s3 =	simm.s32 $0x108;
	s8 =	sld [smem:$0x3FB0]  }
0x2e: {  	s3 =	simm.s32 @!p0 $0x1082;
	s9 =	sld [smem:$0x3FB1]  }
0x2f: {  	lr =	sadd.s32 s0, s3;
	s0 =	sld [smem:$0x3FA8]  }
0x30: {  	s3 =	sld [smem:$0x3FAB]  }
0x31: {  	[smem:$0x3FB4] =	sst s10  }
0x32: {  	s10 =	sld [smem:$0x3FB2];
	_ =	sdelay $0x3  }
0x33: {  	p0 =	seq.s32 s10, $0x1;
	s10 =	sld [smem:$0x3FB4];
	_ =	sdelay $0x3  }
0x34: {  	[smem:$0x3FB4] =	sst s10  }
0x35: {  	s10 =	sld [smem:$0x3FB3];
	_ =	sdelay $0x3  }
0x36: {  	p1 =	seq.s32 s10, $0x1;
	s10 =	sld [smem:$0x3FB4];
	_ =	sdelay $0x3  }
0x37: {  	[smem:$0x3FB4] =	sst s10  }
0x38: {  	s10 =	sld [smem:$0x3FB5]  }
0x39: {  	_ = 	snop;
	(pc) =	sbr.ind lr, $3  }
0x3a: {  	_ = 	snop  }
0x3b: {  	_ = 	snop  }
0x3c: {  	p2 =	seq.s32 s10, $0x1;
	s10 =	sld [smem:$0x3FB4]  }
0x3d: {  	_ =	shalt  }
0x3e: {  	_ =	shalt  }
0x3f: {  	_ =	shalt  }
0x40: {  	_ =	shalt  }
0x41: {  	_ =	shalt  }
0x42: {  	_ =	shalt  }
0x43: {  	_ =	shalt  }
0x44: {  	_ =	shalt  }
0x45: {  	_ =	shalt  }
0x46: {  	_ =	shalt  }
0x47: {  	_ =	shalt  }
0x48: {  	_ =	shalt  }
0x49: {  	_ =	shalt  }
0x4a: {  	_ =	shalt  }
0x4b: {  	_ =	shalt  }
0x4c: {  	_ =	shalt  }
0x4d: {  	_ =	shalt  }
0x4e: {  	_ =	shalt  }
0x4f: {  	_ =	shalt  }
0x50: {  	_ =	shalt  }
0x51: {  	_ =	shalt  }
0x52: {  	_ =	shalt  }
0x53: {  	_ =	shalt  }
0x54: {  	_ =	shalt  }
0x55: {  	_ =	shalt  }
0x56: {  	_ =	shalt  }
0x57: {  	_ =	shalt  }
0x58: {  	_ =	shalt  }
0x59: {  	_ =	shalt  }
0x5a: {  	_ =	shalt  }
0x5b: {  	_ =	shalt  }
0x5c: {  	_ =	shalt  }
0x5d: {  	_ =	shalt  }
0x5e: {  	_ =	shalt  }
0x5f: {  	_ =	shalt  }
0x60: {  	_ =	shalt  }
0x61: {  	_ =	shalt  }
0x62: {  	_ =	shalt  }
0x63: {  	_ =	shalt  }
0x64: {  	_ =	shalt  }
0x65: {  	_ =	shalt  }
0x66: {  	_ =	shalt  }
0x67: {  	_ =	shalt  }
0x68: {  	_ =	shalt  }
0x69: {  	_ =	shalt  }
0x6a: {  	_ =	shalt  }
0x6b: {  	_ =	shalt  }
0x6c: {  	_ =	shalt  }
0x6d: {  	_ =	shalt  }
0x6e: {  	_ =	shalt  }
0x6f: {  	_ =	shalt  }
0x70: {  	_ =	shalt  }
0x71: {  	_ =	shalt  }
0x72: {  	_ =	shalt  }
0x73: {  	_ =	shalt  }
0x74: {  	_ =	shalt  }
0x75: {  	_ =	shalt  }
0x76: {  	_ =	shalt  }
0x77: {  	_ =	shalt  }
0x78: {  	_ =	shalt  }
0x79: {  	_ =	shalt  }
0x7a: {  	_ =	shalt  }
0x7b: {  	_ =	shalt  }
0x7c: {  	_ =	shalt  }
0x7d: {  	_ =	shalt  }
0x7e: {  	_ =	shalt  }
0x7f: {  	_ =	shalt  }
0x80: {  	_ =	shalt  }
0x81: {  	_ =	shalt  }
0x82: {  	_ =	shalt  }
0x83: {  	_ =	shalt  }
0x84: {  	_ =	shalt  }
0x85: {  	_ =	shalt  }
0x86: {  	_ =	shalt  }
0x87: {  	_ =	shalt  }
.Lfunc_end0:
.L_simem_size_0:
called_computation.2_lowered:
.L_overlay_start_0:
0x88: {  	s2 =	sld [smem:$0x3FD9]  }
0x89: {  	s3 =	sld [smem:$0x3FFE];
	_ =	sdelay $0x1  }
0x8a: {  	s1 =	srdreg.scid  }
0x8b: {  	s0 =	sand.u32 $0x1, s1  }
0x8c: {  	s16 =	sshll.u32 s0, $0xA;
	s2 =	sadd.s32 s3, s2  }
0x8d: {  	s2 =	sadd.s32 s2, s16  }
0x8e: {  	[smem:$0x3FC0] =	sst s2  }
0x8f: {  	_ = 	snop  }
0x90: {  	(tm) =	ssettm $0x1  }
0x91: {  	s17 =	sld [smem:$0x3FFB];
	_ =	sdelay $0x3  }
0x92: {  	_ =	strace s17  }
0x93: {  	s2 =	sld [smem:$0x3FFC];
	_ =	sdelay $0x3  }
0x94: {  	_ =	strace s2  }
0x95: {  	s2 =	sld [smem:$0x3FFD];
	_ =	sdelay $0x3  }
0x96: {  	_ =	strace s2  }
0x97: {  	_ =	strace $0x8FFFFFFF  }
0x98: {  	s18 =	sld [smem:$0x3FDB];
	_ =	sdelay $0x1  }
0x99: {  	s19 =	simm.s32 $_scs_section_size  }
0x9a: {  	s4 =	simm.s32 $_size__tile_overlayer_lowered;
	s5 =	simm.s32 $_tile_overlayer_lowered  }
0x9b: {  	s22 =	simm.s32 $0x1BFF;
	s21 =	sshll.u32 s5, $0x1;
	s2 =	sadd.s32 s19, s18  }
0x9c: {  	s6 =	simm.s32 $0x0;
	s20 =	sshll.u32 s4, $0x1;
	s4 =	sadd.s32 s21, s2  }
0x9d: {  	[timem:s6], [sflag:s22] =	dma.local [hbm:s4], s20  }
0x9e: {  	_ =	swait.ge [sflag:s22], s20  }
0x9f: {  	s3 =	ssub.s32 $0x0, s20;
	[sflag:s22] =	ssyncset.done $0x0  }
0xa0: {  	[sflag:s22] =	ssyncadd.s32 s3;
	_ =	sdelay $0x1  }
0xa1: {  	s23 =	simm.s32 $0x1B8B  }
0xa2: {  	_ =	swait.ge [sflag:s23], $0x1  }
0xa3: {  	[sflag:s23] =	ssyncset.done $0x0  }
0xa4: {  	s25 =	simm.s32 $0x1B8E;
	s24 =	sld [smem:$0x3FFE];
	[sflag:s23] =	ssyncadd.s32 $0xFFFFFFFF  }
0xa5: {  	s26 =	simm.s32 $execute0_lowered;
	[smem:$0x3FD2] =	sst s25  }
0xa6: {  	s4 =	sshll.u32 s26, $0x1;
	_ =	strace $0x8000004C;
	[dreg:$0x1] =	wrdreg $0xFFFFFFFF  }
0xa7: {  	s28 =	simm.s32 $_size_execute0_lowered;
	s2 =	sadd.s32 s2, s4;
	[dreg:$0x0] =	wrdreg $0x0  }
0xa8: {  	s4 =	sshll.u32 s28, $0x1;
	[dreg:$0x2] =	wrdreg s2  }
0xa9: {  	[dreg:$0x3] =	wrdreg s4  }
0xaa: {  	[dreg:$0x4] =	wrdreg $0xC0  }
0xab: {  	_ =	task [dreg:s6], $0x5FFFF  }
0xac: {  	[dreg:$0x1] =	wrdreg $0xFFFFFFFF  }
0xad: {  	[dreg:$0x0] =	wrdreg $0x60  }
0xae: {  	[dreg:$0x2] =	wrdreg s24  }
0xaf: {  	[dreg:$0x3] =	wrdreg $0x90000  }
0xb0: {  	[dreg:$0x4] =	wrdreg $0x9  }
0xb1: {  	_ =	task.clear_ibuf [dreg:s6], $0x5FFFF;
	_ =	strace $0x9000004C  }
0xb2: {  	s29 =	simm.s32 $0x9;
	_ =	strace $0x8000004E  }
0xb3: {  	_ =	swait.ge [sflag:s29], $0x1  }
0xb4: {  	[sflag:s29] =	ssyncadd.s32 $0xFFFFFFFF  }
0xb5: {  	_ =	strace $0x9000004E  }
0xb6: {  	_ =	sfence  }
0xb7: {  	s30 =	sld [smem:$0x0];
	_ =	sdelay $0x2  }
0xb8: {  	s31 =	sshll.u32 s1, $0xD;
	s1 =	sshrl.u32 s1, $0x2  }
0xb9: {  	s3 =	sand.u32 $0x4000, s31;
	s1 =	sadd.s32 s1, s30  }
0xba: {  	s0 =	sor.u32 s3, s0;
	s1 =	sshll.u32 s1, $0x11  }
0xbb: {  	s0 =	sor.u32 s1, s0  }
0xbc: {  	s0 =	sadd.s32 $0x8F2B, s0  }
0xbd: {  	[sflag:s0] =	ssyncadd.remote.s32 $0x1  }
0xbe: {  	_ =	sfence.sel $0xFFFF  }
0xbf: {  	[dreg:$0x0] =	wrdreg $0xFFFFFFFF;
	(pc) =	sbr.abs _section_cstart, $3  }
0xc0: {  	[dreg:$0x1] =	wrdreg $0xFFFFFFFF  }
0xc1: {  	_ =	task.clear_ibuf [dreg:s6], $0x2FFFF;
	_ =	strace $0x9FFFFFFF  }
0xc2: {  	(tm) =	ssettm $0x7FFFFFFF  }
0xc3: {  	_ =	shalt  }
tec
execute0_lowered:
.L_overlay_start_1:
0x0: {  	(tag) =	ssettag $0x1  }
0x1: {  	s5 =	rddreg [dreg:$0x0];
	s1 =	srdreg.scid  }
0x2: {  	s0 =	stileid.u32;
	s2 =	rddreg [dreg:$0x1]  }
0x3: {  	s3 =	simm.s32 $0x0;
	s21 =	simm.s32 $0x80;
	s22 =	simm.s32 $0x1  }
0x4: {  	s23 =	simm.s32 $0x0;
	s7 =	sand.u32 $0x1, s1;
	s1 =	rddreg [dreg:$0x2]  }
0x5: {  	s4 =	sshll.u32 s0, $0x1;
	[smem:$0x7FF] =	sst s3;
	s8 =	smul.u32 $0x50000, s0  }
0x6: {  	s11 =	smul.u32 $0x14000, s0;
	s16 =	sadd.s32 $0x66800, s5;
	s4 =	sor.u32 s7, s4  }
0x7: {  	_ =	strace $0x8000004D;
	s9 =	ssub.s32 $0x2, s7;
	s19 =	smul.u32 $0x140000, s7  }
0x8: {  	s6 =	smul.u32 $0x500, s4;
	s4 =	sadd.s32 $0xC800, s5;
	s29 =	sshrl.u32 s9, $0x1  }
0x9: {  	s30 =	sshrl.u32 s8, $0x2;
	s13 =	sadd.s32 $0x4000, s11;
	s14 =	sadd.s32 $0x8000, s11  }
0xa: {  	s15 =	sadd.s32 $0xC000, s11;
	s18 =	sadd.s32 $0x10000, s11;
	s17 =	ssub.s32 s9, s29  }
0xb: {  	s7 =	sadd.s32 s14, s2;
	s8 =	sadd.s32 s15, s2;
	s9 =	sadd.s32 s18, s2  }
0xc: {  	s20 =	sadd.s32 s11, s19;
	s14 =	sadd.s32 s19, s14;
	s15 =	sadd.s32 s19, s15  }
0xd: {  	s18 =	sadd.s32 s19, s18;
	s12 =	sadd.s32 s6, s5;
	s5 =	sadd.s32 s30, s2  }
0xe: {  	s6 =	sadd.s32 s13, s2;
	s13 =	sadd.s32 s19, s13;
	s31 =	sshrl.u32 s20, $0x3  }
0xf: {  	s14 =	sshrl.u32 s14, $0x3;
	s15 =	sshrl.u32 s15, $0x3;
	s18 =	sshrl.u32 s18, $0x3  }
0x10: {  	s17 =	smax.u32 s17, $0x1;
	s19 =	simm.s32 $0x2;
	s20 =	simm.s32 $0x2800  }
0x11: {  	s10 =	sadd.s32 $0x5C800, s12;
	s11 =	sadd.s32 $0x2800, s12;
	s13 =	sshrl.u32 s13, $0x3  }
0x12: {  	s12 =	sadd.s32 s16, s31;
	s14 =	sadd.s32 s16, s14;
	s15 =	sadd.s32 s16, s15  }
0x13: {  	v0 =	vimm.f32 $0.0e+00;
	s13 =	sadd.s32 s16, s13;
	s16 =	sadd.s32 s16, s18;
	s18 =	simm.s32 $0x5000  }
.LBB2_1:
0x14: {  	s24 =	simm.s32 $0x0;
	s25 =	simm.s32 $0x200  }
.LBB2_2:
0x15: {  	p0 =	sne.s32 s25, $0xFE00;
	[tilespmem:s24+$0x5070] =	vst v0  }
0x16: {  	[tilespmem:s24+$0x5000] =	vst v0  }
0x17: {  	[tilespmem:s24+$0x5010] =	vst v0  }
.Ltmp0:
0x18: {  	[tilespmem:s24+$0x5020] =	vst v0;
	(pc) =	sbr.rel @p0 .LBB2_2-.Ltmp0, $4  }
0x19: {  	[tilespmem:s24+$0x5030] =	vst v0  }
0x1a: {  	[tilespmem:s24+$0x5040] =	vst v0  }
0x1b: {  	[tilespmem:s24+$0x5050] =	vst v0  }
0x1c: {  	[tilespmem:s24+$0x5060] =	vst v0;
	s24 =	sshra.s32 s25, $0x2;
	s25 =	sadd.s32 $0x200, s25  }
0x1d: {  	[tilespmem:s24+$0x5070] =	vst v0  }
0x1e: {  	[tilespmem:s24+$0x5000] =	vst v0  }
0x1f: {  	[tilespmem:s24+$0x5010] =	vst v0  }
0x20: {  	[tilespmem:s24+$0x5020] =	vst v0  }
0x21: {  	[tilespmem:s24+$0x5030] =	vst v0  }
0x22: {  	[tilespmem:s24+$0x5040] =	vst v0  }
0x23: {  	[tilespmem:s24+$0x5050] =	vst v0  }
0x24: {  	[tilespmem:s24+$0x5060] =	vst v0  }
0x25: {  	[spmem:s5] =	stream.linear.scatter [tilespmem:s18], [sflag:$0x2], $0x4000, $0x38;
	[tilespmem:$0x1D000] =	vst v63  }
0x26: {  	_ =	swait.ge [sflag:s19], $0x4000  }
0x27: {  	[sflag:s19] =	ssyncset.done $0x0  }
0x28: {  	[sflag:s19] =	ssyncadd.s32 $0xFFFFC000  }
0x29: {  	[spmem:s6] =	stream.linear.scatter [tilespmem:s18], [sflag:$0x2], $0x4000, $0x38;
	[tilespmem:$0x1D000] =	vst v63  }
0x2a: {  	_ =	swait.ge [sflag:s19], $0x4000  }
0x2b: {  	[sflag:s19] =	ssyncset.done $0x0  }
0x2c: {  	[sflag:s19] =	ssyncadd.s32 $0xFFFFC000  }
0x2d: {  	[spmem:s7] =	stream.linear.scatter [tilespmem:s18], [sflag:$0x2], $0x4000, $0x38;
	[tilespmem:$0x1D000] =	vst v63  }
0x2e: {  	_ =	swait.ge [sflag:s19], $0x4000  }
0x2f: {  	[sflag:s19] =	ssyncset.done $0x0  }
0x30: {  	[sflag:s19] =	ssyncadd.s32 $0xFFFFC000  }
0x31: {  	[spmem:s8] =	stream.linear.scatter [tilespmem:s18], [sflag:$0x2], $0x4000, $0x38;
	[tilespmem:$0x1D000] =	vst v63  }
0x32: {  	_ =	swait.ge [sflag:s19], $0x4000  }
0x33: {  	[sflag:s19] =	ssyncset.done $0x0  }
0x34: {  	[sflag:s19] =	ssyncadd.s32 $0xFFFFC000  }
0x35: {  	[spmem:s9] =	stream.linear.scatter [tilespmem:s18], [sflag:$0x2], $0x4000, $0x38;
	[tilespmem:$0x1D000] =	vst v63  }
0x36: {  	_ =	swait.ge [sflag:s19], $0x4000  }
0x37: {  	[sflag:s19] =	ssyncset.done $0x0  }
0x38: {  	[sflag:s19] =	ssyncadd.s32 $0xFFFFC000  }
0x39: {  	s29 =	simm.s32 $0x0;
	[bflag:$0x0] =	sbarrier.arrive $0xFFFF  }
0x3a: {  	[tilespmem:s29], [sflag:$0x2] =	stream.linear.gather [hbm4b:s10+s29], $0x2780, $0x38;
	[tilespmem:$0x1D000] =	vst v63  }
0x3b: {  	_ =	swait.ge [sflag:s19], $0x2780  }
0x3c: {  	[sflag:s19] =	ssyncset.done $0x0  }
0x3d: {  	[sflag:s19] =	ssyncadd.s32 $0xFFFFD880  }
0x3e: {  	[tilespmem:s20], [sflag:$0x2] =	stream.linear.gather [hbm4b:s11+s29], $0x2780, $0x38;
	[tilespmem:$0x1D000] =	vst v63  }
0x3f: {  	_ =	swait.ge [sflag:s19], $0x2780  }
0x40: {  	[sflag:s19] =	ssyncset.done $0x0  }
0x41: {  	s30 =	simm.s32 $0x0;
	[sflag:s19] =	ssyncadd.s32 $0xFFFFD880  }
0x42: {  	[tilespmem:s18], [sflag:$0x1] =	stream.indirect.gather [hbm4b:s4+s21], $0x80, s30, s21, $0xb8;
	[tilespmem:$0x1D000] =	vst v63  }
0x43: {  	_ =	swait.ge [sflag:s22], $0x4000  }
0x44: {  	[sflag:s22] =	ssyncset.done $0x0  }
0x45: {  	s31 =	simm.s32 $0x2800;
	[sflag:s22] =	ssyncadd.s32 $0xFFFFC000  }
0x46: {  	[spmem:s2] =	stream.indirect.scatter.add.f32 [tilespmem:s18], [sflag:$0x2], $0x80, s31, s21, $0xb8;
	[tilespmem:$0x1D000] =	vst v63  }
0x47: {  	_ =	swait.ge [sflag:s19], $0x4000  }
0x48: {  	s24 =	simm.s32 $0x200;
	s25 =	simm.s32 $0x400;
	[sflag:s19] =	ssyncset.done $0x0  }
.LBB2_4:
0x49: {  	s26 =	sshra.s32 s24, $0x2  }
0x4a: {  	[sflag:s19] =	ssyncadd.s32 $0xFFFFC000;
	s24 =	smov.u32 s25;
	s28 =	sadd.s32 $0x200, s25  }
0x4b: {  	[tilespmem:s18], [sflag:$0x1] =	stream.indirect.gather [hbm4b:s4+s21], $0x80, s26, s21, $0xb8;
	[tilespmem:$0x1D000] =	vst v63  }
0x4c: {  	p0 =	sne.s32 s25, $0x9C00;
	_ =	swait.ge [sflag:s22], $0x4000  }
.Ltmp1:
0x4d: {  	[sflag:s22] =	ssyncset.done $0x0;
	(pc) =	sbr.rel @p0 .LBB2_4-.Ltmp1, $4  }
0x4e: {  	s25 =	sadd.s32 $0x2800, s26;
	[sflag:s22] =	ssyncadd.s32 $0xFFFFC000  }
0x4f: {  	[spmem:s2] =	stream.indirect.scatter.add.f32 [tilespmem:s18], [sflag:$0x2], $0x80, s25, s21, $0xb8;
	[tilespmem:$0x1D000] =	vst v63  }
0x50: {  	_ =	swait.ge [sflag:s19], $0x4000  }
0x51: {  	s25 =	smov.u32 s28;
	[sflag:s19] =	ssyncset.done $0x0  }
0x52: {  	s24 =	sshra.s32 s24, $0x2;
	[sflag:s19] =	ssyncadd.s32 $0xFFFFC000  }
0x53: {  	[tilespmem:s18], [sflag:$0x1] =	stream.indirect.gather [hbm4b:s4+s21], $0x80, s24, s21, $0xb8;
	[tilespmem:$0x1D000] =	vst v63  }
0x54: {  	_ =	swait.ge [sflag:s22], $0x4000  }
0x55: {  	[sflag:s22] =	ssyncset.done $0x0  }
0x56: {  	s24 =	sadd.s32 $0x2800, s24;
	[sflag:s22] =	ssyncadd.s32 $0xFFFFC000  }
0x57: {  	[spmem:s2] =	stream.indirect.scatter.add.f32 [tilespmem:s18], [sflag:$0x2], $0x80, s24, s21, $0xb8;
	[tilespmem:$0x1D000] =	vst v63  }
0x58: {  	_ =	swait.ge [sflag:s19], $0x4000  }
0x59: {  	[sflag:s19] =	ssyncset.done $0x0  }
0x5a: {  	[sflag:s19] =	ssyncadd.s32 $0xFFFFC000  }
0x5b: {  	[bflag:$0x0] =	sbarrier.arrive $0xFFFF  }
0x5c: {  	[tilespmem:s18], [sflag:$0x2] =	stream.linear.gather [spmem:s5], $0x4000, $0x38;
	[tilespmem:$0x1D000] =	vst v63  }
0x5d: {  	_ =	swait.ge [sflag:s19], $0x4000  }
0x5e: {  	[sflag:s19] =	ssyncset.done $0x0  }
0x5f: {  	[sflag:s19] =	ssyncadd.s32 $0xFFFFC000  }
0x60: {  	[hbm4b:s12+s3] =	stream.linear.scatter [tilespmem:s18], [sflag:$0x2], $0x4000, $0x38;
	[tilespmem:$0x1D000] =	vst v63  }
0x61: {  	_ =	swait.ge [sflag:s19], $0x4000  }
0x62: {  	[sflag:s19] =	ssyncset.done $0x0  }
0x63: {  	[sflag:s19] =	ssyncadd.s32 $0xFFFFC000  }
0x64: {  	[tilespmem:s18], [sflag:$0x2] =	stream.linear.gather [spmem:s6], $0x4000, $0x38;
	[tilespmem:$0x1D000] =	vst v63  }
0x65: {  	_ =	swait.ge [sflag:s19], $0x4000  }
0x66: {  	[sflag:s19] =	ssyncset.done $0x0  }
0x67: {  	[sflag:s19] =	ssyncadd.s32 $0xFFFFC000  }
0x68: {  	[hbm4b:s13+s3] =	stream.linear.scatter [tilespmem:s18], [sflag:$0x2], $0x4000, $0x38;
	[tilespmem:$0x1D000] =	vst v63  }
0x69: {  	_ =	swait.ge [sflag:s19], $0x4000  }
0x6a: {  	[sflag:s19] =	ssyncset.done $0x0  }
0x6b: {  	[sflag:s19] =	ssyncadd.s32 $0xFFFFC000  }
0x6c: {  	[tilespmem:s18], [sflag:$0x2] =	stream.linear.gather [spmem:s7], $0x4000, $0x38;
	[tilespmem:$0x1D000] =	vst v63  }
0x6d: {  	_ =	swait.ge [sflag:s19], $0x4000  }
0x6e: {  	[sflag:s19] =	ssyncset.done $0x0  }
0x6f: {  	[sflag:s19] =	ssyncadd.s32 $0xFFFFC000  }
0x70: {  	[hbm4b:s14+s3] =	stream.linear.scatter [tilespmem:s18], [sflag:$0x2], $0x4000, $0x38;
	[tilespmem:$0x1D000] =	vst v63  }
0x71: {  	_ =	swait.ge [sflag:s19], $0x4000  }
0x72: {  	[sflag:s19] =	ssyncset.done $0x0  }
0x73: {  	[sflag:s19] =	ssyncadd.s32 $0xFFFFC000  }
0x74: {  	[tilespmem:s18], [sflag:$0x2] =	stream.linear.gather [spmem:s8], $0x4000, $0x38;
	[tilespmem:$0x1D000] =	vst v63  }
0x75: {  	_ =	swait.ge [sflag:s19], $0x4000  }
0x76: {  	[sflag:s19] =	ssyncset.done $0x0  }
0x77: {  	[sflag:s19] =	ssyncadd.s32 $0xFFFFC000  }
0x78: {  	[hbm4b:s15+s3] =	stream.linear.scatter [tilespmem:s18], [sflag:$0x2], $0x4000, $0x38;
	[tilespmem:$0x1D000] =	vst v63  }
0x79: {  	_ =	swait.ge [sflag:s19], $0x4000  }
0x7a: {  	[sflag:s19] =	ssyncset.done $0x0  }
0x7b: {  	[sflag:s19] =	ssyncadd.s32 $0xFFFFC000  }
0x7c: {  	[tilespmem:s18], [sflag:$0x2] =	stream.linear.gather [spmem:s9], $0x4000, $0x38;
	[tilespmem:$0x1D000] =	vst v63  }
0x7d: {  	s23 =	sadd.s32 $0x1, s23;
	_ =	swait.ge [sflag:s19], $0x4000  }
0x7e: {  	p0 =	sne.s32 s23, s17;
	[sflag:s19] =	ssyncset.done $0x0  }
.Ltmp2:
0x7f: {  	[sflag:s19] =	ssyncadd.s32 $0xFFFFC000;
	(pc) =	sbr.rel @p0 .LBB2_1-.Ltmp2, $4  }
0x80: {  	[hbm4b:s16+s3] =	stream.linear.scatter [tilespmem:s18], [sflag:$0x2], $0x4000, $0x38;
	[tilespmem:$0x1D000] =	vst v63  }
0x81: {  	_ =	swait.ge [sflag:s19], $0x4000  }
0x82: {  	[sflag:s19] =	ssyncset.done $0x0  }
0x83: {  	[sflag:s19] =	ssyncadd.s32 $0xFFFFC000  }
0x84: {  	_ =	sfence.sel $0x180000  }
0x85: {  	[bflag:$0x0] =	sbarrier.arrive $0xFFFF  }
0x86: {  	p0 =	sne.s32 s0, $0x0;
	_ =	strace $0x9000004D  }
0x87: {  	s0 =	sadd.s32 @!p0 $0x100000, s1;
	[bflag:$0x2] =	sbarrier.arrive $0xFFFF  }
0x88: {  	[sflag:s0] =	ssyncadd.tile.s32 @!p0 $0x1;
	_ =	shalt  }
.Lfunc_end2:
_tile_overlayer_lowered:
.L_overlay_start_2:
0x89: {  	(tag) =	ssettag $0x2  }
0x8a: {  	s0 =	rddreg [dreg:$0x0];
	s2 =	stileid.u32  }
0x8b: {  	s1 =	rddreg [dreg:$0x1];
	p0 =	sne.s32 s2, $0x0  }
0x8c: {  	s3 =	rddreg [dreg:$0x2];
	[bflag:$0x3] =	sbarrier.arrive $0xFFFF;
	s2 =	simm.s32 @!p0 $0x1C02  }
0x8d: {  	[timem:s3], [sflag:s2] =	dma.local @!p0 [hbm:s0], s1  }
0x8e: {  	s0 =	simm.s32 @!p0 $0x2  }
0x8f: {  	_ =	swait.ge @!p0 [sflag:s0], s1  }
0x90: {  	s1 =	ssub.s32 @!p0 $0x0, s1;
	[sflag:s0] =	ssyncset.done @!p0 $0x0  }
0x91: {  	[sflag:s0] =	ssyncadd.s32 @!p0 s1  }
0x92: {  	[bflag:$0x3] =	sbarrier.arrive $0xFFFF  }
0x93: {  	_ =	shalt  }

// kernel: kernel.8.cloned.1.call-start
scs
__scs_entry_jumppad:
0x0: {  	(pc) =	sbr.rel $0x88, $3  }
0x1: {  	(tag) =	ssettag $0x0;
	lr =	simm.s32 $0x1  }
0x2: {  	[smem:$0x3F99] =	sst lr;
	_ =	strace $0xD0000000  }
0x3: {  	_ = 	snop  }
0x4: {  	_ = 	snop  }
0x5: {  	_ = 	snop  }
0x6: {  	_ = 	snop  }
0x7: {  	_ = 	snop  }
__scs_overlays_trampoline_lowered:
0x8: {  	[smem:$0x3FA8] =	sst s0  }
0x9: {  	[smem:$0x3FA9] =	sst s1  }
0xa: {  	[smem:$0x3FAA] =	sst s2  }
0xb: {  	[smem:$0x3FAB] =	sst s3  }
0xc: {  	[smem:$0x3FAC] =	sst s4  }
0xd: {  	[smem:$0x3FAD] =	sst s5  }
0xe: {  	[smem:$0x3FAE] =	sst s6  }
0xf: {  	[smem:$0x3FAF] =	sst s7  }
0x10: {  	[smem:$0x3FB0] =	sst s8  }
0x11: {  	[smem:$0x3FB1] =	sst s9;
	s0 =	simm.s32 @!p0 $0x0  }
0x12: {  	s1 =	sld [smem:$0x3F97];
	s0 =	simm.s32 @p0 $0x1  }
0x13: {  	[smem:$0x3FB2] =	sst s0;
	s0 =	simm.s32 @!p1 $0x0  }
0x14: {  	s2 =	sld [smem:$0x3F96];
	s0 =	simm.s32 @p1 $0x1  }
0x15: {  	[smem:$0x3FB3] =	sst s0;
	s0 =	simm.s32 @!p2 $0x0  }
0x16: {  	s3 =	sld [smem:$0x3FDB];
	s0 =	simm.s32 @p2 $0x1  }
0x17: {  	s4 =	simm.s32 $0x1BF5;
	[smem:$0x3FB5] =	sst s0  }
0x18: {  	s0 =	sld [smem:$0x3F98];
	_ =	swait.ge [sflag:s4], $0x0  }
0x19: {  	s7 =	sld [smem:$0x3F99]  }
0x1a: {  	s8 =	sadd.s32 $0xFFFFE003, lr  }
0x1b: {  	s9 =	sadd.s32 $0xFFFFFEF7, lr;
	s5 =	simm.s32 $0xFFFFFFFF;
	p2 =	slt.u32 s8, $0xFFFFF086  }
0x1c: {  	p1 =	slt.u32 s9, $0xF7A;
	s5 =	simm.s32 @!p2 $0x0  }
0x1d: {  	s5 =	simm.s32 @p1 $0x1;
	p0 =	seq.s32 s7, s2  }
0x1e: {  	s7 =	smul.u32 @!p0 $0xF7A, s2;
	p2 =	seq.s32 @!p0 s5, $0x0  }
0x1f: {  	s9 =	smul.u32 $0xF7A, s1;
	s8 =	simm.s32 @!p0 $0x1BF5;
	p2 =	por !p2, p0  }
0x20: {  	[sflag:s8] =	ssyncset.s32 @!p0 $0xFFFFF086;
	s6 =	sadd.s32 @!p0 s3, s7;
	s7 =	simm.s32 @!p0 $0x108  }
0x21: {  	s3 =	sadd.s32 s3, s9;
	s6 =	sadd.s32 @!p0 $0x88, s6;
	s7 =	simm.s32 @p2 $0x1082  }
0x22: {  	[simem:s7], [sflag:s8] =	dma.local @!p0 [hbm:s6], $0xF7A  }
0x23: {  	s9 =	sor.u32 $0xD0000000, s2;
	s6 =	simm.s32 $0x108;
	_ =	swait.ge @!p0 [sflag:s8], $0x0  }
0x24: {  	s3 =	sadd.s32 $0x88, s3;
	s6 =	simm.s32 @!p1 $0x1082;
	[sflag:s4] =	ssyncset.s32 $0xFFFFF086  }
0x25: {  	[simem:s6], [sflag:s4] =	dma.local [hbm:s3], $0xF7A  }
0x26: {  	[smem:$0x3F99] =	sst s1;
	(tag) =	ssettag s2;
	_ =	strace s9  }
0x27: {  	s1 =	sld [smem:$0x3FA9]  }
0x28: {  	s2 =	sld [smem:$0x3FAA]  }
0x29: {  	s4 =	sld [smem:$0x3FAC]  }
0x2a: {  	p0 =	seq.s32 s5, $0x0;
	s5 =	sld [smem:$0x3FAD]  }
0x2b: {  	s6 =	sld [smem:$0x3FAE]  }
0x2c: {  	s7 =	sld [smem:$0x3FAF]  }
0x2d: {  	s3 =	simm.s32 $0x108;
	s8 =	sld [smem:$0x3FB0]  }
0x2e: {  	s3 =	simm.s32 @!p0 $0x1082;
	s9 =	sld [smem:$0x3FB1]  }
0x2f: {  	lr =	sadd.s32 s0, s3;
	s0 =	sld [smem:$0x3FA8]  }
0x30: {  	s3 =	sld [smem:$0x3FAB]  }
0x31: {  	[smem:$0x3FB4] =	sst s10  }
0x32: {  	s10 =	sld [smem:$0x3FB2];
	_ =	sdelay $0x3  }
0x33: {  	p0 =	seq.s32 s10, $0x1;
	s10 =	sld [smem:$0x3FB4];
	_ =	sdelay $0x3  }
0x34: {  	[smem:$0x3FB4] =	sst s10  }
0x35: {  	s10 =	sld [smem:$0x3FB3];
	_ =	sdelay $0x3  }
0x36: {  	p1 =	seq.s32 s10, $0x1;
	s10 =	sld [smem:$0x3FB4];
	_ =	sdelay $0x3  }
0x37: {  	[smem:$0x3FB4] =	sst s10  }
0x38: {  	s10 =	sld [smem:$0x3FB5]  }
0x39: {  	_ = 	snop;
	(pc) =	sbr.ind lr, $3  }
0x3a: {  	_ = 	snop  }
0x3b: {  	_ = 	snop  }
0x3c: {  	p2 =	seq.s32 s10, $0x1;
	s10 =	sld [smem:$0x3FB4]  }
0x3d: {  	_ =	shalt  }
0x3e: {  	_ =	shalt  }
0x3f: {  	_ =	shalt  }
0x40: {  	_ =	shalt  }
0x41: {  	_ =	shalt  }
0x42: {  	_ =	shalt  }
0x43: {  	_ =	shalt  }
0x44: {  	_ =	shalt  }
0x45: {  	_ =	shalt  }
0x46: {  	_ =	shalt  }
0x47: {  	_ =	shalt  }
0x48: {  	_ =	shalt  }
0x49: {  	_ =	shalt  }
0x4a: {  	_ =	shalt  }
0x4b: {  	_ =	shalt  }
0x4c: {  	_ =	shalt  }
0x4d: {  	_ =	shalt  }
0x4e: {  	_ =	shalt  }
0x4f: {  	_ =	shalt  }
0x50: {  	_ =	shalt  }
0x51: {  	_ =	shalt  }
0x52: {  	_ =	shalt  }
0x53: {  	_ =	shalt  }
0x54: {  	_ =	shalt  }
0x55: {  	_ =	shalt  }
0x56: {  	_ =	shalt  }
0x57: {  	_ =	shalt  }
0x58: {  	_ =	shalt  }
0x59: {  	_ =	shalt  }
0x5a: {  	_ =	shalt  }
0x5b: {  	_ =	shalt  }
0x5c: {  	_ =	shalt  }
0x5d: {  	_ =	shalt  }
0x5e: {  	_ =	shalt  }
0x5f: {  	_ =	shalt  }
0x60: {  	_ =	shalt  }
0x61: {  	_ =	shalt  }
0x62: {  	_ =	shalt  }
0x63: {  	_ =	shalt  }
0x64: {  	_ =	shalt  }
0x65: {  	_ =	shalt  }
0x66: {  	_ =	shalt  }
0x67: {  	_ =	shalt  }
0x68: {  	_ =	shalt  }
0x69: {  	_ =	shalt  }
0x6a: {  	_ =	shalt  }
0x6b: {  	_ =	shalt  }
0x6c: {  	_ =	shalt  }
0x6d: {  	_ =	shalt  }
0x6e: {  	_ =	shalt  }
0x6f: {  	_ =	shalt  }
0x70: {  	_ =	shalt  }
0x71: {  	_ =	shalt  }
0x72: {  	_ =	shalt  }
0x73: {  	_ =	shalt  }
0x74: {  	_ =	shalt  }
0x75: {  	_ =	shalt  }
0x76: {  	_ =	shalt  }
0x77: {  	_ =	shalt  }
0x78: {  	_ =	shalt  }
0x79: {  	_ =	shalt  }
0x7a: {  	_ =	shalt  }
0x7b: {  	_ =	shalt  }
0x7c: {  	_ =	shalt  }
0x7d: {  	_ =	shalt  }
0x7e: {  	_ =	shalt  }
0x7f: {  	_ =	shalt  }
0x80: {  	_ =	shalt  }
0x81: {  	_ =	shalt  }
0x82: {  	_ =	shalt  }
0x83: {  	_ =	shalt  }
0x84: {  	_ =	shalt  }
0x85: {  	_ =	shalt  }
0x86: {  	_ =	shalt  }
0x87: {  	_ =	shalt  }
.Lfunc_end0:
.L_simem_size_0:
called_computation_lowered:
.L_overlay_start_0:
0x88: {  	s2 =	sld [smem:$0x3FD9]  }
0x89: {  	s3 =	sld [smem:$0x3FFE];
	_ =	sdelay $0x1  }
0x8a: {  	s1 =	srdreg.scid  }
0x8b: {  	s0 =	sand.u32 $0x1, s1  }
0x8c: {  	s16 =	sshll.u32 s0, $0xA;
	s2 =	sadd.s32 s3, s2  }
0x8d: {  	s2 =	sadd.s32 s2, s16  }
0x8e: {  	[smem:$0x3FC0] =	sst s2  }
0x8f: {  	_ = 	snop  }
0x90: {  	(tm) =	ssettm $0x1  }
0x91: {  	s17 =	sld [smem:$0x3FFB];
	_ =	sdelay $0x3  }
0x92: {  	_ =	strace s17  }
0x93: {  	s2 =	sld [smem:$0x3FFC];
	_ =	sdelay $0x3  }
0x94: {  	_ =	strace s2  }
0x95: {  	s2 =	sld [smem:$0x3FFD];
	_ =	sdelay $0x3  }
0x96: {  	_ =	strace s2  }
0x97: {  	_ =	strace $0x8FFFFFFF  }
0x98: {  	s18 =	sld [smem:$0x3FDB];
	_ =	sdelay $0x1  }
0x99: {  	s19 =	simm.s32 $_scs_section_size  }
0x9a: {  	s4 =	simm.s32 $_size__tile_overlayer_lowered;
	s5 =	simm.s32 $_tile_overlayer_lowered  }
0x9b: {  	s22 =	simm.s32 $0x1BFF;
	s21 =	sshll.u32 s5, $0x1;
	s2 =	sadd.s32 s19, s18  }
0x9c: {  	s6 =	simm.s32 $0x0;
	s20 =	sshll.u32 s4, $0x1;
	s4 =	sadd.s32 s21, s2  }
0x9d: {  	[timem:s6], [sflag:s22] =	dma.local [hbm:s4], s20  }
0x9e: {  	_ =	swait.ge [sflag:s22], s20  }
0x9f: {  	s3 =	ssub.s32 $0x0, s20;
	[sflag:s22] =	ssyncset.done $0x0  }
0xa0: {  	[sflag:s22] =	ssyncadd.s32 s3;
	_ =	sdelay $0x1  }
0xa1: {  	s23 =	simm.s32 $0x1B8B  }
0xa2: {  	_ =	swait.ge [sflag:s23], $0x1  }
0xa3: {  	[sflag:s23] =	ssyncset.done $0x0  }
0xa4: {  	s25 =	simm.s32 $0x1B8E;
	s24 =	sld [smem:$0x3FFE];
	[sflag:s23] =	ssyncadd.s32 $0xFFFFFFFF  }
0xa5: {  	s26 =	simm.s32 $execute0_lowered;
	[smem:$0x3FD2] =	sst s25  }
0xa6: {  	s4 =	sshll.u32 s26, $0x1;
	_ =	strace $0x80000046;
	[dreg:$0x1] =	wrdreg $0xFFFFFFFF  }
0xa7: {  	s28 =	simm.s32 $_size_execute0_lowered;
	s2 =	sadd.s32 s2, s4;
	[dreg:$0x0] =	wrdreg $0x0  }
0xa8: {  	s4 =	sshll.u32 s28, $0x1;
	[dreg:$0x2] =	wrdreg s2  }
0xa9: {  	[dreg:$0x3] =	wrdreg s4  }
0xaa: {  	[dreg:$0x4] =	wrdreg $0xC0  }
0xab: {  	_ =	task [dreg:s6], $0x5FFFF  }
0xac: {  	[dreg:$0x1] =	wrdreg $0xFFFFFFFF  }
0xad: {  	[dreg:$0x0] =	wrdreg $0x60  }
0xae: {  	[dreg:$0x2] =	wrdreg s24  }
0xaf: {  	[dreg:$0x3] =	wrdreg $0x68000  }
0xb0: {  	[dreg:$0x4] =	wrdreg $0x9  }
0xb1: {  	_ =	task.clear_ibuf [dreg:s6], $0x5FFFF;
	_ =	strace $0x90000046  }
0xb2: {  	s29 =	simm.s32 $0x9;
	_ =	strace $0x80000048  }
0xb3: {  	_ =	swait.ge [sflag:s29], $0x1  }
0xb4: {  	[sflag:s29] =	ssyncadd.s32 $0xFFFFFFFF  }
0xb5: {  	_ =	strace $0x90000048  }
0xb6: {  	_ =	sfence  }
0xb7: {  	s30 =	sld [smem:$0x0];
	_ =	sdelay $0x2  }
0xb8: {  	s31 =	sshll.u32 s1, $0xD;
	s1 =	sshrl.u32 s1, $0x2  }
0xb9: {  	s3 =	sand.u32 $0x4000, s31;
	s1 =	sadd.s32 s1, s30  }
0xba: {  	s0 =	sor.u32 s3, s0;
	s1 =	sshll.u32 s1, $0x11  }
0xbb: {  	s0 =	sor.u32 s1, s0  }
0xbc: {  	s0 =	sadd.s32 $0x8F2B, s0  }
0xbd: {  	[sflag:s0] =	ssyncadd.remote.s32 $0x1  }
0xbe: {  	_ =	sfence.sel $0xFFFF  }
0xbf: {  	[dreg:$0x0] =	wrdreg $0xFFFFFFFF;
	(pc) =	sbr.abs _section_cstart, $3  }
0xc0: {  	[dreg:$0x1] =	wrdreg $0xFFFFFFFF  }
0xc1: {  	_ =	task.clear_ibuf [dreg:s6], $0x2FFFF;
	_ =	strace $0x9FFFFFFF  }
0xc2: {  	(tm) =	ssettm $0x7FFFFFFF  }
0xc3: {  	_ =	shalt  }
tec
execute0_lowered:
.L_overlay_start_1:
0x0: {  	(tag) =	ssettag $0x1  }
0x1: {  	s1 =	srdreg.scid  }
0x2: {  	s0 =	stileid.u32;
	s4 =	rddreg [dreg:$0x0]  }
0x3: {  	s2 =	rddreg [dreg:$0x1];
	s3 =	simm.s32 $0x0;
	s18 =	simm.s32 $0x80  }
0x4: {  	s19 =	simm.s32 $0x0;
	s5 =	sand.u32 $0x1, s1;
	s1 =	rddreg [dreg:$0x2]  }
0x5: {  	s29 =	sshll.u32 s0, $0x1;
	[smem:$0x7FF] =	sst s3;
	s7 =	smul.u32 $0x50000, s0  }
0x6: {  	s10 =	smul.u32 $0x14000, s0;
	s14 =	sadd.s32 $0xC800, s4;
	s6 =	sor.u32 s5, s29  }
0x7: {  	_ =	strace $0x80000047;
	s30 =	ssub.s32 $0x2, s5;
	s13 =	smul.u32 $0x140000, s5  }
0x8: {  	s6 =	smul.u32 $0x500, s6;
	s8 =	sshrl.u32 s30, $0x1;
	s7 =	sshrl.u32 s7, $0x2  }
0x9: {  	s11 =	sadd.s32 $0x4000, s10;
	s12 =	sadd.s32 $0x8000, s10;
	s16 =	sadd.s32 $0xC000, s10  }
0xa: {  	s17 =	sadd.s32 $0x10000, s10;
	s15 =	ssub.s32 s30, s8;
	s5 =	sadd.s32 s11, s2  }
0xb: {  	s10 =	sadd.s32 s10, s13;
	s8 =	sadd.s32 s17, s2;
	s11 =	sadd.s32 s13, s11  }
0xc: {  	s17 =	sadd.s32 s13, s17;
	s9 =	sadd.s32 s6, s4;
	s4 =	sadd.s32 s7, s2  }
0xd: {  	s6 =	sadd.s32 s12, s2;
	s7 =	sadd.s32 s16, s2;
	s10 =	sshrl.u32 s10, $0x3  }
0xe: {  	s11 =	sshrl.u32 s11, $0x3;
	s12 =	sadd.s32 s13, s12;
	s16 =	sadd.s32 s13, s16  }
0xf: {  	s31 =	sshrl.u32 s17, $0x3;
	s15 =	smax.u32 s15, $0x1;
	s17 =	simm.s32 $0x1  }
0x10: {  	s9 =	sadd.s32 $0x2800, s9;
	s10 =	sadd.s32 s14, s10;
	s12 =	sshrl.u32 s12, $0x3  }
0x11: {  	s11 =	sadd.s32 s14, s11;
	s16 =	sshrl.u32 s16, $0x3;
	s12 =	sadd.s32 s14, s12  }
0x12: {  	v0 =	vimm.f32 $0.0e+00;
	v1 =	vimm.f32 $1.000000000e+00;
	s13 =	sadd.s32 s14, s16;
	s14 =	sadd.s32 s14, s31;
	s16 =	simm.s32 $0x2800  }
.LBB2_1:
0x13: {  	s20 =	simm.s32 $0x0;
	s21 =	simm.s32 $0x200  }
.LBB2_2:
0x14: {  	p0 =	sne.s32 s21, $0xFE00;
	[tilespmem:s20+$0x2870] =	vst v0  }
0x15: {  	[tilespmem:s20+$0x2800] =	vst v0  }
0x16: {  	[tilespmem:s20+$0x2810] =	vst v0  }
.Ltmp0:
0x17: {  	[tilespmem:s20+$0x2820] =	vst v0;
	(pc) =	sbr.rel @p0 .LBB2_2-.Ltmp0, $4  }
0x18: {  	[tilespmem:s20+$0x2830] =	vst v0  }
0x19: {  	[tilespmem:s20+$0x2840] =	vst v0  }
0x1a: {  	[tilespmem:s20+$0x2850] =	vst v0  }
0x1b: {  	[tilespmem:s20+$0x2860] =	vst v0;
	s20 =	sshra.s32 s21, $0x2;
	s21 =	sadd.s32 $0x200, s21  }
0x1c: {  	[tilespmem:s20+$0x2870] =	vst v0  }
0x1d: {  	[tilespmem:s20+$0x2800] =	vst v0  }
0x1e: {  	[tilespmem:s20+$0x2810] =	vst v0  }
0x1f: {  	[tilespmem:s20+$0x2820] =	vst v0  }
0x20: {  	[tilespmem:s20+$0x2830] =	vst v0  }
0x21: {  	[tilespmem:s20+$0x2840] =	vst v0  }
0x22: {  	[tilespmem:s20+$0x2850] =	vst v0  }
0x23: {  	[tilespmem:s20+$0x2860] =	vst v0  }
0x24: {  	[spmem:s4] =	stream.linear.scatter [tilespmem:s16], [sflag:$0x1], $0x4000, $0x38;
	[tilespmem:$0x1A800] =	vst v63  }
0x25: {  	_ =	swait.ge [sflag:s17], $0x4000  }
0x26: {  	[sflag:s17] =	ssyncset.done $0x0  }
0x27: {  	[sflag:s17] =	ssyncadd.s32 $0xFFFFC000  }
0x28: {  	[spmem:s5] =	stream.linear.scatter [tilespmem:s16], [sflag:$0x1], $0x4000, $0x38;
	[tilespmem:$0x1A800] =	vst v63  }
0x29: {  	_ =	swait.ge [sflag:s17], $0x4000  }
0x2a: {  	[sflag:s17] =	ssyncset.done $0x0  }
0x2b: {  	[sflag:s17] =	ssyncadd.s32 $0xFFFFC000  }
0x2c: {  	[spmem:s6] =	stream.linear.scatter [tilespmem:s16], [sflag:$0x1], $0x4000, $0x38;
	[tilespmem:$0x1A800] =	vst v63  }
0x2d: {  	_ =	swait.ge [sflag:s17], $0x4000  }
0x2e: {  	[sflag:s17] =	ssyncset.done $0x0  }
0x2f: {  	[sflag:s17] =	ssyncadd.s32 $0xFFFFC000  }
0x30: {  	[spmem:s7] =	stream.linear.scatter [tilespmem:s16], [sflag:$0x1], $0x4000, $0x38;
	[tilespmem:$0x1A800] =	vst v63  }
0x31: {  	_ =	swait.ge [sflag:s17], $0x4000  }
0x32: {  	[sflag:s17] =	ssyncset.done $0x0  }
0x33: {  	[sflag:s17] =	ssyncadd.s32 $0xFFFFC000  }
0x34: {  	[spmem:s8] =	stream.linear.scatter [tilespmem:s16], [sflag:$0x1], $0x4000, $0x38;
	[tilespmem:$0x1A800] =	vst v63  }
0x35: {  	_ =	swait.ge [sflag:s17], $0x4000  }
0x36: {  	[sflag:s17] =	ssyncset.done $0x0  }
0x37: {  	s20 =	simm.s32 $0x0;
	s21 =	simm.s32 $0x200;
	[sflag:s17] =	ssyncadd.s32 $0xFFFFC000  }
.LBB2_4:
0x38: {  	p0 =	sne.s32 s21, $0xFE00;
	[tilespmem:s20+$0x2870] =	vst v1  }
0x39: {  	[tilespmem:s20+$0x2800] =	vst v1  }
0x3a: {  	[tilespmem:s20+$0x2810] =	vst v1  }
.Ltmp1:
0x3b: {  	[tilespmem:s20+$0x2820] =	vst v1;
	(pc) =	sbr.rel @p0 .LBB2_4-.Ltmp1, $4  }
0x3c: {  	[tilespmem:s20+$0x2830] =	vst v1  }
0x3d: {  	[tilespmem:s20+$0x2840] =	vst v1  }
0x3e: {  	[tilespmem:s20+$0x2850] =	vst v1  }
0x3f: {  	[tilespmem:s20+$0x2860] =	vst v1;
	s20 =	sshra.s32 s21, $0x2;
	s21 =	sadd.s32 $0x200, s21  }
0x40: {  	[tilespmem:s20+$0x2870] =	vst v1  }
0x41: {  	[tilespmem:s20+$0x2800] =	vst v1  }
0x42: {  	[tilespmem:s20+$0x2810] =	vst v1  }
0x43: {  	[tilespmem:s20+$0x2820] =	vst v1  }
0x44: {  	[tilespmem:s20+$0x2830] =	vst v1  }
0x45: {  	[tilespmem:s20+$0x2840] =	vst v1  }
0x46: {  	[tilespmem:s20+$0x2850] =	vst v1  }
0x47: {  	[tilespmem:s20+$0x2860] =	vst v1  }
0x48: {  	s30 =	simm.s32 $0x0;
	[bflag:$0x0] =	sbarrier.arrive $0xFFFF  }
0x49: {  	[tilespmem:s30], [sflag:$0x1] =	stream.linear.gather [hbm4b:s9+s30], $0x2780, $0x38;
	[tilespmem:$0x1A800] =	vst v63  }
0x4a: {  	_ =	swait.ge [sflag:s17], $0x2780  }
0x4b: {  	[sflag:s17] =	ssyncset.done $0x0  }
0x4c: {  	s31 =	simm.s32 $0x0;
	[sflag:s17] =	ssyncadd.s32 $0xFFFFD880  }
0x4d: {  	[spmem:s2] =	stream.indirect.scatter.add.f32 [tilespmem:s16], [sflag:$0x1], $0x80, s31, s18, $0xb8;
	[tilespmem:$0x1A800] =	vst v63  }
0x4e: {  	_ =	swait.ge [sflag:s17], $0x4000  }
0x4f: {  	s20 =	simm.s32 $0x200;
	[sflag:s17] =	ssyncset.done $0x0  }
.LBB2_6:
0x50: {  	s21 =	sshra.s32 s20, $0x2;
	[sflag:s17] =	ssyncadd.s32 $0xFFFFC000;
	p0 =	sne.s32 s20, $0x9C00  }
0x51: {  	[spmem:s2] =	stream.indirect.scatter.add.f32 [tilespmem:s16], [sflag:$0x1], $0x80, s21, s18, $0xb8;
	[tilespmem:$0x1A800] =	vst v63  }
.Ltmp2:
0x52: {  	_ = 	snop;
	(pc) =	sbr.rel @p0 .LBB2_6-.Ltmp2, $4  }
0x53: {  	_ = 	snop  }
0x54: {  	s20 =	sadd.s32 $0x200, s20  }
0x55: {  	_ =	swait.ge [sflag:s17], $0x4000  }
0x56: {  	[sflag:s17] =	ssyncset.done $0x0  }
0x57: {  	[sflag:s17] =	ssyncadd.s32 $0xFFFFC000  }
0x58: {  	[bflag:$0x0] =	sbarrier.arrive $0xFFFF  }
0x59: {  	[tilespmem:s16], [sflag:$0x1] =	stream.linear.gather [spmem:s4], $0x4000, $0x38;
	[tilespmem:$0x1A800] =	vst v63  }
0x5a: {  	_ =	swait.ge [sflag:s17], $0x4000  }
0x5b: {  	[sflag:s17] =	ssyncset.done $0x0  }
0x5c: {  	[sflag:s17] =	ssyncadd.s32 $0xFFFFC000  }
0x5d: {  	[hbm4b:s10+s3] =	stream.linear.scatter [tilespmem:s16], [sflag:$0x1], $0x4000, $0x38;
	[tilespmem:$0x1A800] =	vst v63  }
0x5e: {  	_ =	swait.ge [sflag:s17], $0x4000  }
0x5f: {  	[sflag:s17] =	ssyncset.done $0x0  }
0x60: {  	[sflag:s17] =	ssyncadd.s32 $0xFFFFC000  }
0x61: {  	[tilespmem:s16], [sflag:$0x1] =	stream.linear.gather [spmem:s5], $0x4000, $0x38;
	[tilespmem:$0x1A800] =	vst v63  }
0x62: {  	_ =	swait.ge [sflag:s17], $0x4000  }
0x63: {  	[sflag:s17] =	ssyncset.done $0x0  }
0x64: {  	[sflag:s17] =	ssyncadd.s32 $0xFFFFC000  }
0x65: {  	[hbm4b:s11+s3] =	stream.linear.scatter [tilespmem:s16], [sflag:$0x1], $0x4000, $0x38;
	[tilespmem:$0x1A800] =	vst v63  }
0x66: {  	_ =	swait.ge [sflag:s17], $0x4000  }
0x67: {  	[sflag:s17] =	ssyncset.done $0x0  }
0x68: {  	[sflag:s17] =	ssyncadd.s32 $0xFFFFC000  }
0x69: {  	[tilespmem:s16], [sflag:$0x1] =	stream.linear.gather [spmem:s6], $0x4000, $0x38;
	[tilespmem:$0x1A800] =	vst v63  }
0x6a: {  	_ =	swait.ge [sflag:s17], $0x4000  }
0x6b: {  	[sflag:s17] =	ssyncset.done $0x0  }
0x6c: {  	[sflag:s17] =	ssyncadd.s32 $0xFFFFC000  }
0x6d: {  	[hbm4b:s12+s3] =	stream.linear.scatter [tilespmem:s16], [sflag:$0x1], $0x4000, $0x38;
	[tilespmem:$0x1A800] =	vst v63  }
0x6e: {  	_ =	swait.ge [sflag:s17], $0x4000  }
0x6f: {  	[sflag:s17] =	ssyncset.done $0x0  }
0x70: {  	[sflag:s17] =	ssyncadd.s32 $0xFFFFC000  }
0x71: {  	[tilespmem:s16], [sflag:$0x1] =	stream.linear.gather [spmem:s7], $0x4000, $0x38;
	[tilespmem:$0x1A800] =	vst v63  }
0x72: {  	_ =	swait.ge [sflag:s17], $0x4000  }
0x73: {  	[sflag:s17] =	ssyncset.done $0x0  }
0x74: {  	[sflag:s17] =	ssyncadd.s32 $0xFFFFC000  }
0x75: {  	[hbm4b:s13+s3] =	stream.linear.scatter [tilespmem:s16], [sflag:$0x1], $0x4000, $0x38;
	[tilespmem:$0x1A800] =	vst v63  }
0x76: {  	_ =	swait.ge [sflag:s17], $0x4000  }
0x77: {  	[sflag:s17] =	ssyncset.done $0x0  }
0x78: {  	[sflag:s17] =	ssyncadd.s32 $0xFFFFC000  }
0x79: {  	[tilespmem:s16], [sflag:$0x1] =	stream.linear.gather [spmem:s8], $0x4000, $0x38;
	[tilespmem:$0x1A800] =	vst v63  }
0x7a: {  	s19 =	sadd.s32 $0x1, s19;
	_ =	swait.ge [sflag:s17], $0x4000  }
0x7b: {  	p0 =	sne.s32 s19, s15;
	[sflag:s17] =	ssyncset.done $0x0  }
.Ltmp3:
0x7c: {  	[sflag:s17] =	ssyncadd.s32 $0xFFFFC000;
	(pc) =	sbr.rel @p0 .LBB2_1-.Ltmp3, $4  }
0x7d: {  	[hbm4b:s14+s3] =	stream.linear.scatter [tilespmem:s16], [sflag:$0x1], $0x4000, $0x38;
	[tilespmem:$0x1A800] =	vst v63  }
0x7e: {  	_ =	swait.ge [sflag:s17], $0x4000  }
0x7f: {  	[sflag:s17] =	ssyncset.done $0x0  }
0x80: {  	[sflag:s17] =	ssyncadd.s32 $0xFFFFC000  }
0x81: {  	_ =	sfence.sel $0x180000  }
0x82: {  	[bflag:$0x0] =	sbarrier.arrive $0xFFFF  }
0x83: {  	p0 =	sne.s32 s0, $0x0;
	_ =	strace $0x90000047  }
0x84: {  	s0 =	sadd.s32 @!p0 $0x100000, s1;
	[bflag:$0x2] =	sbarrier.arrive $0xFFFF  }
0x85: {  	[sflag:s0] =	ssyncadd.tile.s32 @!p0 $0x1;
	_ =	shalt  }
.Lfunc_end2:
_tile_overlayer_lowered:
.L_overlay_start_2:
0x86: {  	(tag) =	ssettag $0x2  }
0x87: {  	s0 =	rddreg [dreg:$0x0];
	s2 =	stileid.u32  }
0x88: {  	s1 =	rddreg [dreg:$0x1];
	p0 =	sne.s32 s2, $0x0  }
0x89: {  	s3 =	rddreg [dreg:$0x2];
	[bflag:$0x3] =	sbarrier.arrive $0xFFFF;
	s2 =	simm.s32 @!p0 $0x1C01  }
0x8a: {  	[timem:s3], [sflag:s2] =	dma.local @!p0 [hbm:s0], s1  }
0x8b: {  	s0 =	simm.s32 @!p0 $0x1  }
0x8c: {  	_ =	swait.ge @!p0 [sflag:s0], s1  }
0x8d: {  	s1 =	ssub.s32 @!p0 $0x0, s1;
	[sflag:s0] =	ssyncset.done @!p0 $0x0  }
0x8e: {  	[sflag:s0] =	ssyncadd.s32 @!p0 s1  }
0x8f: {  	[bflag:$0x3] =	sbarrier.arrive $0xFFFF  }
0x90: {  	_ =	shalt  }

</sc_bundles>
